<compile_context>
chip_gen: v7x
topology: tpu7x:2x2x1
jax: 0.10.2.dev20260603
libtpu: 0.0.44.dev20260713+nightly
codegen_flags: <defaults>
</compile_context>

<pallas_src>
import functools

import jax
import jax.numpy as jnp
from jax import lax
from jax.experimental import pallas as pl
from jax.experimental.pallas import tpu as pltpu
from jax.experimental.pallas import tpu_sc as plsc

N = 10000
D = 128
H = 64

E = 320000
NC = 2
NS = 16
NW = NC * NS
EPW = E // NW
C = 125
CH = EPW // C
RPT = 624
RTL = N - NS * RPT
CL = 200
CP = EPW // CL
NB = 5
GB = 3
SB = NB - GB
NG = CP // NB

CH0 = E // NS // C
NB0 = 5
GB0 = 3
SB0 = NB0 - GB0
NG0 = CH0 // NB0


def _ring_loop(tbl, src_v, dst_v, rows_v, acc, gsem, ssem, ch, nb, gb, ng,
               cl=None):
    sb = nb - gb

    def idx(v, j):
        return v.at[j] if cl is None else v.at[pl.ds(j * cl, cl)]

    for b in range(gb):
        pltpu.async_copy(tbl.at[idx(src_v, b)], rows_v.at[b], gsem[b])
    plsc.subcore_barrier()

    def group(g, carry):
        for b in range(nb):
            j = g * nb + b
            pltpu.make_async_copy(tbl.at[idx(src_v, j)], rows_v.at[b],
                                  gsem[b]).wait()
            pltpu.async_copy(rows_v.at[b], acc.at[idx(dst_v, j)], ssem[b],
                             add=True)
            b2 = (b + gb) % nb
            jo = j - sb
            jn = j + gb
            @pl.when(jo >= 0)
            def _():
                pltpu.make_async_copy(rows_v.at[b2], acc.at[idx(dst_v, jo)],
                                      ssem[b2]).wait()
            @pl.when(jn < ch)
            def _():
                pltpu.async_copy(tbl.at[idx(src_v, jn)], rows_v.at[b2],
                                 gsem[b2])
        return carry

    lax.fori_loop(0, ng, group, 0, unroll=False)
    for k in range(sb):
        j = ch - sb + k
        b = j % nb
        pltpu.make_async_copy(rows_v.at[b], acc.at[idx(dst_v, j)],
                              ssem[b]).wait()
    plsc.subcore_barrier()


def _zero_acc(z_hbm, acc, s):
    pltpu.sync_copy(z_hbm.at[pl.ds(s * RPT, RPT)], acc.at[pl.ds(s * RPT, RPT)])
    @pl.when(s == NS - 1)
    def _():
        pltpu.sync_copy(z_hbm.at[pl.ds(NS * RPT, RTL)],
                        acc.at[pl.ds(NS * RPT, RTL)])


def _copy_out(acc, out_hbm, c, s):
    pltpu.sync_copy(acc.at[pl.ds(s * RPT, RPT)],
                    out_hbm.at[c, pl.ds(s * RPT, RPT)])
    @pl.when(s == NS - 1)
    def _():
        pltpu.sync_copy(acc.at[pl.ds(NS * RPT, RTL)],
                        out_hbm.at[c, pl.ds(NS * RPT, RTL)])


def _agg_sc(h, src2d, dst2d, zeros):
    mesh = plsc.VectorSubcoreMesh(core_axis_name="c", subcore_axis_name="s")

    @functools.partial(
        pl.kernel,
        mesh=mesh,
        out_type=jax.ShapeDtypeStruct((NC, N, H), jnp.float32),
        compiler_params=pltpu.CompilerParams(use_tc_tiling_on_sc=False),
        scratch_types=[
            pltpu.VMEM((EPW,), jnp.int32),
            pltpu.VMEM((EPW,), jnp.int32),
            pltpu.VMEM((NB, CL, H), jnp.float32),
            pltpu.VMEM_SHARED((N, H), jnp.float32),
        ]
        + [pltpu.SemaphoreType.DMA] * (2 * NB),
    )
    def agg(h_hbm, src_hbm, dst_hbm, z_hbm, out_hbm, src_v, dst_v, rows_v, acc,
            *sems):
        gsem = sems[:NB]
        ssem = sems[NB:]
        c = lax.axis_index("c")
        s = lax.axis_index("s")
        w = c * NS + s

        _zero_acc(z_hbm, acc, s)
        pltpu.sync_copy(src_hbm.at[pl.ds(w * EPW, EPW)], src_v)
        pltpu.sync_copy(dst_hbm.at[pl.ds(w * EPW, EPW)], dst_v)
        _ring_loop(h_hbm, src_v, dst_v, rows_v, acc, gsem, ssem, CP, NB, GB, NG,
                   cl=CL)
        _copy_out(acc, out_hbm, c, s)

    return agg(h, src2d, dst2d, zeros)


def _agg0_sc(xcat, src2d, srcp2d, dst2d, zeros):
    mesh = plsc.VectorSubcoreMesh(core_axis_name="c", subcore_axis_name="s")

    @functools.partial(
        pl.kernel,
        mesh=mesh,
        out_type=jax.ShapeDtypeStruct((NC, N, H), jnp.float32),
        compiler_params=pltpu.CompilerParams(use_tc_tiling_on_sc=False),
        scratch_types=[
            pltpu.VMEM((CH0, C), jnp.int32),
            pltpu.VMEM((CH0, C), jnp.int32),
            pltpu.VMEM((NB0, C, H), jnp.float32),
            pltpu.VMEM_SHARED((N, H), jnp.float32),
        ]
        + [pltpu.SemaphoreType.DMA] * (2 * NB0),
    )
    def agg0(x_hbm, src_hbm, srcp_hbm, dst_hbm, z_hbm, out_hbm,
             src_v, dst_v, rows_v, acc, *sems):
        gsem = sems[:NB0]
        ssem = sems[NB0:]
        c = lax.axis_index("c")
        s = lax.axis_index("s")

        _zero_acc(z_hbm, acc, s)
        @pl.when(c == 0)
        def _():
            pltpu.sync_copy(src_hbm.at[pl.ds(s * CH0, CH0)], src_v)
        @pl.when(c == 1)
        def _():
            pltpu.sync_copy(srcp_hbm.at[pl.ds(s * CH0, CH0)], src_v)
        pltpu.sync_copy(dst_hbm.at[pl.ds(s * CH0, CH0)], dst_v)
        _ring_loop(x_hbm, src_v, dst_v, rows_v, acc, gsem, ssem,
                   CH0, NB0, GB0, NG0)
        _copy_out(acc, out_hbm, c, s)

    return agg0(xcat, src2d, srcp2d, dst2d, zeros)


def _aggregate(h, src2d, dst2d, zeros):
    parts = _agg_sc(h, src2d, dst2d, zeros)
    return parts[0], parts[1]


def _layer0_body(h_ref, lr_ref, eps_ref, wa_ref, ba_ref,
                 wb_ref, bb_ref, out_ref):
    agg = jnp.concatenate([lr_ref[0], lr_ref[1]], axis=1)
    z = eps_ref[0, 0] * h_ref[...] + agg
    t = jnp.maximum(jnp.dot(z, wa_ref[...],
                            preferred_element_type=jnp.float32) + ba_ref[...], 0.0)
    u = jnp.dot(t, wb_ref[...], preferred_element_type=jnp.float32) + bb_ref[...]
    out_ref[...] = jnp.maximum(u, 0.0)


def _layer0(h, lr, eps_i, wa, ba, wb, bb):
    return pl.pallas_call(
        _layer0_body,
        out_shape=jax.ShapeDtypeStruct((N, H), jnp.float32),
    )(h, lr, eps_i, wa, ba, wb, bb)


def _layer_body(h_ref, a0_ref, a1_ref, eps_ref, wa_ref, ba_ref, wb_ref, bb_ref,
                out_ref):
    z = eps_ref[0, 0] * h_ref[...] + (a0_ref[...] + a1_ref[...])
    t = jnp.maximum(jnp.dot(z, wa_ref[...],
                            preferred_element_type=jnp.float32) + ba_ref[...], 0.0)
    u = jnp.dot(t, wb_ref[...], preferred_element_type=jnp.float32) + bb_ref[...]
    out_ref[...] = jnp.maximum(u, 0.0)


def _layer(h, a0, a1, eps_i, wa, ba, wb, bb):
    return pl.pallas_call(
        _layer_body,
        out_shape=jax.ShapeDtypeStruct((N, H), jnp.float32),
    )(h, a0, a1, eps_i, wa, ba, wb, bb)


def _tail_body(h_ref, a0_ref, a1_ref, eps_ref, wa_ref, ba_ref, wb_ref, bb_ref,
               wha_ref, bha_ref, whb_ref, bhb_ref, out_ref):
    z = eps_ref[0, 0] * h_ref[...] + (a0_ref[...] + a1_ref[...])
    t = jnp.maximum(jnp.dot(z, wa_ref[...],
                            preferred_element_type=jnp.float32) + ba_ref[...], 0.0)
    u = jnp.dot(t, wb_ref[...], preferred_element_type=jnp.float32) + bb_ref[...]
    hn = jnp.maximum(u, 0.0)
    q = jnp.maximum(jnp.dot(hn, wha_ref[...],
                            preferred_element_type=jnp.float32) + bha_ref[...], 0.0)
    out_ref[...] = jnp.dot(q, whb_ref[...],
                           preferred_element_type=jnp.float32) + bhb_ref[...]


def _tail(h, a0, a1, eps_i, wa, ba, wb, bb, wha, bha, whb_p, bhb_p):
    return pl.pallas_call(
        _tail_body,
        out_shape=jax.ShapeDtypeStruct((N, 128), jnp.float32),
    )(h, a0, a1, eps_i, wa, ba, wb, bb, wha, bha, whb_p, bhb_p)


def kernel(x, edge_index, eps, w0a, b0a, w0b, b0b, w1a, b1a, w1b, b1b,
           w2a, b2a, w2b, b2b, wha, bha, whb, bhb):
    src1d = edge_index[0]
    dst1d = edge_index[1]
    src2d = edge_index[0].reshape(NW * CH, C)
    dst2d = edge_index[1].reshape(NW * CH, C)
    zH = jnp.zeros((N, H), jnp.float32)

    e0 = (1.0 + eps[0]).reshape(1, 1)
    e1 = (1.0 + eps[1]).reshape(1, 1)
    e2 = (1.0 + eps[2]).reshape(1, 1)

    whb_p = jnp.zeros((H // 2, 128), jnp.float32).at[:, :2].set(whb)
    bhb_p = jnp.zeros((1, 128), jnp.float32).at[:, :2].set(bhb.reshape(1, 2))

    xcat = jnp.concatenate([x[:, :H], x[:, H:]], axis=0)
    srcp2d = src2d + N
    lr = _agg0_sc(xcat, src2d, srcp2d, dst2d, zH)
    h1 = _layer0(x, lr, e0, w0a, b0a.reshape(1, H),
                 w0b, b0b.reshape(1, H))
    a1, a1b = _aggregate(h1, src1d, dst1d, zH)
    h2 = _layer(h1, a1, a1b, e1, w1a, b1a.reshape(1, H), w1b, b1b.reshape(1, H))
    a2, a2b = _aggregate(h2, src1d, dst1d, zH)
    out = _tail(h2, a2, a2b, e2, w2a, b2a.reshape(1, H), w2b, b2b.reshape(1, H),
                wha, bha.reshape(1, H // 2), whb_p, bhb_p)
    return out[:, :2]

# --- scband reference (transcript-rebuilt; emitter-appended) ---
"""Pipeline reference for scband-gin-66623532695859 (READ-ONLY COPY).

The authoritative reference and input builder live on the scoring server;
editing this copy changes nothing except your own understanding.
"""

import jax, jax.numpy as jnp
import numpy as np

N = 10000
E = 320000
D = 128
H = 64

def _init_linear(key, fan_in, fan_out):
    k1, k2 = jax.random.split(key)
    lim = 1.0 / np.sqrt(fan_in)
    W = jax.random.uniform(k1, (fan_in, fan_out), minval=-lim, maxval=lim, dtype=jnp.float32)
    b = jax.random.uniform(k2, (fan_out,), minval=-lim, maxval=lim, dtype=jnp.float32)
    return W, b

def setup_inputs(seed: int = 0):
    key = jax.random.key(seed)
    ks = jax.random.split(key, 12)
    x = jax.random.normal(ks[0], (N, D), dtype=jnp.float32)
    edge_index = jax.random.randint(ks[1], (2, E), 0, N, dtype=jnp.int32)
    w0a, b0a = _init_linear(ks[2], D, H)
    w0b, b0b = _init_linear(ks[3], H, H)
    w1a, b1a = _init_linear(ks[4], H, H)
    w1b, b1b = _init_linear(ks[5], H, H)
    w2a, b2a = _init_linear(ks[6], H, H)
    w2b, b2b = _init_linear(ks[7], H, H)
    wha, bha = _init_linear(ks[8], H, H // 2)
    whb, bhb = _init_linear(ks[9], H // 2, 2)
    eps = jnp.zeros((3,), dtype=jnp.float32)
    return {"x": x, "edge_index": edge_index, "eps": eps,
            "w0a": w0a, "b0a": b0a, "w0b": w0b, "b0b": b0b,
            "w1a": w1a, "b1a": b1a, "w1b": w1b, "b1b": b1b,
            "w2a": w2a, "b2a": b2a, "w2b": w2b, "b2b": b2b,
            "wha": wha, "bha": bha, "whb": whb, "bhb": bhb}

def reference(x, edge_index, eps, w0a, b0a, w0b, b0b, w1a, b1a, w1b, b1b, w2a, b2a, w2b, b2b, wha, bha, whb, bhb):
    # GIN forward (eval mode: dropout disabled). GINConv: mlp((1+eps)*x + sum_{j in N(i)} x_j)
    src = edge_index[0]
    dst = edge_index[1]
    h = x.astype(jnp.float32)
    layers = [(w0a, b0a, w0b, b0b), (w1a, b1a, w1b, b1b), (w2a, b2a, w2b, b2b)]
    for i, (wa, ba, wb, bb) in enumerate(layers):
        agg = jnp.zeros(h.shape, h.dtype).at[dst].add(h[src])  # gather x_src, scatter-add to dst
        z = (1.0 + eps[i]) * h + agg
        z = jnp.maximum(z @ wa + ba, 0.0) @ wb + bb
        h = jnp.maximum(z, 0.0)  # F.relu after conv (use_residual=False)
    out = jnp.maximum(h @ wha + bha, 0.0) @ whb + bhb
    return out

if __name__ == "__main__":
    import jax
    _d = setup_inputs()
    print(jax.jit(kernel)(*tuple(_d.values())))

</pallas_src>

<mosaic_0001>
#map = affine_map<(d0, d1) -> (0, 0)>
#map1 = affine_map<(d0, d1) -> (0)>
#map2 = affine_map<(d0, d1) -> (0, 0, 0)>
module attributes {stable_mosaic.version = 14 : i64} {
  func.func @agg(%arg0: i32, %arg1: i32, %arg2: memref<10000x64xf32, #tpu.memory_space<hbm>>, %arg3: memref<320000xi32, #tpu.memory_space<hbm>>, %arg4: memref<320000xi32, #tpu.memory_space<hbm>>, %arg5: memref<10000x64xf32, #tpu.memory_space<hbm>>, %arg6: memref<2x10000x64xf32, #tpu.memory_space<hbm>>, %arg7: memref<10000xi32, #tpu.memory_space<vmem>>, %arg8: memref<10000xi32, #tpu.memory_space<vmem>>, %arg9: memref<5x200x64xf32, #tpu.memory_space<vmem>>, %arg10: memref<10000x64xf32, #tpu.memory_space<vmem_shared>>, %arg11: memref<!tpu.dma_semaphore, #tpu.memory_space<semaphore_mem>>, %arg12: memref<!tpu.dma_semaphore, #tpu.memory_space<semaphore_mem>>, %arg13: memref<!tpu.dma_semaphore, #tpu.memory_space<semaphore_mem>>, %arg14: memref<!tpu.dma_semaphore, #tpu.memory_space<semaphore_mem>>, %arg15: memref<!tpu.dma_semaphore, #tpu.memory_space<semaphore_mem>>, %arg16: memref<!tpu.dma_semaphore, #tpu.memory_space<semaphore_mem>>, %arg17: memref<!tpu.dma_semaphore, #tpu.memory_space<semaphore_mem>>, %arg18: memref<!tpu.dma_semaphore, #tpu.memory_space<semaphore_mem>>, %arg19: memref<!tpu.dma_semaphore, #tpu.memory_space<semaphore_mem>>, %arg20: memref<!tpu.dma_semaphore, #tpu.memory_space<semaphore_mem>>) attributes {dimension_semantics = [#tpu.dimension_semantics<core_parallel>, #tpu.dimension_semantics<subcore_parallel>], iteration_bounds = array<i64: 2, 16>, scalar_prefetch = 0 : i64, scratch_operands = 14 : i64, tpu.core_type = #tpu.core_type<sc_vector_subcore>, window_params = [{transform_indices = #map}, {transform_indices = #map1}, {transform_indices = #map1}, {transform_indices = #map}, {transform_indices = #map2}]} {
    %mul3A = arith.constant 16 : i32
    %mul3A_0 = arith.muli %arg0, %mul3A : i32
    %add3A = arith.addi %mul3A_0, %arg1 : i32
    %mul3A_1 = arith.constant 624 : i32
    %mul3A_2 = arith.muli %arg1, %mul3A_1 : i32
    %mul3A_3 = arith.constant 624 : i32
    %mul3A_4 = arith.muli %arg1, %mul3A_3 : i32
    "tpu.region"() ({
      %run_scoped3A = tpu.sem_alloc : memref<!tpu.dma_semaphore, #tpu.memory_space<semaphore_mem>>
      %dma_start3A_74 = arith.constant 0 : i32
      %dma_start3A_75 = tpu.memref_slice %arg10[%mul3A_4, %dma_start3A_74] : memref<10000x64xf32, #tpu.memory_space<vmem_shared>> -> memref<624x64xf32, #tpu.memory_space<vmem_shared>>
      %dma_start3A_76 = arith.constant 0 : i32
      %dma_start3A_77 = tpu.memref_slice %arg5[%mul3A_2, %dma_start3A_76] : memref<10000x64xf32, #tpu.memory_space<hbm>> -> memref<624x64xf32, #tpu.memory_space<hbm>>
      tpu.enqueue_dma source(%dma_start3A_77 : memref<624x64xf32, #tpu.memory_space<hbm>>) target(%dma_start3A_75 : memref<624x64xf32, #tpu.memory_space<vmem_shared>>) target_semaphore(%run_scoped3A : memref<!tpu.dma_semaphore, #tpu.memory_space<semaphore_mem>>)
      %dma_wait3A_78 = arith.constant 0 : i32
      %dma_wait3A_79 = tpu.memref_slice %arg10[%mul3A_4, %dma_wait3A_78] : memref<10000x64xf32, #tpu.memory_space<vmem_shared>> -> memref<624x64xf32, #tpu.memory_space<vmem_shared>>
      %dma_wait3A_80 = arith.constant 0 : i32
      %dma_wait3A_81 = tpu.memref_slice %arg5[%mul3A_2, %dma_wait3A_80] : memref<10000x64xf32, #tpu.memory_space<hbm>> -> memref<624x64xf32, #tpu.memory_space<hbm>>
      tpu.wait_dma2 semaphore(%run_scoped3A : memref<!tpu.dma_semaphore, #tpu.memory_space<semaphore_mem>>) src(%dma_wait3A_81 : memref<624x64xf32, #tpu.memory_space<hbm>>) dst(%dma_wait3A_79 : memref<624x64xf32, #tpu.memory_space<vmem_shared>>)
      tpu.yield
    }) : () -> ()
    %eq3A = arith.constant 15 : i32
    %eq3A_5 = arith.cmpi eq, %arg1, %eq3A : i32
    %convert_element_type3A = arith.extui %eq3A_5 : i1 to i32
    %cond3A = arith.constant 0 : i32
    %cond3A_6 = arith.cmpi ne, %convert_element_type3A, %cond3A : i32
    scf.if %cond3A_6 {
      "tpu.region"() ({
        %run_scoped3A = tpu.sem_alloc : memref<!tpu.dma_semaphore, #tpu.memory_space<semaphore_mem>>
        %dma_start3A_74 = arith.constant 9984 : i32
        %dma_start3A_75 = arith.constant 0 : i32
        %dma_start3A_76 = tpu.memref_slice %arg10[%dma_start3A_74, %dma_start3A_75] : memref<10000x64xf32, #tpu.memory_space<vmem_shared>> -> memref<16x64xf32, #tpu.memory_space<vmem_shared>>
        %dma_start3A_77 = arith.constant 9984 : i32
        %dma_start3A_78 = arith.constant 0 : i32
        %dma_start3A_79 = tpu.memref_slice %arg5[%dma_start3A_77, %dma_start3A_78] : memref<10000x64xf32, #tpu.memory_space<hbm>> -> memref<16x64xf32, #tpu.memory_space<hbm>>
        tpu.enqueue_dma source(%dma_start3A_79 : memref<16x64xf32, #tpu.memory_space<hbm>>) target(%dma_start3A_76 : memref<16x64xf32, #tpu.memory_space<vmem_shared>>) target_semaphore(%run_scoped3A : memref<!tpu.dma_semaphore, #tpu.memory_space<semaphore_mem>>)
        %dma_wait3A_80 = arith.constant 9984 : i32
        %dma_wait3A_81 = arith.constant 0 : i32
        %dma_wait3A_82 = tpu.memref_slice %arg10[%dma_wait3A_80, %dma_wait3A_81] : memref<10000x64xf32, #tpu.memory_space<vmem_shared>> -> memref<16x64xf32, #tpu.memory_space<vmem_shared>>
        %dma_wait3A_83 = arith.constant 9984 : i32
        %dma_wait3A_84 = arith.constant 0 : i32
        %dma_wait3A_85 = tpu.memref_slice %arg5[%dma_wait3A_83, %dma_wait3A_84] : memref<10000x64xf32, #tpu.memory_space<hbm>> -> memref<16x64xf32, #tpu.memory_space<hbm>>
        tpu.wait_dma2 semaphore(%run_scoped3A : memref<!tpu.dma_semaphore, #tpu.memory_space<semaphore_mem>>) src(%dma_wait3A_85 : memref<16x64xf32, #tpu.memory_space<hbm>>) dst(%dma_wait3A_82 : memref<16x64xf32, #tpu.memory_space<vmem_shared>>)
        tpu.yield
      }) : () -> ()
    } else {
    }
    %mul3A_7 = arith.constant 10000 : i32
    %mul3A_8 = arith.muli %add3A, %mul3A_7 : i32
    "tpu.region"() ({
      %run_scoped3A = tpu.sem_alloc : memref<!tpu.dma_semaphore, #tpu.memory_space<semaphore_mem>>
      %dma_start3A_74 = tpu.memref_slice %arg3[%mul3A_8] : memref<320000xi32, #tpu.memory_space<hbm>> -> memref<10000xi32, #tpu.memory_space<hbm>>
      %dma_start3A_75 = tpu.memref_slice %arg3[%mul3A_8] : memref<320000xi32, #tpu.memory_space<hbm>> -> memref<10000xi32, #tpu.memory_space<hbm>>
      tpu.enqueue_dma source(%dma_start3A_75 : memref<10000xi32, #tpu.memory_space<hbm>>) target(%arg7 : memref<10000xi32, #tpu.memory_space<vmem>>) target_semaphore(%run_scoped3A : memref<!tpu.dma_semaphore, #tpu.memory_space<semaphore_mem>>)
      %dma_wait3A_76 = tpu.memref_slice %arg3[%mul3A_8] : memref<320000xi32, #tpu.memory_space<hbm>> -> memref<10000xi32, #tpu.memory_space<hbm>>
      %dma_wait3A_77 = tpu.memref_slice %arg3[%mul3A_8] : memref<320000xi32, #tpu.memory_space<hbm>> -> memref<10000xi32, #tpu.memory_space<hbm>>
      tpu.wait_dma2 semaphore(%run_scoped3A : memref<!tpu.dma_semaphore, #tpu.memory_space<semaphore_mem>>) src(%dma_wait3A_77 : memref<10000xi32, #tpu.memory_space<hbm>>) dst(%arg7 : memref<10000xi32, #tpu.memory_space<vmem>>)
      tpu.yield
    }) : () -> ()
    %mul3A_9 = arith.constant 10000 : i32
    %mul3A_10 = arith.muli %add3A, %mul3A_9 : i32
    "tpu.region"() ({
      %run_scoped3A = tpu.sem_alloc : memref<!tpu.dma_semaphore, #tpu.memory_space<semaphore_mem>>
      %dma_start3A_74 = tpu.memref_slice %arg4[%mul3A_10] : memref<320000xi32, #tpu.memory_space<hbm>> -> memref<10000xi32, #tpu.memory_space<hbm>>
      %dma_start3A_75 = tpu.memref_slice %arg4[%mul3A_10] : memref<320000xi32, #tpu.memory_space<hbm>> -> memref<10000xi32, #tpu.memory_space<hbm>>
      tpu.enqueue_dma source(%dma_start3A_75 : memref<10000xi32, #tpu.memory_space<hbm>>) target(%arg8 : memref<10000xi32, #tpu.memory_space<vmem>>) target_semaphore(%run_scoped3A : memref<!tpu.dma_semaphore, #tpu.memory_space<semaphore_mem>>)
      %dma_wait3A_76 = tpu.memref_slice %arg4[%mul3A_10] : memref<320000xi32, #tpu.memory_space<hbm>> -> memref<10000xi32, #tpu.memory_space<hbm>>
      %dma_wait3A_77 = tpu.memref_slice %arg4[%mul3A_10] : memref<320000xi32, #tpu.memory_space<hbm>> -> memref<10000xi32, #tpu.memory_space<hbm>>
      tpu.wait_dma2 semaphore(%run_scoped3A : memref<!tpu.dma_semaphore, #tpu.memory_space<semaphore_mem>>) src(%dma_wait3A_77 : memref<10000xi32, #tpu.memory_space<hbm>>) dst(%arg8 : memref<10000xi32, #tpu.memory_space<vmem>>)
      tpu.yield
    }) : () -> ()
    %dma_start3A = arith.constant 0 : i32
    %dma_start3A_11 = arith.constant 0 : i32
    %dma_start3A_12 = arith.constant 0 : i32
    %dma_start3A_13 = tpu.memref_slice %arg9[%dma_start3A, %dma_start3A_11, %dma_start3A_12] : memref<5x200x64xf32, #tpu.memory_space<vmem>> -> memref<1x200x64xf32, #tpu.memory_space<vmem>>
    %dma_start3A_14 = tpu.memref_squeeze %dma_start3A_13 : memref<1x200x64xf32, #tpu.memory_space<vmem>> -> memref<200x64xf32, #tpu.memory_space<vmem>>
    %dma_start3A_15 = arith.constant 0 : i32
    %dma_start3A_16 = tpu.memref_slice %arg7[%dma_start3A_15] : memref<10000xi32, #tpu.memory_space<vmem>> -> memref<200xi32, #tpu.memory_space<vmem>>
    %dma_start3A_17 = arith.constant 0 : i32
    %dma_start3A_18 = arith.constant 0 : i32
    %dma_start3A_19 = tpu.memref_slice %arg2[%dma_start3A_17, %dma_start3A_18] : memref<10000x64xf32, #tpu.memory_space<hbm>> -> memref<10000x64xf32, #tpu.memory_space<hbm>>
    tpu.enqueue_indirect_dma source(%dma_start3A_19 : memref<10000x64xf32, #tpu.memory_space<hbm>>) target(%dma_start3A_14 : memref<200x64xf32, #tpu.memory_space<vmem>>) offsets(%dma_start3A_16 : memref<200xi32, #tpu.memory_space<vmem>>) semaphore(%arg11 : memref<!tpu.dma_semaphore, #tpu.memory_space<semaphore_mem>>)
    %dma_start3A_20 = arith.constant 1 : i32
    %dma_start3A_21 = arith.constant 0 : i32
    %dma_start3A_22 = arith.constant 0 : i32
    %dma_start3A_23 = tpu.memref_slice %arg9[%dma_start3A_20, %dma_start3A_21, %dma_start3A_22] : memref<5x200x64xf32, #tpu.memory_space<vmem>> -> memref<1x200x64xf32, #tpu.memory_space<vmem>>
    %dma_start3A_24 = tpu.memref_squeeze %dma_start3A_23 : memref<1x200x64xf32, #tpu.memory_space<vmem>> -> memref<200x64xf32, #tpu.memory_space<vmem>>
    %dma_start3A_25 = arith.constant 200 : i32
    %dma_start3A_26 = tpu.memref_slice %arg7[%dma_start3A_25] : memref<10000xi32, #tpu.memory_space<vmem>> -> memref<200xi32, #tpu.memory_space<vmem>>
    %dma_start3A_27 = arith.constant 0 : i32
    %dma_start3A_28 = arith.constant 0 : i32
    %dma_start3A_29 = tpu.memref_slice %arg2[%dma_start3A_27, %dma_start3A_28] : memref<10000x64xf32, #tpu.memory_space<hbm>> -> memref<10000x64xf32, #tpu.memory_space<hbm>>
    tpu.enqueue_indirect_dma source(%dma_start3A_29 : memref<10000x64xf32, #tpu.memory_space<hbm>>) target(%dma_start3A_24 : memref<200x64xf32, #tpu.memory_space<vmem>>) offsets(%dma_start3A_26 : memref<200xi32, #tpu.memory_space<vmem>>) semaphore(%arg12 : memref<!tpu.dma_semaphore, #tpu.memory_space<semaphore_mem>>)
    %dma_start3A_30 = arith.constant 2 : i32
    %dma_start3A_31 = arith.constant 0 : i32
    %dma_start3A_32 = arith.constant 0 : i32
    %dma_start3A_33 = tpu.memref_slice %arg9[%dma_start3A_30, %dma_start3A_31, %dma_start3A_32] : memref<5x200x64xf32, #tpu.memory_space<vmem>> -> memref<1x200x64xf32, #tpu.memory_space<vmem>>
    %dma_start3A_34 = tpu.memref_squeeze %dma_start3A_33 : memref<1x200x64xf32, #tpu.memory_space<vmem>> -> memref<200x64xf32, #tpu.memory_space<vmem>>
    %dma_start3A_35 = arith.constant 400 : i32
    %dma_start3A_36 = tpu.memref_slice %arg7[%dma_start3A_35] : memref<10000xi32, #tpu.memory_space<vmem>> -> memref<200xi32, #tpu.memory_space<vmem>>
    %dma_start3A_37 = arith.constant 0 : i32
    %dma_start3A_38 = arith.constant 0 : i32
    %dma_start3A_39 = tpu.memref_slice %arg2[%dma_start3A_37, %dma_start3A_38] : memref<10000x64xf32, #tpu.memory_space<hbm>> -> memref<10000x64xf32, #tpu.memory_space<hbm>>
    tpu.enqueue_indirect_dma source(%dma_start3A_39 : memref<10000x64xf32, #tpu.memory_space<hbm>>) target(%dma_start3A_34 : memref<200x64xf32, #tpu.memory_space<vmem>>) offsets(%dma_start3A_36 : memref<200xi32, #tpu.memory_space<vmem>>) semaphore(%arg13 : memref<!tpu.dma_semaphore, #tpu.memory_space<semaphore_mem>>)
    %barrier3A = arith.constant 0 : index
    tpu.barrier barrier_id(%barrier3A)
    %scan3A = arith.constant 0 : i32
    %scan3A_40 = arith.constant 0 : i32
    %scan3A_41 = arith.constant 10 : i32
    %scan3A_42 = arith.addi %scan3A_40, %scan3A_41 : i32
    %scan3A_43 = arith.constant 1 : i32
    scf.for %scan3A_74 = %scan3A_40 to %scan3A_42 step %scan3A_43  : i32 {
      %mul3A_75 = arith.constant 5 : i32
      %mul3A_76 = arith.muli %scan3A_74, %mul3A_75 : i32
      %add3A_77 = arith.constant 0 : i32
      %add3A_78 = arith.addi %mul3A_76, %add3A_77 : i32
      %mul3A_79 = arith.constant 200 : i32
      %mul3A_80 = arith.muli %add3A_78, %mul3A_79 : i32
      %dma_wait3A_81 = arith.constant 0 : i32
      %dma_wait3A_82 = arith.constant 0 : i32
      %dma_wait3A_83 = arith.constant 0 : i32
      %dma_wait3A_84 = tpu.memref_slice %arg9[%dma_wait3A_81, %dma_wait3A_82, %dma_wait3A_83] : memref<5x200x64xf32, #tpu.memory_space<vmem>> -> memref<1x200x64xf32, #tpu.memory_space<vmem>>
      %dma_wait3A_85 = tpu.memref_squeeze %dma_wait3A_84 : memref<1x200x64xf32, #tpu.memory_space<vmem>> -> memref<200x64xf32, #tpu.memory_space<vmem>>
      %dma_wait3A_86 = tpu.memref_slice %arg7[%mul3A_80] : memref<10000xi32, #tpu.memory_space<vmem>> -> memref<200xi32, #tpu.memory_space<vmem>>
      %dma_wait3A_87 = arith.constant 0 : i32
      %dma_wait3A_88 = arith.constant 0 : i32
      %dma_wait3A_89 = tpu.memref_slice %arg2[%dma_wait3A_87, %dma_wait3A_88] : memref<10000x64xf32, #tpu.memory_space<hbm>> -> memref<10000x64xf32, #tpu.memory_space<hbm>>
      tpu.wait_indirect_dma semaphore(%arg11 : memref<!tpu.dma_semaphore, #tpu.memory_space<semaphore_mem>>) src(%dma_wait3A_89 : memref<10000x64xf32, #tpu.memory_space<hbm>>) dst(%dma_wait3A_85 : memref<200x64xf32, #tpu.memory_space<vmem>>)
      %mul3A_90 = arith.constant 200 : i32
      %mul3A_91 = arith.muli %add3A_78, %mul3A_90 : i32
      %dma_start3A_92 = arith.constant 0 : i32
      %dma_start3A_93 = arith.constant 0 : i32
      %dma_start3A_94 = arith.constant 0 : i32
      %dma_start3A_95 = tpu.memref_slice %arg9[%dma_start3A_92, %dma_start3A_93, %dma_start3A_94] : memref<5x200x64xf32, #tpu.memory_space<vmem>> -> memref<1x200x64xf32, #tpu.memory_space<vmem>>
      %dma_start3A_96 = tpu.memref_squeeze %dma_start3A_95 : memref<1x200x64xf32, #tpu.memory_space<vmem>> -> memref<200x64xf32, #tpu.memory_space<vmem>>
      %dma_start3A_97 = tpu.memref_slice %arg8[%mul3A_91] : memref<10000xi32, #tpu.memory_space<vmem>> -> memref<200xi32, #tpu.memory_space<vmem>>
      %dma_start3A_98 = arith.constant 0 : i32
      %dma_start3A_99 = arith.constant 0 : i32
      %dma_start3A_100 = tpu.memref_slice %arg10[%dma_start3A_98, %dma_start3A_99] : memref<10000x64xf32, #tpu.memory_space<vmem_shared>> -> memref<10000x64xf32, #tpu.memory_space<vmem_shared>>
      tpu.enqueue_indirect_dma source(%dma_start3A_96 : memref<200x64xf32, #tpu.memory_space<vmem>>) target(%dma_start3A_100 : memref<10000x64xf32, #tpu.memory_space<vmem_shared>>) offsets(%dma_start3A_97 : memref<200xi32, #tpu.memory_space<vmem>>) semaphore(%arg16 : memref<!tpu.dma_semaphore, #tpu.memory_space<semaphore_mem>>) {add = true}
      %sub3A = arith.constant 2 : i32
      %sub3A_101 = arith.subi %add3A_78, %sub3A : i32
      %add3A_102 = arith.constant 3 : i32
      %add3A_103 = arith.addi %add3A_78, %add3A_102 : i32
      %ge3A = arith.constant 0 : i32
      %ge3A_104 = arith.cmpi sge, %sub3A_101, %ge3A : i32
      %convert_element_type3A_105 = arith.extui %ge3A_104 : i1 to i32
      %cond3A_106 = arith.constant 0 : i32
      %cond3A_107 = arith.cmpi ne, %convert_element_type3A_105, %cond3A_106 : i32
      scf.if %cond3A_107 {
        %mul3A_272 = arith.constant 200 : i32
        %mul3A_273 = arith.muli %sub3A_101, %mul3A_272 : i32
        %dma_wait3A_274 = arith.constant 3 : i32
        %dma_wait3A_275 = arith.constant 0 : i32
        %dma_wait3A_276 = arith.constant 0 : i32
        %dma_wait3A_277 = tpu.memref_slice %arg9[%dma_wait3A_274, %dma_wait3A_275, %dma_wait3A_276] : memref<5x200x64xf32, #tpu.memory_space<vmem>> -> memref<1x200x64xf32, #tpu.memory_space<vmem>>
        %dma_wait3A_278 = tpu.memref_squeeze %dma_wait3A_277 : memref<1x200x64xf32, #tpu.memory_space<vmem>> -> memref<200x64xf32, #tpu.memory_space<vmem>>
        %dma_wait3A_279 = tpu.memref_slice %arg8[%mul3A_273] : memref<10000xi32, #tpu.memory_space<vmem>> -> memref<200xi32, #tpu.memory_space<vmem>>
        %dma_wait3A_280 = arith.constant 0 : i32
        %dma_wait3A_281 = arith.constant 0 : i32
        %dma_wait3A_282 = tpu.memref_slice %arg10[%dma_wait3A_280, %dma_wait3A_281] : memref<10000x64xf32, #tpu.memory_space<vmem_shared>> -> memref<10000x64xf32, #tpu.memory_space<vmem_shared>>
        tpu.wait_indirect_dma semaphore(%arg19 : memref<!tpu.dma_semaphore, #tpu.memory_space<semaphore_mem>>) src(%dma_wait3A_278 : memref<200x64xf32, #tpu.memory_space<vmem>>) dst(%dma_wait3A_282 : memref<10000x64xf32, #tpu.memory_space<vmem_shared>>)
      } else {
      }
      %lt3A = arith.constant 50 : i32
      %lt3A_108 = arith.cmpi slt, %add3A_103, %lt3A : i32
      %convert_element_type3A_109 = arith.extui %lt3A_108 : i1 to i32
      %cond3A_110 = arith.constant 0 : i32
      %cond3A_111 = arith.cmpi ne, %convert_element_type3A_109, %cond3A_110 : i32
      scf.if %cond3A_111 {
        %mul3A_272 = arith.constant 200 : i32
        %mul3A_273 = arith.muli %add3A_103, %mul3A_272 : i32
        %dma_start3A_274 = arith.constant 3 : i32
        %dma_start3A_275 = arith.constant 0 : i32
        %dma_start3A_276 = arith.constant 0 : i32
        %dma_start3A_277 = tpu.memref_slice %arg9[%dma_start3A_274, %dma_start3A_275, %dma_start3A_276] : memref<5x200x64xf32, #tpu.memory_space<vmem>> -> memref<1x200x64xf32, #tpu.memory_space<vmem>>
        %dma_start3A_278 = tpu.memref_squeeze %dma_start3A_277 : memref<1x200x64xf32, #tpu.memory_space<vmem>> -> memref<200x64xf32, #tpu.memory_space<vmem>>
        %dma_start3A_279 = tpu.memref_slice %arg7[%mul3A_273] : memref<10000xi32, #tpu.memory_space<vmem>> -> memref<200xi32, #tpu.memory_space<vmem>>
        %dma_start3A_280 = arith.constant 0 : i32
        %dma_start3A_281 = arith.constant 0 : i32
        %dma_start3A_282 = tpu.memref_slice %arg2[%dma_start3A_280, %dma_start3A_281] : memref<10000x64xf32, #tpu.memory_space<hbm>> -> memref<10000x64xf32, #tpu.memory_space<hbm>>
        tpu.enqueue_indirect_dma source(%dma_start3A_282 : memref<10000x64xf32, #tpu.memory_space<hbm>>) target(%dma_start3A_278 : memref<200x64xf32, #tpu.memory_space<vmem>>) offsets(%dma_start3A_279 : memref<200xi32, #tpu.memory_space<vmem>>) semaphore(%arg14 : memref<!tpu.dma_semaphore, #tpu.memory_space<semaphore_mem>>)
      } else {
      }
      %mul3A_112 = arith.constant 5 : i32
      %mul3A_113 = arith.muli %scan3A_74, %mul3A_112 : i32
      %add3A_114 = arith.constant 1 : i32
      %add3A_115 = arith.addi %mul3A_113, %add3A_114 : i32
      %mul3A_116 = arith.constant 200 : i32
      %mul3A_117 = arith.muli %add3A_115, %mul3A_116 : i32
      %dma_wait3A_118 = arith.constant 1 : i32
      %dma_wait3A_119 = arith.constant 0 : i32
      %dma_wait3A_120 = arith.constant 0 : i32
      %dma_wait3A_121 = tpu.memref_slice %arg9[%dma_wait3A_118, %dma_wait3A_119, %dma_wait3A_120] : memref<5x200x64xf32, #tpu.memory_space<vmem>> -> memref<1x200x64xf32, #tpu.memory_space<vmem>>
      %dma_wait3A_122 = tpu.memref_squeeze %dma_wait3A_121 : memref<1x200x64xf32, #tpu.memory_space<vmem>> -> memref<200x64xf32, #tpu.memory_space<vmem>>
      %dma_wait3A_123 = tpu.memref_slice %arg7[%mul3A_117] : memref<10000xi32, #tpu.memory_space<vmem>> -> memref<200xi32, #tpu.memory_space<vmem>>
      %dma_wait3A_124 = arith.constant 0 : i32
      %dma_wait3A_125 = arith.constant 0 : i32
      %dma_wait3A_126 = tpu.memref_slice %arg2[%dma_wait3A_124, %dma_wait3A_125] : memref<10000x64xf32, #tpu.memory_space<hbm>> -> memref<10000x64xf32, #tpu.memory_space<hbm>>
      tpu.wait_indirect_dma semaphore(%arg12 : memref<!tpu.dma_semaphore, #tpu.memory_space<semaphore_mem>>) src(%dma_wait3A_126 : memref<10000x64xf32, #tpu.memory_space<hbm>>) dst(%dma_wait3A_122 : memref<200x64xf32, #tpu.memory_space<vmem>>)
      %mul3A_127 = arith.constant 200 : i32
      %mul3A_128 = arith.muli %add3A_115, %mul3A_127 : i32
      %dma_start3A_129 = arith.constant 1 : i32
      %dma_start3A_130 = arith.constant 0 : i32
      %dma_start3A_131 = arith.constant 0 : i32
      %dma_start3A_132 = tpu.memref_slice %arg9[%dma_start3A_129, %dma_start3A_130, %dma_start3A_131] : memref<5x200x64xf32, #tpu.memory_space<vmem>> -> memref<1x200x64xf32, #tpu.memory_space<vmem>>
      %dma_start3A_133 = tpu.memref_squeeze %dma_start3A_132 : memref<1x200x64xf32, #tpu.memory_space<vmem>> -> memref<200x64xf32, #tpu.memory_space<vmem>>
      %dma_start3A_134 = tpu.memref_slice %arg8[%mul3A_128] : memref<10000xi32, #tpu.memory_space<vmem>> -> memref<200xi32, #tpu.memory_space<vmem>>
      %dma_start3A_135 = arith.constant 0 : i32
      %dma_start3A_136 = arith.constant 0 : i32
      %dma_start3A_137 = tpu.memref_slice %arg10[%dma_start3A_135, %dma_start3A_136] : memref<10000x64xf32, #tpu.memory_space<vmem_shared>> -> memref<10000x64xf32, #tpu.memory_space<vmem_shared>>
      tpu.enqueue_indirect_dma source(%dma_start3A_133 : memref<200x64xf32, #tpu.memory_space<vmem>>) target(%dma_start3A_137 : memref<10000x64xf32, #tpu.memory_space<vmem_shared>>) offsets(%dma_start3A_134 : memref<200xi32, #tpu.memory_space<vmem>>) semaphore(%arg17 : memref<!tpu.dma_semaphore, #tpu.memory_space<semaphore_mem>>) {add = true}
      %sub3A_138 = arith.constant 2 : i32
      %sub3A_139 = arith.subi %add3A_115, %sub3A_138 : i32
      %add3A_140 = arith.constant 3 : i32
      %add3A_141 = arith.addi %add3A_115, %add3A_140 : i32
      %ge3A_142 = arith.constant 0 : i32
      %ge3A_143 = arith.cmpi sge, %sub3A_139, %ge3A_142 : i32
      %convert_element_type3A_144 = arith.extui %ge3A_143 : i1 to i32
      %cond3A_145 = arith.constant 0 : i32
      %cond3A_146 = arith.cmpi ne, %convert_element_type3A_144, %cond3A_145 : i32
      scf.if %cond3A_146 {
        %mul3A_272 = arith.constant 200 : i32
        %mul3A_273 = arith.muli %sub3A_139, %mul3A_272 : i32
        %dma_wait3A_274 = arith.constant 4 : i32
        %dma_wait3A_275 = arith.constant 0 : i32
        %dma_wait3A_276 = arith.constant 0 : i32
        %dma_wait3A_277 = tpu.memref_slice %arg9[%dma_wait3A_274, %dma_wait3A_275, %dma_wait3A_276] : memref<5x200x64xf32, #tpu.memory_space<vmem>> -> memref<1x200x64xf32, #tpu.memory_space<vmem>>
        %dma_wait3A_278 = tpu.memref_squeeze %dma_wait3A_277 : memref<1x200x64xf32, #tpu.memory_space<vmem>> -> memref<200x64xf32, #tpu.memory_space<vmem>>
        %dma_wait3A_279 = tpu.memref_slice %arg8[%mul3A_273] : memref<10000xi32, #tpu.memory_space<vmem>> -> memref<200xi32, #tpu.memory_space<vmem>>
        %dma_wait3A_280 = arith.constant 0 : i32
        %dma_wait3A_281 = arith.constant 0 : i32
        %dma_wait3A_282 = tpu.memref_slice %arg10[%dma_wait3A_280, %dma_wait3A_281] : memref<10000x64xf32, #tpu.memory_space<vmem_shared>> -> memref<10000x64xf32, #tpu.memory_space<vmem_shared>>
        tpu.wait_indirect_dma semaphore(%arg20 : memref<!tpu.dma_semaphore, #tpu.memory_space<semaphore_mem>>) src(%dma_wait3A_278 : memref<200x64xf32, #tpu.memory_space<vmem>>) dst(%dma_wait3A_282 : memref<10000x64xf32, #tpu.memory_space<vmem_shared>>)
      } else {
      }
      %lt3A_147 = arith.constant 50 : i32
      %lt3A_148 = arith.cmpi slt, %add3A_141, %lt3A_147 : i32
      %convert_element_type3A_149 = arith.extui %lt3A_148 : i1 to i32
      %cond3A_150 = arith.constant 0 : i32
      %cond3A_151 = arith.cmpi ne, %convert_element_type3A_149, %cond3A_150 : i32
      scf.if %cond3A_151 {
        %mul3A_272 = arith.constant 200 : i32
        %mul3A_273 = arith.muli %add3A_141, %mul3A_272 : i32
        %dma_start3A_274 = arith.constant 4 : i32
        %dma_start3A_275 = arith.constant 0 : i32
        %dma_start3A_276 = arith.constant 0 : i32
        %dma_start3A_277 = tpu.memref_slice %arg9[%dma_start3A_274, %dma_start3A_275, %dma_start3A_276] : memref<5x200x64xf32, #tpu.memory_space<vmem>> -> memref<1x200x64xf32, #tpu.memory_space<vmem>>
        %dma_start3A_278 = tpu.memref_squeeze %dma_start3A_277 : memref<1x200x64xf32, #tpu.memory_space<vmem>> -> memref<200x64xf32, #tpu.memory_space<vmem>>
        %dma_start3A_279 = tpu.memref_slice %arg7[%mul3A_273] : memref<10000xi32, #tpu.memory_space<vmem>> -> memref<200xi32, #tpu.memory_space<vmem>>
        %dma_start3A_280 = arith.constant 0 : i32
        %dma_start3A_281 = arith.constant 0 : i32
        %dma_start3A_282 = tpu.memref_slice %arg2[%dma_start3A_280, %dma_start3A_281] : memref<10000x64xf32, #tpu.memory_space<hbm>> -> memref<10000x64xf32, #tpu.memory_space<hbm>>
        tpu.enqueue_indirect_dma source(%dma_start3A_282 : memref<10000x64xf32, #tpu.memory_space<hbm>>) target(%dma_start3A_278 : memref<200x64xf32, #tpu.memory_space<vmem>>) offsets(%dma_start3A_279 : memref<200xi32, #tpu.memory_space<vmem>>) semaphore(%arg15 : memref<!tpu.dma_semaphore, #tpu.memory_space<semaphore_mem>>)
      } else {
      }
      %mul3A_152 = arith.constant 5 : i32
      %mul3A_153 = arith.muli %scan3A_74, %mul3A_152 : i32
      %add3A_154 = arith.constant 2 : i32
      %add3A_155 = arith.addi %mul3A_153, %add3A_154 : i32
      %mul3A_156 = arith.constant 200 : i32
      %mul3A_157 = arith.muli %add3A_155, %mul3A_156 : i32
      %dma_wait3A_158 = arith.constant 2 : i32
      %dma_wait3A_159 = arith.constant 0 : i32
      %dma_wait3A_160 = arith.constant 0 : i32
      %dma_wait3A_161 = tpu.memref_slice %arg9[%dma_wait3A_158, %dma_wait3A_159, %dma_wait3A_160] : memref<5x200x64xf32, #tpu.memory_space<vmem>> -> memref<1x200x64xf32, #tpu.memory_space<vmem>>
      %dma_wait3A_162 = tpu.memref_squeeze %dma_wait3A_161 : memref<1x200x64xf32, #tpu.memory_space<vmem>> -> memref<200x64xf32, #tpu.memory_space<vmem>>
      %dma_wait3A_163 = tpu.memref_slice %arg7[%mul3A_157] : memref<10000xi32, #tpu.memory_space<vmem>> -> memref<200xi32, #tpu.memory_space<vmem>>
      %dma_wait3A_164 = arith.constant 0 : i32
      %dma_wait3A_165 = arith.constant 0 : i32
      %dma_wait3A_166 = tpu.memref_slice %arg2[%dma_wait3A_164, %dma_wait3A_165] : memref<10000x64xf32, #tpu.memory_space<hbm>> -> memref<10000x64xf32, #tpu.memory_space<hbm>>
      tpu.wait_indirect_dma semaphore(%arg13 : memref<!tpu.dma_semaphore, #tpu.memory_space<semaphore_mem>>) src(%dma_wait3A_166 : memref<10000x64xf32, #tpu.memory_space<hbm>>) dst(%dma_wait3A_162 : memref<200x64xf32, #tpu.memory_space<vmem>>)
      %mul3A_167 = arith.constant 200 : i32
      %mul3A_168 = arith.muli %add3A_155, %mul3A_167 : i32
      %dma_start3A_169 = arith.constant 2 : i32
      %dma_start3A_170 = arith.constant 0 : i32
      %dma_start3A_171 = arith.constant 0 : i32
      %dma_start3A_172 = tpu.memref_slice %arg9[%dma_start3A_169, %dma_start3A_170, %dma_start3A_171] : memref<5x200x64xf32, #tpu.memory_space<vmem>> -> memref<1x200x64xf32, #tpu.memory_space<vmem>>
      %dma_start3A_173 = tpu.memref_squeeze %dma_start3A_172 : memref<1x200x64xf32, #tpu.memory_space<vmem>> -> memref<200x64xf32, #tpu.memory_space<vmem>>
      %dma_start3A_174 = tpu.memref_slice %arg8[%mul3A_168] : memref<10000xi32, #tpu.memory_space<vmem>> -> memref<200xi32, #tpu.memory_space<vmem>>
      %dma_start3A_175 = arith.constant 0 : i32
      %dma_start3A_176 = arith.constant 0 : i32
      %dma_start3A_177 = tpu.memref_slice %arg10[%dma_start3A_175, %dma_start3A_176] : memref<10000x64xf32, #tpu.memory_space<vmem_shared>> -> memref<10000x64xf32, #tpu.memory_space<vmem_shared>>
      tpu.enqueue_indirect_dma source(%dma_start3A_173 : memref<200x64xf32, #tpu.memory_space<vmem>>) target(%dma_start3A_177 : memref<10000x64xf32, #tpu.memory_space<vmem_shared>>) offsets(%dma_start3A_174 : memref<200xi32, #tpu.memory_space<vmem>>) semaphore(%arg18 : memref<!tpu.dma_semaphore, #tpu.memory_space<semaphore_mem>>) {add = true}
      %sub3A_178 = arith.constant 2 : i32
      %sub3A_179 = arith.subi %add3A_155, %sub3A_178 : i32
      %add3A_180 = arith.constant 3 : i32
      %add3A_181 = arith.addi %add3A_155, %add3A_180 : i32
      %ge3A_182 = arith.constant 0 : i32
      %ge3A_183 = arith.cmpi sge, %sub3A_179, %ge3A_182 : i32
      %convert_element_type3A_184 = arith.extui %ge3A_183 : i1 to i32
      %cond3A_185 = arith.constant 0 : i32
      %cond3A_186 = arith.cmpi ne, %convert_element_type3A_184, %cond3A_185 : i32
      scf.if %cond3A_186 {
        %mul3A_272 = arith.constant 200 : i32
        %mul3A_273 = arith.muli %sub3A_179, %mul3A_272 : i32
        %dma_wait3A_274 = arith.constant 0 : i32
        %dma_wait3A_275 = arith.constant 0 : i32
        %dma_wait3A_276 = arith.constant 0 : i32
        %dma_wait3A_277 = tpu.memref_slice %arg9[%dma_wait3A_274, %dma_wait3A_275, %dma_wait3A_276] : memref<5x200x64xf32, #tpu.memory_space<vmem>> -> memref<1x200x64xf32, #tpu.memory_space<vmem>>
        %dma_wait3A_278 = tpu.memref_squeeze %dma_wait3A_277 : memref<1x200x64xf32, #tpu.memory_space<vmem>> -> memref<200x64xf32, #tpu.memory_space<vmem>>
        %dma_wait3A_279 = tpu.memref_slice %arg8[%mul3A_273] : memref<10000xi32, #tpu.memory_space<vmem>> -> memref<200xi32, #tpu.memory_space<vmem>>
        %dma_wait3A_280 = arith.constant 0 : i32
        %dma_wait3A_281 = arith.constant 0 : i32
        %dma_wait3A_282 = tpu.memref_slice %arg10[%dma_wait3A_280, %dma_wait3A_281] : memref<10000x64xf32, #tpu.memory_space<vmem_shared>> -> memref<10000x64xf32, #tpu.memory_space<vmem_shared>>
        tpu.wait_indirect_dma semaphore(%arg16 : memref<!tpu.dma_semaphore, #tpu.memory_space<semaphore_mem>>) src(%dma_wait3A_278 : memref<200x64xf32, #tpu.memory_space<vmem>>) dst(%dma_wait3A_282 : memref<10000x64xf32, #tpu.memory_space<vmem_shared>>)
      } else {
      }
      %lt3A_187 = arith.constant 50 : i32
      %lt3A_188 = arith.cmpi slt, %add3A_181, %lt3A_187 : i32
      %convert_element_type3A_189 = arith.extui %lt3A_188 : i1 to i32
      %cond3A_190 = arith.constant 0 : i32
      %cond3A_191 = arith.cmpi ne, %convert_element_type3A_189, %cond3A_190 : i32
      scf.if %cond3A_191 {
        %mul3A_272 = arith.constant 200 : i32
        %mul3A_273 = arith.muli %add3A_181, %mul3A_272 : i32
        %dma_start3A_274 = arith.constant 0 : i32
        %dma_start3A_275 = arith.constant 0 : i32
        %dma_start3A_276 = arith.constant 0 : i32
        %dma_start3A_277 = tpu.memref_slice %arg9[%dma_start3A_274, %dma_start3A_275, %dma_start3A_276] : memref<5x200x64xf32, #tpu.memory_space<vmem>> -> memref<1x200x64xf32, #tpu.memory_space<vmem>>
        %dma_start3A_278 = tpu.memref_squeeze %dma_start3A_277 : memref<1x200x64xf32, #tpu.memory_space<vmem>> -> memref<200x64xf32, #tpu.memory_space<vmem>>
        %dma_start3A_279 = tpu.memref_slice %arg7[%mul3A_273] : memref<10000xi32, #tpu.memory_space<vmem>> -> memref<200xi32, #tpu.memory_space<vmem>>
        %dma_start3A_280 = arith.constant 0 : i32
        %dma_start3A_281 = arith.constant 0 : i32
        %dma_start3A_282 = tpu.memref_slice %arg2[%dma_start3A_280, %dma_start3A_281] : memref<10000x64xf32, #tpu.memory_space<hbm>> -> memref<10000x64xf32, #tpu.memory_space<hbm>>
        tpu.enqueue_indirect_dma source(%dma_start3A_282 : memref<10000x64xf32, #tpu.memory_space<hbm>>) target(%dma_start3A_278 : memref<200x64xf32, #tpu.memory_space<vmem>>) offsets(%dma_start3A_279 : memref<200xi32, #tpu.memory_space<vmem>>) semaphore(%arg11 : memref<!tpu.dma_semaphore, #tpu.memory_space<semaphore_mem>>)
      } else {
      }
      %mul3A_192 = arith.constant 5 : i32
      %mul3A_193 = arith.muli %scan3A_74, %mul3A_192 : i32
      %add3A_194 = arith.constant 3 : i32
      %add3A_195 = arith.addi %mul3A_193, %add3A_194 : i32
      %mul3A_196 = arith.constant 200 : i32
      %mul3A_197 = arith.muli %add3A_195, %mul3A_196 : i32
      %dma_wait3A_198 = arith.constant 3 : i32
      %dma_wait3A_199 = arith.constant 0 : i32
      %dma_wait3A_200 = arith.constant 0 : i32
      %dma_wait3A_201 = tpu.memref_slice %arg9[%dma_wait3A_198, %dma_wait3A_199, %dma_wait3A_200] : memref<5x200x64xf32, #tpu.memory_space<vmem>> -> memref<1x200x64xf32, #tpu.memory_space<vmem>>
      %dma_wait3A_202 = tpu.memref_squeeze %dma_wait3A_201 : memref<1x200x64xf32, #tpu.memory_space<vmem>> -> memref<200x64xf32, #tpu.memory_space<vmem>>
      %dma_wait3A_203 = tpu.memref_slice %arg7[%mul3A_197] : memref<10000xi32, #tpu.memory_space<vmem>> -> memref<200xi32, #tpu.memory_space<vmem>>
      %dma_wait3A_204 = arith.constant 0 : i32
      %dma_wait3A_205 = arith.constant 0 : i32
      %dma_wait3A_206 = tpu.memref_slice %arg2[%dma_wait3A_204, %dma_wait3A_205] : memref<10000x64xf32, #tpu.memory_space<hbm>> -> memref<10000x64xf32, #tpu.memory_space<hbm>>
      tpu.wait_indirect_dma semaphore(%arg14 : memref<!tpu.dma_semaphore, #tpu.memory_space<semaphore_mem>>) src(%dma_wait3A_206 : memref<10000x64xf32, #tpu.memory_space<hbm>>) dst(%dma_wait3A_202 : memref<200x64xf32, #tpu.memory_space<vmem>>)
      %mul3A_207 = arith.constant 200 : i32
      %mul3A_208 = arith.muli %add3A_195, %mul3A_207 : i32
      %dma_start3A_209 = arith.constant 3 : i32
      %dma_start3A_210 = arith.constant 0 : i32
      %dma_start3A_211 = arith.constant 0 : i32
      %dma_start3A_212 = tpu.memref_slice %arg9[%dma_start3A_209, %dma_start3A_210, %dma_start3A_211] : memref<5x200x64xf32, #tpu.memory_space<vmem>> -> memref<1x200x64xf32, #tpu.memory_space<vmem>>
      %dma_start3A_213 = tpu.memref_squeeze %dma_start3A_212 : memref<1x200x64xf32, #tpu.memory_space<vmem>> -> memref<200x64xf32, #tpu.memory_space<vmem>>
      %dma_start3A_214 = tpu.memref_slice %arg8[%mul3A_208] : memref<10000xi32, #tpu.memory_space<vmem>> -> memref<200xi32, #tpu.memory_space<vmem>>
      %dma_start3A_215 = arith.constant 0 : i32
      %dma_start3A_216 = arith.constant 0 : i32
      %dma_start3A_217 = tpu.memref_slice %arg10[%dma_start3A_215, %dma_start3A_216] : memref<10000x64xf32, #tpu.memory_space<vmem_shared>> -> memref<10000x64xf32, #tpu.memory_space<vmem_shared>>
      tpu.enqueue_indirect_dma source(%dma_start3A_213 : memref<200x64xf32, #tpu.memory_space<vmem>>) target(%dma_start3A_217 : memref<10000x64xf32, #tpu.memory_space<vmem_shared>>) offsets(%dma_start3A_214 : memref<200xi32, #tpu.memory_space<vmem>>) semaphore(%arg19 : memref<!tpu.dma_semaphore, #tpu.memory_space<semaphore_mem>>) {add = true}
      %sub3A_218 = arith.constant 2 : i32
      %sub3A_219 = arith.subi %add3A_195, %sub3A_218 : i32
      %add3A_220 = arith.constant 3 : i32
      %add3A_221 = arith.addi %add3A_195, %add3A_220 : i32
      %ge3A_222 = arith.constant 0 : i32
      %ge3A_223 = arith.cmpi sge, %sub3A_219, %ge3A_222 : i32
      %convert_element_type3A_224 = arith.extui %ge3A_223 : i1 to i32
      %cond3A_225 = arith.constant 0 : i32
      %cond3A_226 = arith.cmpi ne, %convert_element_type3A_224, %cond3A_225 : i32
      scf.if %cond3A_226 {
        %mul3A_272 = arith.constant 200 : i32
        %mul3A_273 = arith.muli %sub3A_219, %mul3A_272 : i32
        %dma_wait3A_274 = arith.constant 1 : i32
        %dma_wait3A_275 = arith.constant 0 : i32
        %dma_wait3A_276 = arith.constant 0 : i32
        %dma_wait3A_277 = tpu.memref_slice %arg9[%dma_wait3A_274, %dma_wait3A_275, %dma_wait3A_276] : memref<5x200x64xf32, #tpu.memory_space<vmem>> -> memref<1x200x64xf32, #tpu.memory_space<vmem>>
        %dma_wait3A_278 = tpu.memref_squeeze %dma_wait3A_277 : memref<1x200x64xf32, #tpu.memory_space<vmem>> -> memref<200x64xf32, #tpu.memory_space<vmem>>
        %dma_wait3A_279 = tpu.memref_slice %arg8[%mul3A_273] : memref<10000xi32, #tpu.memory_space<vmem>> -> memref<200xi32, #tpu.memory_space<vmem>>
        %dma_wait3A_280 = arith.constant 0 : i32
        %dma_wait3A_281 = arith.constant 0 : i32
        %dma_wait3A_282 = tpu.memref_slice %arg10[%dma_wait3A_280, %dma_wait3A_281] : memref<10000x64xf32, #tpu.memory_space<vmem_shared>> -> memref<10000x64xf32, #tpu.memory_space<vmem_shared>>
        tpu.wait_indirect_dma semaphore(%arg17 : memref<!tpu.dma_semaphore, #tpu.memory_space<semaphore_mem>>) src(%dma_wait3A_278 : memref<200x64xf32, #tpu.memory_space<vmem>>) dst(%dma_wait3A_282 : memref<10000x64xf32, #tpu.memory_space<vmem_shared>>)
      } else {
      }
      %lt3A_227 = arith.constant 50 : i32
      %lt3A_228 = arith.cmpi slt, %add3A_221, %lt3A_227 : i32
      %convert_element_type3A_229 = arith.extui %lt3A_228 : i1 to i32
      %cond3A_230 = arith.constant 0 : i32
      %cond3A_231 = arith.cmpi ne, %convert_element_type3A_229, %cond3A_230 : i32
      scf.if %cond3A_231 {
        %mul3A_272 = arith.constant 200 : i32
        %mul3A_273 = arith.muli %add3A_221, %mul3A_272 : i32
        %dma_start3A_274 = arith.constant 1 : i32
        %dma_start3A_275 = arith.constant 0 : i32
        %dma_start3A_276 = arith.constant 0 : i32
        %dma_start3A_277 = tpu.memref_slice %arg9[%dma_start3A_274, %dma_start3A_275, %dma_start3A_276] : memref<5x200x64xf32, #tpu.memory_space<vmem>> -> memref<1x200x64xf32, #tpu.memory_space<vmem>>
        %dma_start3A_278 = tpu.memref_squeeze %dma_start3A_277 : memref<1x200x64xf32, #tpu.memory_space<vmem>> -> memref<200x64xf32, #tpu.memory_space<vmem>>
        %dma_start3A_279 = tpu.memref_slice %arg7[%mul3A_273] : memref<10000xi32, #tpu.memory_space<vmem>> -> memref<200xi32, #tpu.memory_space<vmem>>
        %dma_start3A_280 = arith.constant 0 : i32
        %dma_start3A_281 = arith.constant 0 : i32
        %dma_start3A_282 = tpu.memref_slice %arg2[%dma_start3A_280, %dma_start3A_281] : memref<10000x64xf32, #tpu.memory_space<hbm>> -> memref<10000x64xf32, #tpu.memory_space<hbm>>
        tpu.enqueue_indirect_dma source(%dma_start3A_282 : memref<10000x64xf32, #tpu.memory_space<hbm>>) target(%dma_start3A_278 : memref<200x64xf32, #tpu.memory_space<vmem>>) offsets(%dma_start3A_279 : memref<200xi32, #tpu.memory_space<vmem>>) semaphore(%arg12 : memref<!tpu.dma_semaphore, #tpu.memory_space<semaphore_mem>>)
      } else {
      }
      %mul3A_232 = arith.constant 5 : i32
      %mul3A_233 = arith.muli %scan3A_74, %mul3A_232 : i32
      %add3A_234 = arith.constant 4 : i32
      %add3A_235 = arith.addi %mul3A_233, %add3A_234 : i32
      %mul3A_236 = arith.constant 200 : i32
      %mul3A_237 = arith.muli %add3A_235, %mul3A_236 : i32
      %dma_wait3A_238 = arith.constant 4 : i32
      %dma_wait3A_239 = arith.constant 0 : i32
      %dma_wait3A_240 = arith.constant 0 : i32
      %dma_wait3A_241 = tpu.memref_slice %arg9[%dma_wait3A_238, %dma_wait3A_239, %dma_wait3A_240] : memref<5x200x64xf32, #tpu.memory_space<vmem>> -> memref<1x200x64xf32, #tpu.memory_space<vmem>>
      %dma_wait3A_242 = tpu.memref_squeeze %dma_wait3A_241 : memref<1x200x64xf32, #tpu.memory_space<vmem>> -> memref<200x64xf32, #tpu.memory_space<vmem>>
      %dma_wait3A_243 = tpu.memref_slice %arg7[%mul3A_237] : memref<10000xi32, #tpu.memory_space<vmem>> -> memref<200xi32, #tpu.memory_space<vmem>>
      %dma_wait3A_244 = arith.constant 0 : i32
      %dma_wait3A_245 = arith.constant 0 : i32
      %dma_wait3A_246 = tpu.memref_slice %arg2[%dma_wait3A_244, %dma_wait3A_245] : memref<10000x64xf32, #tpu.memory_space<hbm>> -> memref<10000x64xf32, #tpu.memory_space<hbm>>
      tpu.wait_indirect_dma semaphore(%arg15 : memref<!tpu.dma_semaphore, #tpu.memory_space<semaphore_mem>>) src(%dma_wait3A_246 : memref<10000x64xf32, #tpu.memory_space<hbm>>) dst(%dma_wait3A_242 : memref<200x64xf32, #tpu.memory_space<vmem>>)
      %mul3A_247 = arith.constant 200 : i32
      %mul3A_248 = arith.muli %add3A_235, %mul3A_247 : i32
      %dma_start3A_249 = arith.constant 4 : i32
      %dma_start3A_250 = arith.constant 0 : i32
      %dma_start3A_251 = arith.constant 0 : i32
      %dma_start3A_252 = tpu.memref_slice %arg9[%dma_start3A_249, %dma_start3A_250, %dma_start3A_251] : memref<5x200x64xf32, #tpu.memory_space<vmem>> -> memref<1x200x64xf32, #tpu.memory_space<vmem>>
      %dma_start3A_253 = tpu.memref_squeeze %dma_start3A_252 : memref<1x200x64xf32, #tpu.memory_space<vmem>> -> memref<200x64xf32, #tpu.memory_space<vmem>>
      %dma_start3A_254 = tpu.memref_slice %arg8[%mul3A_248] : memref<10000xi32, #tpu.memory_space<vmem>> -> memref<200xi32, #tpu.memory_space<vmem>>
      %dma_start3A_255 = arith.constant 0 : i32
      %dma_start3A_256 = arith.constant 0 : i32
      %dma_start3A_257 = tpu.memref_slice %arg10[%dma_start3A_255, %dma_start3A_256] : memref<10000x64xf32, #tpu.memory_space<vmem_shared>> -> memref<10000x64xf32, #tpu.memory_space<vmem_shared>>
      tpu.enqueue_indirect_dma source(%dma_start3A_253 : memref<200x64xf32, #tpu.memory_space<vmem>>) target(%dma_start3A_257 : memref<10000x64xf32, #tpu.memory_space<vmem_shared>>) offsets(%dma_start3A_254 : memref<200xi32, #tpu.memory_space<vmem>>) semaphore(%arg20 : memref<!tpu.dma_semaphore, #tpu.memory_space<semaphore_mem>>) {add = true}
      %sub3A_258 = arith.constant 2 : i32
      %sub3A_259 = arith.subi %add3A_235, %sub3A_258 : i32
      %add3A_260 = arith.constant 3 : i32
      %add3A_261 = arith.addi %add3A_235, %add3A_260 : i32
      %ge3A_262 = arith.constant 0 : i32
      %ge3A_263 = arith.cmpi sge, %sub3A_259, %ge3A_262 : i32
      %convert_element_type3A_264 = arith.extui %ge3A_263 : i1 to i32
      %cond3A_265 = arith.constant 0 : i32
      %cond3A_266 = arith.cmpi ne, %convert_element_type3A_264, %cond3A_265 : i32
      scf.if %cond3A_266 {
        %mul3A_272 = arith.constant 200 : i32
        %mul3A_273 = arith.muli %sub3A_259, %mul3A_272 : i32
        %dma_wait3A_274 = arith.constant 2 : i32
        %dma_wait3A_275 = arith.constant 0 : i32
        %dma_wait3A_276 = arith.constant 0 : i32
        %dma_wait3A_277 = tpu.memref_slice %arg9[%dma_wait3A_274, %dma_wait3A_275, %dma_wait3A_276] : memref<5x200x64xf32, #tpu.memory_space<vmem>> -> memref<1x200x64xf32, #tpu.memory_space<vmem>>
        %dma_wait3A_278 = tpu.memref_squeeze %dma_wait3A_277 : memref<1x200x64xf32, #tpu.memory_space<vmem>> -> memref<200x64xf32, #tpu.memory_space<vmem>>
        %dma_wait3A_279 = tpu.memref_slice %arg8[%mul3A_273] : memref<10000xi32, #tpu.memory_space<vmem>> -> memref<200xi32, #tpu.memory_space<vmem>>
        %dma_wait3A_280 = arith.constant 0 : i32
        %dma_wait3A_281 = arith.constant 0 : i32
        %dma_wait3A_282 = tpu.memref_slice %arg10[%dma_wait3A_280, %dma_wait3A_281] : memref<10000x64xf32, #tpu.memory_space<vmem_shared>> -> memref<10000x64xf32, #tpu.memory_space<vmem_shared>>
        tpu.wait_indirect_dma semaphore(%arg18 : memref<!tpu.dma_semaphore, #tpu.memory_space<semaphore_mem>>) src(%dma_wait3A_278 : memref<200x64xf32, #tpu.memory_space<vmem>>) dst(%dma_wait3A_282 : memref<10000x64xf32, #tpu.memory_space<vmem_shared>>)
      } else {
      }
      %lt3A_267 = arith.constant 50 : i32
      %lt3A_268 = arith.cmpi slt, %add3A_261, %lt3A_267 : i32
      %convert_element_type3A_269 = arith.extui %lt3A_268 : i1 to i32
      %cond3A_270 = arith.constant 0 : i32
      %cond3A_271 = arith.cmpi ne, %convert_element_type3A_269, %cond3A_270 : i32
      scf.if %cond3A_271 {
        %mul3A_272 = arith.constant 200 : i32
        %mul3A_273 = arith.muli %add3A_261, %mul3A_272 : i32
        %dma_start3A_274 = arith.constant 2 : i32
        %dma_start3A_275 = arith.constant 0 : i32
        %dma_start3A_276 = arith.constant 0 : i32
        %dma_start3A_277 = tpu.memref_slice %arg9[%dma_start3A_274, %dma_start3A_275, %dma_start3A_276] : memref<5x200x64xf32, #tpu.memory_space<vmem>> -> memref<1x200x64xf32, #tpu.memory_space<vmem>>
        %dma_start3A_278 = tpu.memref_squeeze %dma_start3A_277 : memref<1x200x64xf32, #tpu.memory_space<vmem>> -> memref<200x64xf32, #tpu.memory_space<vmem>>
        %dma_start3A_279 = tpu.memref_slice %arg7[%mul3A_273] : memref<10000xi32, #tpu.memory_space<vmem>> -> memref<200xi32, #tpu.memory_space<vmem>>
        %dma_start3A_280 = arith.constant 0 : i32
        %dma_start3A_281 = arith.constant 0 : i32
        %dma_start3A_282 = tpu.memref_slice %arg2[%dma_start3A_280, %dma_start3A_281] : memref<10000x64xf32, #tpu.memory_space<hbm>> -> memref<10000x64xf32, #tpu.memory_space<hbm>>
        tpu.enqueue_indirect_dma source(%dma_start3A_282 : memref<10000x64xf32, #tpu.memory_space<hbm>>) target(%dma_start3A_278 : memref<200x64xf32, #tpu.memory_space<vmem>>) offsets(%dma_start3A_279 : memref<200xi32, #tpu.memory_space<vmem>>) semaphore(%arg13 : memref<!tpu.dma_semaphore, #tpu.memory_space<semaphore_mem>>)
      } else {
      }
    }
    %scan3A_44 = arith.constant 10 : i32
    %dma_wait3A = arith.constant 3 : i32
    %dma_wait3A_45 = arith.constant 0 : i32
    %dma_wait3A_46 = arith.constant 0 : i32
    %dma_wait3A_47 = tpu.memref_slice %arg9[%dma_wait3A, %dma_wait3A_45, %dma_wait3A_46] : memref<5x200x64xf32, #tpu.memory_space<vmem>> -> memref<1x200x64xf32, #tpu.memory_space<vmem>>
    %dma_wait3A_48 = tpu.memref_squeeze %dma_wait3A_47 : memref<1x200x64xf32, #tpu.memory_space<vmem>> -> memref<200x64xf32, #tpu.memory_space<vmem>>
    %dma_wait3A_49 = arith.constant 9600 : i32
    %dma_wait3A_50 = tpu.memref_slice %arg8[%dma_wait3A_49] : memref<10000xi32, #tpu.memory_space<vmem>> -> memref<200xi32, #tpu.memory_space<vmem>>
    %dma_wait3A_51 = arith.constant 0 : i32
    %dma_wait3A_52 = arith.constant 0 : i32
    %dma_wait3A_53 = tpu.memref_slice %arg10[%dma_wait3A_51, %dma_wait3A_52] : memref<10000x64xf32, #tpu.memory_space<vmem_shared>> -> memref<10000x64xf32, #tpu.memory_space<vmem_shared>>
    tpu.wait_indirect_dma semaphore(%arg19 : memref<!tpu.dma_semaphore, #tpu.memory_space<semaphore_mem>>) src(%dma_wait3A_48 : memref<200x64xf32, #tpu.memory_space<vmem>>) dst(%dma_wait3A_53 : memref<10000x64xf32, #tpu.memory_space<vmem_shared>>)
    %dma_wait3A_54 = arith.constant 4 : i32
    %dma_wait3A_55 = arith.constant 0 : i32
    %dma_wait3A_56 = arith.constant 0 : i32
    %dma_wait3A_57 = tpu.memref_slice %arg9[%dma_wait3A_54, %dma_wait3A_55, %dma_wait3A_56] : memref<5x200x64xf32, #tpu.memory_space<vmem>> -> memref<1x200x64xf32, #tpu.memory_space<vmem>>
    %dma_wait3A_58 = tpu.memref_squeeze %dma_wait3A_57 : memref<1x200x64xf32, #tpu.memory_space<vmem>> -> memref<200x64xf32, #tpu.memory_space<vmem>>
    %dma_wait3A_59 = arith.constant 9800 : i32
    %dma_wait3A_60 = tpu.memref_slice %arg8[%dma_wait3A_59] : memref<10000xi32, #tpu.memory_space<vmem>> -> memref<200xi32, #tpu.memory_space<vmem>>
    %dma_wait3A_61 = arith.constant 0 : i32
    %dma_wait3A_62 = arith.constant 0 : i32
    %dma_wait3A_63 = tpu.memref_slice %arg10[%dma_wait3A_61, %dma_wait3A_62] : memref<10000x64xf32, #tpu.memory_space<vmem_shared>> -> memref<10000x64xf32, #tpu.memory_space<vmem_shared>>
    tpu.wait_indirect_dma semaphore(%arg20 : memref<!tpu.dma_semaphore, #tpu.memory_space<semaphore_mem>>) src(%dma_wait3A_58 : memref<200x64xf32, #tpu.memory_space<vmem>>) dst(%dma_wait3A_63 : memref<10000x64xf32, #tpu.memory_space<vmem_shared>>)
    %barrier3A_64 = arith.constant 0 : index
    tpu.barrier barrier_id(%barrier3A_64)
    %mul3A_65 = arith.constant 624 : i32
    %mul3A_66 = arith.muli %arg1, %mul3A_65 : i32
    %mul3A_67 = arith.constant 624 : i32
    %mul3A_68 = arith.muli %arg1, %mul3A_67 : i32
    "tpu.region"() ({
      %run_scoped3A = tpu.sem_alloc : memref<!tpu.dma_semaphore, #tpu.memory_space<semaphore_mem>>
      %dma_start3A_74 = arith.constant 0 : i32
      %dma_start3A_75 = tpu.memref_slice %arg6[%arg0, %mul3A_68, %dma_start3A_74] : memref<2x10000x64xf32, #tpu.memory_space<hbm>> -> memref<1x624x64xf32, #tpu.memory_space<hbm>>
      %dma_start3A_76 = tpu.memref_squeeze %dma_start3A_75 : memref<1x624x64xf32, #tpu.memory_space<hbm>> -> memref<624x64xf32, #tpu.memory_space<hbm>>
      %dma_start3A_77 = arith.constant 0 : i32
      %dma_start3A_78 = tpu.memref_slice %arg10[%mul3A_66, %dma_start3A_77] : memref<10000x64xf32, #tpu.memory_space<vmem_shared>> -> memref<624x64xf32, #tpu.memory_space<vmem_shared>>
      tpu.enqueue_dma source(%dma_start3A_78 : memref<624x64xf32, #tpu.memory_space<vmem_shared>>) target(%dma_start3A_76 : memref<624x64xf32, #tpu.memory_space<hbm>>) target_semaphore(%run_scoped3A : memref<!tpu.dma_semaphore, #tpu.memory_space<semaphore_mem>>)
      %dma_wait3A_79 = arith.constant 0 : i32
      %dma_wait3A_80 = tpu.memref_slice %arg6[%arg0, %mul3A_68, %dma_wait3A_79] : memref<2x10000x64xf32, #tpu.memory_space<hbm>> -> memref<1x624x64xf32, #tpu.memory_space<hbm>>
      %dma_wait3A_81 = tpu.memref_squeeze %dma_wait3A_80 : memref<1x624x64xf32, #tpu.memory_space<hbm>> -> memref<624x64xf32, #tpu.memory_space<hbm>>
      %dma_wait3A_82 = arith.constant 0 : i32
      %dma_wait3A_83 = tpu.memref_slice %arg10[%mul3A_66, %dma_wait3A_82] : memref<10000x64xf32, #tpu.memory_space<vmem_shared>> -> memref<624x64xf32, #tpu.memory_space<vmem_shared>>
      tpu.wait_dma2 semaphore(%run_scoped3A : memref<!tpu.dma_semaphore, #tpu.memory_space<semaphore_mem>>) src(%dma_wait3A_83 : memref<624x64xf32, #tpu.memory_space<vmem_shared>>) dst(%dma_wait3A_81 : memref<624x64xf32, #tpu.memory_space<hbm>>)
      tpu.yield
    }) : () -> ()
    %eq3A_69 = arith.constant 15 : i32
    %eq3A_70 = arith.cmpi eq, %arg1, %eq3A_69 : i32
    %convert_element_type3A_71 = arith.extui %eq3A_70 : i1 to i32
    %cond3A_72 = arith.constant 0 : i32
    %cond3A_73 = arith.cmpi ne, %convert_element_type3A_71, %cond3A_72 : i32
    scf.if %cond3A_73 {
      "tpu.region"() ({
        %run_scoped3A = tpu.sem_alloc : memref<!tpu.dma_semaphore, #tpu.memory_space<semaphore_mem>>
        %dma_start3A_74 = arith.constant 9984 : i32
        %dma_start3A_75 = arith.constant 0 : i32
        %dma_start3A_76 = tpu.memref_slice %arg6[%arg0, %dma_start3A_74, %dma_start3A_75] : memref<2x10000x64xf32, #tpu.memory_space<hbm>> -> memref<1x16x64xf32, #tpu.memory_space<hbm>>
        %dma_start3A_77 = tpu.memref_squeeze %dma_start3A_76 : memref<1x16x64xf32, #tpu.memory_space<hbm>> -> memref<16x64xf32, #tpu.memory_space<hbm>>
        %dma_start3A_78 = arith.constant 9984 : i32
        %dma_start3A_79 = arith.constant 0 : i32
        %dma_start3A_80 = tpu.memref_slice %arg10[%dma_start3A_78, %dma_start3A_79] : memref<10000x64xf32, #tpu.memory_space<vmem_shared>> -> memref<16x64xf32, #tpu.memory_space<vmem_shared>>
        tpu.enqueue_dma source(%dma_start3A_80 : memref<16x64xf32, #tpu.memory_space<vmem_shared>>) target(%dma_start3A_77 : memref<16x64xf32, #tpu.memory_space<hbm>>) target_semaphore(%run_scoped3A : memref<!tpu.dma_semaphore, #tpu.memory_space<semaphore_mem>>)
        %dma_wait3A_81 = arith.constant 9984 : i32
        %dma_wait3A_82 = arith.constant 0 : i32
        %dma_wait3A_83 = tpu.memref_slice %arg6[%arg0, %dma_wait3A_81, %dma_wait3A_82] : memref<2x10000x64xf32, #tpu.memory_space<hbm>> -> memref<1x16x64xf32, #tpu.memory_space<hbm>>
        %dma_wait3A_84 = tpu.memref_squeeze %dma_wait3A_83 : memref<1x16x64xf32, #tpu.memory_space<hbm>> -> memref<16x64xf32, #tpu.memory_space<hbm>>
        %dma_wait3A_85 = arith.constant 9984 : i32
        %dma_wait3A_86 = arith.constant 0 : i32
        %dma_wait3A_87 = tpu.memref_slice %arg10[%dma_wait3A_85, %dma_wait3A_86] : memref<10000x64xf32, #tpu.memory_space<vmem_shared>> -> memref<16x64xf32, #tpu.memory_space<vmem_shared>>
        tpu.wait_dma2 semaphore(%run_scoped3A : memref<!tpu.dma_semaphore, #tpu.memory_space<semaphore_mem>>) src(%dma_wait3A_87 : memref<16x64xf32, #tpu.memory_space<vmem_shared>>) dst(%dma_wait3A_84 : memref<16x64xf32, #tpu.memory_space<hbm>>)
        tpu.yield
      }) : () -> ()
    } else {
    }
    return
  }
}

#map = affine_map<(d0, d1) -> (0, 0)>
#map1 = affine_map<(d0, d1) -> (0, 0, 0)>
module attributes {stable_mosaic.version = 14 : i64} {
  func.func @agg0(%arg0: i32, %arg1: i32, %arg2: memref<20000x64xf32, #tpu.memory_space<hbm>>, %arg3: memref<2560x125xi32, #tpu.memory_space<hbm>>, %arg4: memref<2560x125xi32, #tpu.memory_space<hbm>>, %arg5: memref<2560x125xi32, #tpu.memory_space<hbm>>, %arg6: memref<10000x64xf32, #tpu.memory_space<hbm>>, %arg7: memref<2x10000x64xf32, #tpu.memory_space<hbm>>, %arg8: memref<160x125xi32, #tpu.memory_space<vmem>>, %arg9: memref<160x125xi32, #tpu.memory_space<vmem>>, %arg10: memref<5x125x64xf32, #tpu.memory_space<vmem>>, %arg11: memref<10000x64xf32, #tpu.memory_space<vmem_shared>>, %arg12: memref<!tpu.dma_semaphore, #tpu.memory_space<semaphore_mem>>, %arg13: memref<!tpu.dma_semaphore, #tpu.memory_space<semaphore_mem>>, %arg14: memref<!tpu.dma_semaphore, #tpu.memory_space<semaphore_mem>>, %arg15: memref<!tpu.dma_semaphore, #tpu.memory_space<semaphore_mem>>, %arg16: memref<!tpu.dma_semaphore, #tpu.memory_space<semaphore_mem>>, %arg17: memref<!tpu.dma_semaphore, #tpu.memory_space<semaphore_mem>>, %arg18: memref<!tpu.dma_semaphore, #tpu.memory_space<semaphore_mem>>, %arg19: memref<!tpu.dma_semaphore, #tpu.memory_space<semaphore_mem>>, %arg20: memref<!tpu.dma_semaphore, #tpu.memory_space<semaphore_mem>>, %arg21: memref<!tpu.dma_semaphore, #tpu.memory_space<semaphore_mem>>) attributes {dimension_semantics = [#tpu.dimension_semantics<core_parallel>, #tpu.dimension_semantics<subcore_parallel>], iteration_bounds = array<i64: 2, 16>, scalar_prefetch = 0 : i64, scratch_operands = 14 : i64, tpu.core_type = #tpu.core_type<sc_vector_subcore>, window_params = [{transform_indices = #map}, {transform_indices = #map}, {transform_indices = #map}, {transform_indices = #map}, {transform_indices = #map}, {transform_indices = #map1}]} {
    %mul3A = arith.constant 624 : i32
    %mul3A_0 = arith.muli %arg1, %mul3A : i32
    %mul3A_1 = arith.constant 624 : i32
    %mul3A_2 = arith.muli %arg1, %mul3A_1 : i32
    "tpu.region"() ({
      %run_scoped3A = tpu.sem_alloc : memref<!tpu.dma_semaphore, #tpu.memory_space<semaphore_mem>>
      %dma_start3A_90 = arith.constant 0 : i32
      %dma_start3A_91 = tpu.memref_slice %arg11[%mul3A_2, %dma_start3A_90] : memref<10000x64xf32, #tpu.memory_space<vmem_shared>> -> memref<624x64xf32, #tpu.memory_space<vmem_shared>>
      %dma_start3A_92 = arith.constant 0 : i32
      %dma_start3A_93 = tpu.memref_slice %arg6[%mul3A_0, %dma_start3A_92] : memref<10000x64xf32, #tpu.memory_space<hbm>> -> memref<624x64xf32, #tpu.memory_space<hbm>>
      tpu.enqueue_dma source(%dma_start3A_93 : memref<624x64xf32, #tpu.memory_space<hbm>>) target(%dma_start3A_91 : memref<624x64xf32, #tpu.memory_space<vmem_shared>>) target_semaphore(%run_scoped3A : memref<!tpu.dma_semaphore, #tpu.memory_space<semaphore_mem>>)
      %dma_wait3A_94 = arith.constant 0 : i32
      %dma_wait3A_95 = tpu.memref_slice %arg11[%mul3A_2, %dma_wait3A_94] : memref<10000x64xf32, #tpu.memory_space<vmem_shared>> -> memref<624x64xf32, #tpu.memory_space<vmem_shared>>
      %dma_wait3A_96 = arith.constant 0 : i32
      %dma_wait3A_97 = tpu.memref_slice %arg6[%mul3A_0, %dma_wait3A_96] : memref<10000x64xf32, #tpu.memory_space<hbm>> -> memref<624x64xf32, #tpu.memory_space<hbm>>
      tpu.wait_dma2 semaphore(%run_scoped3A : memref<!tpu.dma_semaphore, #tpu.memory_space<semaphore_mem>>) src(%dma_wait3A_97 : memref<624x64xf32, #tpu.memory_space<hbm>>) dst(%dma_wait3A_95 : memref<624x64xf32, #tpu.memory_space<vmem_shared>>)
      tpu.yield
    }) : () -> ()
    %eq3A = arith.constant 15 : i32
    %eq3A_3 = arith.cmpi eq, %arg1, %eq3A : i32
    %convert_element_type3A = arith.extui %eq3A_3 : i1 to i32
    %cond3A = arith.constant 0 : i32
    %cond3A_4 = arith.cmpi ne, %convert_element_type3A, %cond3A : i32
    scf.if %cond3A_4 {
      "tpu.region"() ({
        %run_scoped3A = tpu.sem_alloc : memref<!tpu.dma_semaphore, #tpu.memory_space<semaphore_mem>>
        %dma_start3A_90 = arith.constant 9984 : i32
        %dma_start3A_91 = arith.constant 0 : i32
        %dma_start3A_92 = tpu.memref_slice %arg11[%dma_start3A_90, %dma_start3A_91] : memref<10000x64xf32, #tpu.memory_space<vmem_shared>> -> memref<16x64xf32, #tpu.memory_space<vmem_shared>>
        %dma_start3A_93 = arith.constant 9984 : i32
        %dma_start3A_94 = arith.constant 0 : i32
        %dma_start3A_95 = tpu.memref_slice %arg6[%dma_start3A_93, %dma_start3A_94] : memref<10000x64xf32, #tpu.memory_space<hbm>> -> memref<16x64xf32, #tpu.memory_space<hbm>>
        tpu.enqueue_dma source(%dma_start3A_95 : memref<16x64xf32, #tpu.memory_space<hbm>>) target(%dma_start3A_92 : memref<16x64xf32, #tpu.memory_space<vmem_shared>>) target_semaphore(%run_scoped3A : memref<!tpu.dma_semaphore, #tpu.memory_space<semaphore_mem>>)
        %dma_wait3A_96 = arith.constant 9984 : i32
        %dma_wait3A_97 = arith.constant 0 : i32
        %dma_wait3A_98 = tpu.memref_slice %arg11[%dma_wait3A_96, %dma_wait3A_97] : memref<10000x64xf32, #tpu.memory_space<vmem_shared>> -> memref<16x64xf32, #tpu.memory_space<vmem_shared>>
        %dma_wait3A_99 = arith.constant 9984 : i32
        %dma_wait3A_100 = arith.constant 0 : i32
        %dma_wait3A_101 = tpu.memref_slice %arg6[%dma_wait3A_99, %dma_wait3A_100] : memref<10000x64xf32, #tpu.memory_space<hbm>> -> memref<16x64xf32, #tpu.memory_space<hbm>>
        tpu.wait_dma2 semaphore(%run_scoped3A : memref<!tpu.dma_semaphore, #tpu.memory_space<semaphore_mem>>) src(%dma_wait3A_101 : memref<16x64xf32, #tpu.memory_space<hbm>>) dst(%dma_wait3A_98 : memref<16x64xf32, #tpu.memory_space<vmem_shared>>)
        tpu.yield
      }) : () -> ()
    } else {
    }
    %eq3A_5 = arith.constant 0 : i32
    %eq3A_6 = arith.cmpi eq, %arg0, %eq3A_5 : i32
    %convert_element_type3A_7 = arith.extui %eq3A_6 : i1 to i32
    %cond3A_8 = arith.constant 0 : i32
    %cond3A_9 = arith.cmpi ne, %convert_element_type3A_7, %cond3A_8 : i32
    scf.if %cond3A_9 {
      %mul3A_90 = arith.constant 160 : i32
      %mul3A_91 = arith.muli %arg1, %mul3A_90 : i32
      "tpu.region"() ({
        %run_scoped3A = tpu.sem_alloc : memref<!tpu.dma_semaphore, #tpu.memory_space<semaphore_mem>>
        %dma_start3A_92 = arith.constant 0 : i32
        %dma_start3A_93 = tpu.memref_slice %arg3[%mul3A_91, %dma_start3A_92] : memref<2560x125xi32, #tpu.memory_space<hbm>> -> memref<160x125xi32, #tpu.memory_space<hbm>>
        %dma_start3A_94 = arith.constant 0 : i32
        %dma_start3A_95 = tpu.memref_slice %arg3[%mul3A_91, %dma_start3A_94] : memref<2560x125xi32, #tpu.memory_space<hbm>> -> memref<160x125xi32, #tpu.memory_space<hbm>>
        tpu.enqueue_dma source(%dma_start3A_95 : memref<160x125xi32, #tpu.memory_space<hbm>>) target(%arg8 : memref<160x125xi32, #tpu.memory_space<vmem>>) target_semaphore(%run_scoped3A : memref<!tpu.dma_semaphore, #tpu.memory_space<semaphore_mem>>)
        %dma_wait3A_96 = arith.constant 0 : i32
        %dma_wait3A_97 = tpu.memref_slice %arg3[%mul3A_91, %dma_wait3A_96] : memref<2560x125xi32, #tpu.memory_space<hbm>> -> memref<160x125xi32, #tpu.memory_space<hbm>>
        %dma_wait3A_98 = arith.constant 0 : i32
        %dma_wait3A_99 = tpu.memref_slice %arg3[%mul3A_91, %dma_wait3A_98] : memref<2560x125xi32, #tpu.memory_space<hbm>> -> memref<160x125xi32, #tpu.memory_space<hbm>>
        tpu.wait_dma2 semaphore(%run_scoped3A : memref<!tpu.dma_semaphore, #tpu.memory_space<semaphore_mem>>) src(%dma_wait3A_99 : memref<160x125xi32, #tpu.memory_space<hbm>>) dst(%arg8 : memref<160x125xi32, #tpu.memory_space<vmem>>)
        tpu.yield
      }) : () -> ()
    } else {
    }
    %eq3A_10 = arith.constant 1 : i32
    %eq3A_11 = arith.cmpi eq, %arg0, %eq3A_10 : i32
    %convert_element_type3A_12 = arith.extui %eq3A_11 : i1 to i32
    %cond3A_13 = arith.constant 0 : i32
    %cond3A_14 = arith.cmpi ne, %convert_element_type3A_12, %cond3A_13 : i32
    scf.if %cond3A_14 {
      %mul3A_90 = arith.constant 160 : i32
      %mul3A_91 = arith.muli %arg1, %mul3A_90 : i32
      "tpu.region"() ({
        %run_scoped3A = tpu.sem_alloc : memref<!tpu.dma_semaphore, #tpu.memory_space<semaphore_mem>>
        %dma_start3A_92 = arith.constant 0 : i32
        %dma_start3A_93 = tpu.memref_slice %arg4[%mul3A_91, %dma_start3A_92] : memref<2560x125xi32, #tpu.memory_space<hbm>> -> memref<160x125xi32, #tpu.memory_space<hbm>>
        %dma_start3A_94 = arith.constant 0 : i32
        %dma_start3A_95 = tpu.memref_slice %arg4[%mul3A_91, %dma_start3A_94] : memref<2560x125xi32, #tpu.memory_space<hbm>> -> memref<160x125xi32, #tpu.memory_space<hbm>>
        tpu.enqueue_dma source(%dma_start3A_95 : memref<160x125xi32, #tpu.memory_space<hbm>>) target(%arg8 : memref<160x125xi32, #tpu.memory_space<vmem>>) target_semaphore(%run_scoped3A : memref<!tpu.dma_semaphore, #tpu.memory_space<semaphore_mem>>)
        %dma_wait3A_96 = arith.constant 0 : i32
        %dma_wait3A_97 = tpu.memref_slice %arg4[%mul3A_91, %dma_wait3A_96] : memref<2560x125xi32, #tpu.memory_space<hbm>> -> memref<160x125xi32, #tpu.memory_space<hbm>>
        %dma_wait3A_98 = arith.constant 0 : i32
        %dma_wait3A_99 = tpu.memref_slice %arg4[%mul3A_91, %dma_wait3A_98] : memref<2560x125xi32, #tpu.memory_space<hbm>> -> memref<160x125xi32, #tpu.memory_space<hbm>>
        tpu.wait_dma2 semaphore(%run_scoped3A : memref<!tpu.dma_semaphore, #tpu.memory_space<semaphore_mem>>) src(%dma_wait3A_99 : memref<160x125xi32, #tpu.memory_space<hbm>>) dst(%arg8 : memref<160x125xi32, #tpu.memory_space<vmem>>)
        tpu.yield
      }) : () -> ()
    } else {
    }
    %mul3A_15 = arith.constant 160 : i32
    %mul3A_16 = arith.muli %arg1, %mul3A_15 : i32
    "tpu.region"() ({
      %run_scoped3A = tpu.sem_alloc : memref<!tpu.dma_semaphore, #tpu.memory_space<semaphore_mem>>
      %dma_start3A_90 = arith.constant 0 : i32
      %dma_start3A_91 = tpu.memref_slice %arg5[%mul3A_16, %dma_start3A_90] : memref<2560x125xi32, #tpu.memory_space<hbm>> -> memref<160x125xi32, #tpu.memory_space<hbm>>
      %dma_start3A_92 = arith.constant 0 : i32
      %dma_start3A_93 = tpu.memref_slice %arg5[%mul3A_16, %dma_start3A_92] : memref<2560x125xi32, #tpu.memory_space<hbm>> -> memref<160x125xi32, #tpu.memory_space<hbm>>
      tpu.enqueue_dma source(%dma_start3A_93 : memref<160x125xi32, #tpu.memory_space<hbm>>) target(%arg9 : memref<160x125xi32, #tpu.memory_space<vmem>>) target_semaphore(%run_scoped3A : memref<!tpu.dma_semaphore, #tpu.memory_space<semaphore_mem>>)
      %dma_wait3A_94 = arith.constant 0 : i32
      %dma_wait3A_95 = tpu.memref_slice %arg5[%mul3A_16, %dma_wait3A_94] : memref<2560x125xi32, #tpu.memory_space<hbm>> -> memref<160x125xi32, #tpu.memory_space<hbm>>
      %dma_wait3A_96 = arith.constant 0 : i32
      %dma_wait3A_97 = tpu.memref_slice %arg5[%mul3A_16, %dma_wait3A_96] : memref<2560x125xi32, #tpu.memory_space<hbm>> -> memref<160x125xi32, #tpu.memory_space<hbm>>
      tpu.wait_dma2 semaphore(%run_scoped3A : memref<!tpu.dma_semaphore, #tpu.memory_space<semaphore_mem>>) src(%dma_wait3A_97 : memref<160x125xi32, #tpu.memory_space<hbm>>) dst(%arg9 : memref<160x125xi32, #tpu.memory_space<vmem>>)
      tpu.yield
    }) : () -> ()
    %dma_start3A = arith.constant 0 : i32
    %dma_start3A_17 = arith.constant 0 : i32
    %dma_start3A_18 = arith.constant 0 : i32
    %dma_start3A_19 = arith.constant 0 : i32
    %dma_start3A_20 = tpu.memref_slice %arg10[%dma_start3A_17, %dma_start3A_18, %dma_start3A_19] : memref<5x125x64xf32, #tpu.memory_space<vmem>> -> memref<1x125x64xf32, #tpu.memory_space<vmem>>
    %dma_start3A_21 = tpu.memref_squeeze %dma_start3A_20 : memref<1x125x64xf32, #tpu.memory_space<vmem>> -> memref<125x64xf32, #tpu.memory_space<vmem>>
    %dma_start3A_22 = arith.constant 0 : i32
    %dma_start3A_23 = tpu.memref_slice %arg8[%dma_start3A, %dma_start3A_22] : memref<160x125xi32, #tpu.memory_space<vmem>> -> memref<1x125xi32, #tpu.memory_space<vmem>>
    %dma_start3A_24 = tpu.memref_squeeze %dma_start3A_23 : memref<1x125xi32, #tpu.memory_space<vmem>> -> memref<125xi32, #tpu.memory_space<vmem>>
    %dma_start3A_25 = arith.constant 0 : i32
    %dma_start3A_26 = arith.constant 0 : i32
    %dma_start3A_27 = tpu.memref_slice %arg2[%dma_start3A_25, %dma_start3A_26] : memref<20000x64xf32, #tpu.memory_space<hbm>> -> memref<20000x64xf32, #tpu.memory_space<hbm>>
    tpu.enqueue_indirect_dma source(%dma_start3A_27 : memref<20000x64xf32, #tpu.memory_space<hbm>>) target(%dma_start3A_21 : memref<125x64xf32, #tpu.memory_space<vmem>>) offsets(%dma_start3A_24 : memref<125xi32, #tpu.memory_space<vmem>>) semaphore(%arg12 : memref<!tpu.dma_semaphore, #tpu.memory_space<semaphore_mem>>)
    %dma_start3A_28 = arith.constant 1 : i32
    %dma_start3A_29 = arith.constant 1 : i32
    %dma_start3A_30 = arith.constant 0 : i32
    %dma_start3A_31 = arith.constant 0 : i32
    %dma_start3A_32 = tpu.memref_slice %arg10[%dma_start3A_29, %dma_start3A_30, %dma_start3A_31] : memref<5x125x64xf32, #tpu.memory_space<vmem>> -> memref<1x125x64xf32, #tpu.memory_space<vmem>>
    %dma_start3A_33 = tpu.memref_squeeze %dma_start3A_32 : memref<1x125x64xf32, #tpu.memory_space<vmem>> -> memref<125x64xf32, #tpu.memory_space<vmem>>
    %dma_start3A_34 = arith.constant 0 : i32
    %dma_start3A_35 = tpu.memref_slice %arg8[%dma_start3A_28, %dma_start3A_34] : memref<160x125xi32, #tpu.memory_space<vmem>> -> memref<1x125xi32, #tpu.memory_space<vmem>>
    %dma_start3A_36 = tpu.memref_squeeze %dma_start3A_35 : memref<1x125xi32, #tpu.memory_space<vmem>> -> memref<125xi32, #tpu.memory_space<vmem>>
    %dma_start3A_37 = arith.constant 0 : i32
    %dma_start3A_38 = arith.constant 0 : i32
    %dma_start3A_39 = tpu.memref_slice %arg2[%dma_start3A_37, %dma_start3A_38] : memref<20000x64xf32, #tpu.memory_space<hbm>> -> memref<20000x64xf32, #tpu.memory_space<hbm>>
    tpu.enqueue_indirect_dma source(%dma_start3A_39 : memref<20000x64xf32, #tpu.memory_space<hbm>>) target(%dma_start3A_33 : memref<125x64xf32, #tpu.memory_space<vmem>>) offsets(%dma_start3A_36 : memref<125xi32, #tpu.memory_space<vmem>>) semaphore(%arg13 : memref<!tpu.dma_semaphore, #tpu.memory_space<semaphore_mem>>)
    %dma_start3A_40 = arith.constant 2 : i32
    %dma_start3A_41 = arith.constant 2 : i32
    %dma_start3A_42 = arith.constant 0 : i32
    %dma_start3A_43 = arith.constant 0 : i32
    %dma_start3A_44 = tpu.memref_slice %arg10[%dma_start3A_41, %dma_start3A_42, %dma_start3A_43] : memref<5x125x64xf32, #tpu.memory_space<vmem>> -> memref<1x125x64xf32, #tpu.memory_space<vmem>>
    %dma_start3A_45 = tpu.memref_squeeze %dma_start3A_44 : memref<1x125x64xf32, #tpu.memory_space<vmem>> -> memref<125x64xf32, #tpu.memory_space<vmem>>
    %dma_start3A_46 = arith.constant 0 : i32
    %dma_start3A_47 = tpu.memref_slice %arg8[%dma_start3A_40, %dma_start3A_46] : memref<160x125xi32, #tpu.memory_space<vmem>> -> memref<1x125xi32, #tpu.memory_space<vmem>>
    %dma_start3A_48 = tpu.memref_squeeze %dma_start3A_47 : memref<1x125xi32, #tpu.memory_space<vmem>> -> memref<125xi32, #tpu.memory_space<vmem>>
    %dma_start3A_49 = arith.constant 0 : i32
    %dma_start3A_50 = arith.constant 0 : i32
    %dma_start3A_51 = tpu.memref_slice %arg2[%dma_start3A_49, %dma_start3A_50] : memref<20000x64xf32, #tpu.memory_space<hbm>> -> memref<20000x64xf32, #tpu.memory_space<hbm>>
    tpu.enqueue_indirect_dma source(%dma_start3A_51 : memref<20000x64xf32, #tpu.memory_space<hbm>>) target(%dma_start3A_45 : memref<125x64xf32, #tpu.memory_space<vmem>>) offsets(%dma_start3A_48 : memref<125xi32, #tpu.memory_space<vmem>>) semaphore(%arg14 : memref<!tpu.dma_semaphore, #tpu.memory_space<semaphore_mem>>)
    %barrier3A = arith.constant 0 : index
    tpu.barrier barrier_id(%barrier3A)
    %scan3A = arith.constant 0 : i32
    %scan3A_52 = arith.constant 0 : i32
    %scan3A_53 = arith.constant 32 : i32
    %scan3A_54 = arith.addi %scan3A_52, %scan3A_53 : i32
    %scan3A_55 = arith.constant 1 : i32
    scf.for %scan3A_90 = %scan3A_52 to %scan3A_54 step %scan3A_55  : i32 {
      %mul3A_91 = arith.constant 5 : i32
      %mul3A_92 = arith.muli %scan3A_90, %mul3A_91 : i32
      %add3A = arith.constant 0 : i32
      %add3A_93 = arith.addi %mul3A_92, %add3A : i32
      %dma_wait3A_94 = arith.constant 0 : i32
      %dma_wait3A_95 = arith.constant 0 : i32
      %dma_wait3A_96 = arith.constant 0 : i32
      %dma_wait3A_97 = tpu.memref_slice %arg10[%dma_wait3A_94, %dma_wait3A_95, %dma_wait3A_96] : memref<5x125x64xf32, #tpu.memory_space<vmem>> -> memref<1x125x64xf32, #tpu.memory_space<vmem>>
      %dma_wait3A_98 = tpu.memref_squeeze %dma_wait3A_97 : memref<1x125x64xf32, #tpu.memory_space<vmem>> -> memref<125x64xf32, #tpu.memory_space<vmem>>
      %dma_wait3A_99 = arith.constant 0 : i32
      %dma_wait3A_100 = tpu.memref_slice %arg8[%add3A_93, %dma_wait3A_99] : memref<160x125xi32, #tpu.memory_space<vmem>> -> memref<1x125xi32, #tpu.memory_space<vmem>>
      %dma_wait3A_101 = tpu.memref_squeeze %dma_wait3A_100 : memref<1x125xi32, #tpu.memory_space<vmem>> -> memref<125xi32, #tpu.memory_space<vmem>>
      %dma_wait3A_102 = arith.constant 0 : i32
      %dma_wait3A_103 = arith.constant 0 : i32
      %dma_wait3A_104 = tpu.memref_slice %arg2[%dma_wait3A_102, %dma_wait3A_103] : memref<20000x64xf32, #tpu.memory_space<hbm>> -> memref<20000x64xf32, #tpu.memory_space<hbm>>
      tpu.wait_indirect_dma semaphore(%arg12 : memref<!tpu.dma_semaphore, #tpu.memory_space<semaphore_mem>>) src(%dma_wait3A_104 : memref<20000x64xf32, #tpu.memory_space<hbm>>) dst(%dma_wait3A_98 : memref<125x64xf32, #tpu.memory_space<vmem>>)
      %dma_start3A_105 = arith.constant 0 : i32
      %dma_start3A_106 = arith.constant 0 : i32
      %dma_start3A_107 = arith.constant 0 : i32
      %dma_start3A_108 = tpu.memref_slice %arg10[%dma_start3A_105, %dma_start3A_106, %dma_start3A_107] : memref<5x125x64xf32, #tpu.memory_space<vmem>> -> memref<1x125x64xf32, #tpu.memory_space<vmem>>
      %dma_start3A_109 = tpu.memref_squeeze %dma_start3A_108 : memref<1x125x64xf32, #tpu.memory_space<vmem>> -> memref<125x64xf32, #tpu.memory_space<vmem>>
      %dma_start3A_110 = arith.constant 0 : i32
      %dma_start3A_111 = tpu.memref_slice %arg9[%add3A_93, %dma_start3A_110] : memref<160x125xi32, #tpu.memory_space<vmem>> -> memref<1x125xi32, #tpu.memory_space<vmem>>
      %dma_start3A_112 = tpu.memref_squeeze %dma_start3A_111 : memref<1x125xi32, #tpu.memory_space<vmem>> -> memref<125xi32, #tpu.memory_space<vmem>>
      %dma_start3A_113 = arith.constant 0 : i32
      %dma_start3A_114 = arith.constant 0 : i32
      %dma_start3A_115 = tpu.memref_slice %arg11[%dma_start3A_113, %dma_start3A_114] : memref<10000x64xf32, #tpu.memory_space<vmem_shared>> -> memref<10000x64xf32, #tpu.memory_space<vmem_shared>>
      tpu.enqueue_indirect_dma source(%dma_start3A_109 : memref<125x64xf32, #tpu.memory_space<vmem>>) target(%dma_start3A_115 : memref<10000x64xf32, #tpu.memory_space<vmem_shared>>) offsets(%dma_start3A_112 : memref<125xi32, #tpu.memory_space<vmem>>) semaphore(%arg17 : memref<!tpu.dma_semaphore, #tpu.memory_space<semaphore_mem>>) {add = true}
      %sub3A = arith.constant 2 : i32
      %sub3A_116 = arith.subi %add3A_93, %sub3A : i32
      %add3A_117 = arith.constant 3 : i32
      %add3A_118 = arith.addi %add3A_93, %add3A_117 : i32
      %ge3A = arith.constant 0 : i32
      %ge3A_119 = arith.cmpi sge, %sub3A_116, %ge3A : i32
      %convert_element_type3A_120 = arith.extui %ge3A_119 : i1 to i32
      %cond3A_121 = arith.constant 0 : i32
      %cond3A_122 = arith.cmpi ne, %convert_element_type3A_120, %cond3A_121 : i32
      scf.if %cond3A_122 {
        %dma_wait3A_287 = arith.constant 3 : i32
        %dma_wait3A_288 = arith.constant 0 : i32
        %dma_wait3A_289 = arith.constant 0 : i32
        %dma_wait3A_290 = tpu.memref_slice %arg10[%dma_wait3A_287, %dma_wait3A_288, %dma_wait3A_289] : memref<5x125x64xf32, #tpu.memory_space<vmem>> -> memref<1x125x64xf32, #tpu.memory_space<vmem>>
        %dma_wait3A_291 = tpu.memref_squeeze %dma_wait3A_290 : memref<1x125x64xf32, #tpu.memory_space<vmem>> -> memref<125x64xf32, #tpu.memory_space<vmem>>
        %dma_wait3A_292 = arith.constant 0 : i32
        %dma_wait3A_293 = tpu.memref_slice %arg9[%sub3A_116, %dma_wait3A_292] : memref<160x125xi32, #tpu.memory_space<vmem>> -> memref<1x125xi32, #tpu.memory_space<vmem>>
        %dma_wait3A_294 = tpu.memref_squeeze %dma_wait3A_293 : memref<1x125xi32, #tpu.memory_space<vmem>> -> memref<125xi32, #tpu.memory_space<vmem>>
        %dma_wait3A_295 = arith.constant 0 : i32
        %dma_wait3A_296 = arith.constant 0 : i32
        %dma_wait3A_297 = tpu.memref_slice %arg11[%dma_wait3A_295, %dma_wait3A_296] : memref<10000x64xf32, #tpu.memory_space<vmem_shared>> -> memref<10000x64xf32, #tpu.memory_space<vmem_shared>>
        tpu.wait_indirect_dma semaphore(%arg20 : memref<!tpu.dma_semaphore, #tpu.memory_space<semaphore_mem>>) src(%dma_wait3A_291 : memref<125x64xf32, #tpu.memory_space<vmem>>) dst(%dma_wait3A_297 : memref<10000x64xf32, #tpu.memory_space<vmem_shared>>)
      } else {
      }
      %lt3A = arith.constant 160 : i32
      %lt3A_123 = arith.cmpi slt, %add3A_118, %lt3A : i32
      %convert_element_type3A_124 = arith.extui %lt3A_123 : i1 to i32
      %cond3A_125 = arith.constant 0 : i32
      %cond3A_126 = arith.cmpi ne, %convert_element_type3A_124, %cond3A_125 : i32
      scf.if %cond3A_126 {
        %dma_start3A_287 = arith.constant 3 : i32
        %dma_start3A_288 = arith.constant 0 : i32
        %dma_start3A_289 = arith.constant 0 : i32
        %dma_start3A_290 = tpu.memref_slice %arg10[%dma_start3A_287, %dma_start3A_288, %dma_start3A_289] : memref<5x125x64xf32, #tpu.memory_space<vmem>> -> memref<1x125x64xf32, #tpu.memory_space<vmem>>
        %dma_start3A_291 = tpu.memref_squeeze %dma_start3A_290 : memref<1x125x64xf32, #tpu.memory_space<vmem>> -> memref<125x64xf32, #tpu.memory_space<vmem>>
        %dma_start3A_292 = arith.constant 0 : i32
        %dma_start3A_293 = tpu.memref_slice %arg8[%add3A_118, %dma_start3A_292] : memref<160x125xi32, #tpu.memory_space<vmem>> -> memref<1x125xi32, #tpu.memory_space<vmem>>
        %dma_start3A_294 = tpu.memref_squeeze %dma_start3A_293 : memref<1x125xi32, #tpu.memory_space<vmem>> -> memref<125xi32, #tpu.memory_space<vmem>>
        %dma_start3A_295 = arith.constant 0 : i32
        %dma_start3A_296 = arith.constant 0 : i32
        %dma_start3A_297 = tpu.memref_slice %arg2[%dma_start3A_295, %dma_start3A_296] : memref<20000x64xf32, #tpu.memory_space<hbm>> -> memref<20000x64xf32, #tpu.memory_space<hbm>>
        tpu.enqueue_indirect_dma source(%dma_start3A_297 : memref<20000x64xf32, #tpu.memory_space<hbm>>) target(%dma_start3A_291 : memref<125x64xf32, #tpu.memory_space<vmem>>) offsets(%dma_start3A_294 : memref<125xi32, #tpu.memory_space<vmem>>) semaphore(%arg15 : memref<!tpu.dma_semaphore, #tpu.memory_space<semaphore_mem>>)
      } else {
      }
      %mul3A_127 = arith.constant 5 : i32
      %mul3A_128 = arith.muli %scan3A_90, %mul3A_127 : i32
      %add3A_129 = arith.constant 1 : i32
      %add3A_130 = arith.addi %mul3A_128, %add3A_129 : i32
      %dma_wait3A_131 = arith.constant 1 : i32
      %dma_wait3A_132 = arith.constant 0 : i32
      %dma_wait3A_133 = arith.constant 0 : i32
      %dma_wait3A_134 = tpu.memref_slice %arg10[%dma_wait3A_131, %dma_wait3A_132, %dma_wait3A_133] : memref<5x125x64xf32, #tpu.memory_space<vmem>> -> memref<1x125x64xf32, #tpu.memory_space<vmem>>
      %dma_wait3A_135 = tpu.memref_squeeze %dma_wait3A_134 : memref<1x125x64xf32, #tpu.memory_space<vmem>> -> memref<125x64xf32, #tpu.memory_space<vmem>>
      %dma_wait3A_136 = arith.constant 0 : i32
      %dma_wait3A_137 = tpu.memref_slice %arg8[%add3A_130, %dma_wait3A_136] : memref<160x125xi32, #tpu.memory_space<vmem>> -> memref<1x125xi32, #tpu.memory_space<vmem>>
      %dma_wait3A_138 = tpu.memref_squeeze %dma_wait3A_137 : memref<1x125xi32, #tpu.memory_space<vmem>> -> memref<125xi32, #tpu.memory_space<vmem>>
      %dma_wait3A_139 = arith.constant 0 : i32
      %dma_wait3A_140 = arith.constant 0 : i32
      %dma_wait3A_141 = tpu.memref_slice %arg2[%dma_wait3A_139, %dma_wait3A_140] : memref<20000x64xf32, #tpu.memory_space<hbm>> -> memref<20000x64xf32, #tpu.memory_space<hbm>>
      tpu.wait_indirect_dma semaphore(%arg13 : memref<!tpu.dma_semaphore, #tpu.memory_space<semaphore_mem>>) src(%dma_wait3A_141 : memref<20000x64xf32, #tpu.memory_space<hbm>>) dst(%dma_wait3A_135 : memref<125x64xf32, #tpu.memory_space<vmem>>)
      %dma_start3A_142 = arith.constant 1 : i32
      %dma_start3A_143 = arith.constant 0 : i32
      %dma_start3A_144 = arith.constant 0 : i32
      %dma_start3A_145 = tpu.memref_slice %arg10[%dma_start3A_142, %dma_start3A_143, %dma_start3A_144] : memref<5x125x64xf32, #tpu.memory_space<vmem>> -> memref<1x125x64xf32, #tpu.memory_space<vmem>>
      %dma_start3A_146 = tpu.memref_squeeze %dma_start3A_145 : memref<1x125x64xf32, #tpu.memory_space<vmem>> -> memref<125x64xf32, #tpu.memory_space<vmem>>
      %dma_start3A_147 = arith.constant 0 : i32
      %dma_start3A_148 = tpu.memref_slice %arg9[%add3A_130, %dma_start3A_147] : memref<160x125xi32, #tpu.memory_space<vmem>> -> memref<1x125xi32, #tpu.memory_space<vmem>>
      %dma_start3A_149 = tpu.memref_squeeze %dma_start3A_148 : memref<1x125xi32, #tpu.memory_space<vmem>> -> memref<125xi32, #tpu.memory_space<vmem>>
      %dma_start3A_150 = arith.constant 0 : i32
      %dma_start3A_151 = arith.constant 0 : i32
      %dma_start3A_152 = tpu.memref_slice %arg11[%dma_start3A_150, %dma_start3A_151] : memref<10000x64xf32, #tpu.memory_space<vmem_shared>> -> memref<10000x64xf32, #tpu.memory_space<vmem_shared>>
      tpu.enqueue_indirect_dma source(%dma_start3A_146 : memref<125x64xf32, #tpu.memory_space<vmem>>) target(%dma_start3A_152 : memref<10000x64xf32, #tpu.memory_space<vmem_shared>>) offsets(%dma_start3A_149 : memref<125xi32, #tpu.memory_space<vmem>>) semaphore(%arg18 : memref<!tpu.dma_semaphore, #tpu.memory_space<semaphore_mem>>) {add = true}
      %sub3A_153 = arith.constant 2 : i32
      %sub3A_154 = arith.subi %add3A_130, %sub3A_153 : i32
      %add3A_155 = arith.constant 3 : i32
      %add3A_156 = arith.addi %add3A_130, %add3A_155 : i32
      %ge3A_157 = arith.constant 0 : i32
      %ge3A_158 = arith.cmpi sge, %sub3A_154, %ge3A_157 : i32
      %convert_element_type3A_159 = arith.extui %ge3A_158 : i1 to i32
      %cond3A_160 = arith.constant 0 : i32
      %cond3A_161 = arith.cmpi ne, %convert_element_type3A_159, %cond3A_160 : i32
      scf.if %cond3A_161 {
        %dma_wait3A_287 = arith.constant 4 : i32
        %dma_wait3A_288 = arith.constant 0 : i32
        %dma_wait3A_289 = arith.constant 0 : i32
        %dma_wait3A_290 = tpu.memref_slice %arg10[%dma_wait3A_287, %dma_wait3A_288, %dma_wait3A_289] : memref<5x125x64xf32, #tpu.memory_space<vmem>> -> memref<1x125x64xf32, #tpu.memory_space<vmem>>
        %dma_wait3A_291 = tpu.memref_squeeze %dma_wait3A_290 : memref<1x125x64xf32, #tpu.memory_space<vmem>> -> memref<125x64xf32, #tpu.memory_space<vmem>>
        %dma_wait3A_292 = arith.constant 0 : i32
        %dma_wait3A_293 = tpu.memref_slice %arg9[%sub3A_154, %dma_wait3A_292] : memref<160x125xi32, #tpu.memory_space<vmem>> -> memref<1x125xi32, #tpu.memory_space<vmem>>
        %dma_wait3A_294 = tpu.memref_squeeze %dma_wait3A_293 : memref<1x125xi32, #tpu.memory_space<vmem>> -> memref<125xi32, #tpu.memory_space<vmem>>
        %dma_wait3A_295 = arith.constant 0 : i32
        %dma_wait3A_296 = arith.constant 0 : i32
        %dma_wait3A_297 = tpu.memref_slice %arg11[%dma_wait3A_295, %dma_wait3A_296] : memref<10000x64xf32, #tpu.memory_space<vmem_shared>> -> memref<10000x64xf32, #tpu.memory_space<vmem_shared>>
        tpu.wait_indirect_dma semaphore(%arg21 : memref<!tpu.dma_semaphore, #tpu.memory_space<semaphore_mem>>) src(%dma_wait3A_291 : memref<125x64xf32, #tpu.memory_space<vmem>>) dst(%dma_wait3A_297 : memref<10000x64xf32, #tpu.memory_space<vmem_shared>>)
      } else {
      }
      %lt3A_162 = arith.constant 160 : i32
      %lt3A_163 = arith.cmpi slt, %add3A_156, %lt3A_162 : i32
      %convert_element_type3A_164 = arith.extui %lt3A_163 : i1 to i32
      %cond3A_165 = arith.constant 0 : i32
      %cond3A_166 = arith.cmpi ne, %convert_element_type3A_164, %cond3A_165 : i32
      scf.if %cond3A_166 {
        %dma_start3A_287 = arith.constant 4 : i32
        %dma_start3A_288 = arith.constant 0 : i32
        %dma_start3A_289 = arith.constant 0 : i32
        %dma_start3A_290 = tpu.memref_slice %arg10[%dma_start3A_287, %dma_start3A_288, %dma_start3A_289] : memref<5x125x64xf32, #tpu.memory_space<vmem>> -> memref<1x125x64xf32, #tpu.memory_space<vmem>>
        %dma_start3A_291 = tpu.memref_squeeze %dma_start3A_290 : memref<1x125x64xf32, #tpu.memory_space<vmem>> -> memref<125x64xf32, #tpu.memory_space<vmem>>
        %dma_start3A_292 = arith.constant 0 : i32
        %dma_start3A_293 = tpu.memref_slice %arg8[%add3A_156, %dma_start3A_292] : memref<160x125xi32, #tpu.memory_space<vmem>> -> memref<1x125xi32, #tpu.memory_space<vmem>>
        %dma_start3A_294 = tpu.memref_squeeze %dma_start3A_293 : memref<1x125xi32, #tpu.memory_space<vmem>> -> memref<125xi32, #tpu.memory_space<vmem>>
        %dma_start3A_295 = arith.constant 0 : i32
        %dma_start3A_296 = arith.constant 0 : i32
        %dma_start3A_297 = tpu.memref_slice %arg2[%dma_start3A_295, %dma_start3A_296] : memref<20000x64xf32, #tpu.memory_space<hbm>> -> memref<20000x64xf32, #tpu.memory_space<hbm>>
        tpu.enqueue_indirect_dma source(%dma_start3A_297 : memref<20000x64xf32, #tpu.memory_space<hbm>>) target(%dma_start3A_291 : memref<125x64xf32, #tpu.memory_space<vmem>>) offsets(%dma_start3A_294 : memref<125xi32, #tpu.memory_space<vmem>>) semaphore(%arg16 : memref<!tpu.dma_semaphore, #tpu.memory_space<semaphore_mem>>)
      } else {
      }
      %mul3A_167 = arith.constant 5 : i32
      %mul3A_168 = arith.muli %scan3A_90, %mul3A_167 : i32
      %add3A_169 = arith.constant 2 : i32
      %add3A_170 = arith.addi %mul3A_168, %add3A_169 : i32
      %dma_wait3A_171 = arith.constant 2 : i32
      %dma_wait3A_172 = arith.constant 0 : i32
      %dma_wait3A_173 = arith.constant 0 : i32
      %dma_wait3A_174 = tpu.memref_slice %arg10[%dma_wait3A_171, %dma_wait3A_172, %dma_wait3A_173] : memref<5x125x64xf32, #tpu.memory_space<vmem>> -> memref<1x125x64xf32, #tpu.memory_space<vmem>>
      %dma_wait3A_175 = tpu.memref_squeeze %dma_wait3A_174 : memref<1x125x64xf32, #tpu.memory_space<vmem>> -> memref<125x64xf32, #tpu.memory_space<vmem>>
      %dma_wait3A_176 = arith.constant 0 : i32
      %dma_wait3A_177 = tpu.memref_slice %arg8[%add3A_170, %dma_wait3A_176] : memref<160x125xi32, #tpu.memory_space<vmem>> -> memref<1x125xi32, #tpu.memory_space<vmem>>
      %dma_wait3A_178 = tpu.memref_squeeze %dma_wait3A_177 : memref<1x125xi32, #tpu.memory_space<vmem>> -> memref<125xi32, #tpu.memory_space<vmem>>
      %dma_wait3A_179 = arith.constant 0 : i32
      %dma_wait3A_180 = arith.constant 0 : i32
      %dma_wait3A_181 = tpu.memref_slice %arg2[%dma_wait3A_179, %dma_wait3A_180] : memref<20000x64xf32, #tpu.memory_space<hbm>> -> memref<20000x64xf32, #tpu.memory_space<hbm>>
      tpu.wait_indirect_dma semaphore(%arg14 : memref<!tpu.dma_semaphore, #tpu.memory_space<semaphore_mem>>) src(%dma_wait3A_181 : memref<20000x64xf32, #tpu.memory_space<hbm>>) dst(%dma_wait3A_175 : memref<125x64xf32, #tpu.memory_space<vmem>>)
      %dma_start3A_182 = arith.constant 2 : i32
      %dma_start3A_183 = arith.constant 0 : i32
      %dma_start3A_184 = arith.constant 0 : i32
      %dma_start3A_185 = tpu.memref_slice %arg10[%dma_start3A_182, %dma_start3A_183, %dma_start3A_184] : memref<5x125x64xf32, #tpu.memory_space<vmem>> -> memref<1x125x64xf32, #tpu.memory_space<vmem>>
      %dma_start3A_186 = tpu.memref_squeeze %dma_start3A_185 : memref<1x125x64xf32, #tpu.memory_space<vmem>> -> memref<125x64xf32, #tpu.memory_space<vmem>>
      %dma_start3A_187 = arith.constant 0 : i32
      %dma_start3A_188 = tpu.memref_slice %arg9[%add3A_170, %dma_start3A_187] : memref<160x125xi32, #tpu.memory_space<vmem>> -> memref<1x125xi32, #tpu.memory_space<vmem>>
      %dma_start3A_189 = tpu.memref_squeeze %dma_start3A_188 : memref<1x125xi32, #tpu.memory_space<vmem>> -> memref<125xi32, #tpu.memory_space<vmem>>
      %dma_start3A_190 = arith.constant 0 : i32
      %dma_start3A_191 = arith.constant 0 : i32
      %dma_start3A_192 = tpu.memref_slice %arg11[%dma_start3A_190, %dma_start3A_191] : memref<10000x64xf32, #tpu.memory_space<vmem_shared>> -> memref<10000x64xf32, #tpu.memory_space<vmem_shared>>
      tpu.enqueue_indirect_dma source(%dma_start3A_186 : memref<125x64xf32, #tpu.memory_space<vmem>>) target(%dma_start3A_192 : memref<10000x64xf32, #tpu.memory_space<vmem_shared>>) offsets(%dma_start3A_189 : memref<125xi32, #tpu.memory_space<vmem>>) semaphore(%arg19 : memref<!tpu.dma_semaphore, #tpu.memory_space<semaphore_mem>>) {add = true}
      %sub3A_193 = arith.constant 2 : i32
      %sub3A_194 = arith.subi %add3A_170, %sub3A_193 : i32
      %add3A_195 = arith.constant 3 : i32
      %add3A_196 = arith.addi %add3A_170, %add3A_195 : i32
      %ge3A_197 = arith.constant 0 : i32
      %ge3A_198 = arith.cmpi sge, %sub3A_194, %ge3A_197 : i32
      %convert_element_type3A_199 = arith.extui %ge3A_198 : i1 to i32
      %cond3A_200 = arith.constant 0 : i32
      %cond3A_201 = arith.cmpi ne, %convert_element_type3A_199, %cond3A_200 : i32
      scf.if %cond3A_201 {
        %dma_wait3A_287 = arith.constant 0 : i32
        %dma_wait3A_288 = arith.constant 0 : i32
        %dma_wait3A_289 = arith.constant 0 : i32
        %dma_wait3A_290 = tpu.memref_slice %arg10[%dma_wait3A_287, %dma_wait3A_288, %dma_wait3A_289] : memref<5x125x64xf32, #tpu.memory_space<vmem>> -> memref<1x125x64xf32, #tpu.memory_space<vmem>>
        %dma_wait3A_291 = tpu.memref_squeeze %dma_wait3A_290 : memref<1x125x64xf32, #tpu.memory_space<vmem>> -> memref<125x64xf32, #tpu.memory_space<vmem>>
        %dma_wait3A_292 = arith.constant 0 : i32
        %dma_wait3A_293 = tpu.memref_slice %arg9[%sub3A_194, %dma_wait3A_292] : memref<160x125xi32, #tpu.memory_space<vmem>> -> memref<1x125xi32, #tpu.memory_space<vmem>>
        %dma_wait3A_294 = tpu.memref_squeeze %dma_wait3A_293 : memref<1x125xi32, #tpu.memory_space<vmem>> -> memref<125xi32, #tpu.memory_space<vmem>>
        %dma_wait3A_295 = arith.constant 0 : i32
        %dma_wait3A_296 = arith.constant 0 : i32
        %dma_wait3A_297 = tpu.memref_slice %arg11[%dma_wait3A_295, %dma_wait3A_296] : memref<10000x64xf32, #tpu.memory_space<vmem_shared>> -> memref<10000x64xf32, #tpu.memory_space<vmem_shared>>
        tpu.wait_indirect_dma semaphore(%arg17 : memref<!tpu.dma_semaphore, #tpu.memory_space<semaphore_mem>>) src(%dma_wait3A_291 : memref<125x64xf32, #tpu.memory_space<vmem>>) dst(%dma_wait3A_297 : memref<10000x64xf32, #tpu.memory_space<vmem_shared>>)
      } else {
      }
      %lt3A_202 = arith.constant 160 : i32
      %lt3A_203 = arith.cmpi slt, %add3A_196, %lt3A_202 : i32
      %convert_element_type3A_204 = arith.extui %lt3A_203 : i1 to i32
      %cond3A_205 = arith.constant 0 : i32
      %cond3A_206 = arith.cmpi ne, %convert_element_type3A_204, %cond3A_205 : i32
      scf.if %cond3A_206 {
        %dma_start3A_287 = arith.constant 0 : i32
        %dma_start3A_288 = arith.constant 0 : i32
        %dma_start3A_289 = arith.constant 0 : i32
        %dma_start3A_290 = tpu.memref_slice %arg10[%dma_start3A_287, %dma_start3A_288, %dma_start3A_289] : memref<5x125x64xf32, #tpu.memory_space<vmem>> -> memref<1x125x64xf32, #tpu.memory_space<vmem>>
        %dma_start3A_291 = tpu.memref_squeeze %dma_start3A_290 : memref<1x125x64xf32, #tpu.memory_space<vmem>> -> memref<125x64xf32, #tpu.memory_space<vmem>>
        %dma_start3A_292 = arith.constant 0 : i32
        %dma_start3A_293 = tpu.memref_slice %arg8[%add3A_196, %dma_start3A_292] : memref<160x125xi32, #tpu.memory_space<vmem>> -> memref<1x125xi32, #tpu.memory_space<vmem>>
        %dma_start3A_294 = tpu.memref_squeeze %dma_start3A_293 : memref<1x125xi32, #tpu.memory_space<vmem>> -> memref<125xi32, #tpu.memory_space<vmem>>
        %dma_start3A_295 = arith.constant 0 : i32
        %dma_start3A_296 = arith.constant 0 : i32
        %dma_start3A_297 = tpu.memref_slice %arg2[%dma_start3A_295, %dma_start3A_296] : memref<20000x64xf32, #tpu.memory_space<hbm>> -> memref<20000x64xf32, #tpu.memory_space<hbm>>
        tpu.enqueue_indirect_dma source(%dma_start3A_297 : memref<20000x64xf32, #tpu.memory_space<hbm>>) target(%dma_start3A_291 : memref<125x64xf32, #tpu.memory_space<vmem>>) offsets(%dma_start3A_294 : memref<125xi32, #tpu.memory_space<vmem>>) semaphore(%arg12 : memref<!tpu.dma_semaphore, #tpu.memory_space<semaphore_mem>>)
      } else {
      }
      %mul3A_207 = arith.constant 5 : i32
      %mul3A_208 = arith.muli %scan3A_90, %mul3A_207 : i32
      %add3A_209 = arith.constant 3 : i32
      %add3A_210 = arith.addi %mul3A_208, %add3A_209 : i32
      %dma_wait3A_211 = arith.constant 3 : i32
      %dma_wait3A_212 = arith.constant 0 : i32
      %dma_wait3A_213 = arith.constant 0 : i32
      %dma_wait3A_214 = tpu.memref_slice %arg10[%dma_wait3A_211, %dma_wait3A_212, %dma_wait3A_213] : memref<5x125x64xf32, #tpu.memory_space<vmem>> -> memref<1x125x64xf32, #tpu.memory_space<vmem>>
      %dma_wait3A_215 = tpu.memref_squeeze %dma_wait3A_214 : memref<1x125x64xf32, #tpu.memory_space<vmem>> -> memref<125x64xf32, #tpu.memory_space<vmem>>
      %dma_wait3A_216 = arith.constant 0 : i32
      %dma_wait3A_217 = tpu.memref_slice %arg8[%add3A_210, %dma_wait3A_216] : memref<160x125xi32, #tpu.memory_space<vmem>> -> memref<1x125xi32, #tpu.memory_space<vmem>>
      %dma_wait3A_218 = tpu.memref_squeeze %dma_wait3A_217 : memref<1x125xi32, #tpu.memory_space<vmem>> -> memref<125xi32, #tpu.memory_space<vmem>>
      %dma_wait3A_219 = arith.constant 0 : i32
      %dma_wait3A_220 = arith.constant 0 : i32
      %dma_wait3A_221 = tpu.memref_slice %arg2[%dma_wait3A_219, %dma_wait3A_220] : memref<20000x64xf32, #tpu.memory_space<hbm>> -> memref<20000x64xf32, #tpu.memory_space<hbm>>
      tpu.wait_indirect_dma semaphore(%arg15 : memref<!tpu.dma_semaphore, #tpu.memory_space<semaphore_mem>>) src(%dma_wait3A_221 : memref<20000x64xf32, #tpu.memory_space<hbm>>) dst(%dma_wait3A_215 : memref<125x64xf32, #tpu.memory_space<vmem>>)
      %dma_start3A_222 = arith.constant 3 : i32
      %dma_start3A_223 = arith.constant 0 : i32
      %dma_start3A_224 = arith.constant 0 : i32
      %dma_start3A_225 = tpu.memref_slice %arg10[%dma_start3A_222, %dma_start3A_223, %dma_start3A_224] : memref<5x125x64xf32, #tpu.memory_space<vmem>> -> memref<1x125x64xf32, #tpu.memory_space<vmem>>
      %dma_start3A_226 = tpu.memref_squeeze %dma_start3A_225 : memref<1x125x64xf32, #tpu.memory_space<vmem>> -> memref<125x64xf32, #tpu.memory_space<vmem>>
      %dma_start3A_227 = arith.constant 0 : i32
      %dma_start3A_228 = tpu.memref_slice %arg9[%add3A_210, %dma_start3A_227] : memref<160x125xi32, #tpu.memory_space<vmem>> -> memref<1x125xi32, #tpu.memory_space<vmem>>
      %dma_start3A_229 = tpu.memref_squeeze %dma_start3A_228 : memref<1x125xi32, #tpu.memory_space<vmem>> -> memref<125xi32, #tpu.memory_space<vmem>>
      %dma_start3A_230 = arith.constant 0 : i32
      %dma_start3A_231 = arith.constant 0 : i32
      %dma_start3A_232 = tpu.memref_slice %arg11[%dma_start3A_230, %dma_start3A_231] : memref<10000x64xf32, #tpu.memory_space<vmem_shared>> -> memref<10000x64xf32, #tpu.memory_space<vmem_shared>>
      tpu.enqueue_indirect_dma source(%dma_start3A_226 : memref<125x64xf32, #tpu.memory_space<vmem>>) target(%dma_start3A_232 : memref<10000x64xf32, #tpu.memory_space<vmem_shared>>) offsets(%dma_start3A_229 : memref<125xi32, #tpu.memory_space<vmem>>) semaphore(%arg20 : memref<!tpu.dma_semaphore, #tpu.memory_space<semaphore_mem>>) {add = true}
      %sub3A_233 = arith.constant 2 : i32
      %sub3A_234 = arith.subi %add3A_210, %sub3A_233 : i32
      %add3A_235 = arith.constant 3 : i32
      %add3A_236 = arith.addi %add3A_210, %add3A_235 : i32
      %ge3A_237 = arith.constant 0 : i32
      %ge3A_238 = arith.cmpi sge, %sub3A_234, %ge3A_237 : i32
      %convert_element_type3A_239 = arith.extui %ge3A_238 : i1 to i32
      %cond3A_240 = arith.constant 0 : i32
      %cond3A_241 = arith.cmpi ne, %convert_element_type3A_239, %cond3A_240 : i32
      scf.if %cond3A_241 {
        %dma_wait3A_287 = arith.constant 1 : i32
        %dma_wait3A_288 = arith.constant 0 : i32
        %dma_wait3A_289 = arith.constant 0 : i32
        %dma_wait3A_290 = tpu.memref_slice %arg10[%dma_wait3A_287, %dma_wait3A_288, %dma_wait3A_289] : memref<5x125x64xf32, #tpu.memory_space<vmem>> -> memref<1x125x64xf32, #tpu.memory_space<vmem>>
        %dma_wait3A_291 = tpu.memref_squeeze %dma_wait3A_290 : memref<1x125x64xf32, #tpu.memory_space<vmem>> -> memref<125x64xf32, #tpu.memory_space<vmem>>
        %dma_wait3A_292 = arith.constant 0 : i32
        %dma_wait3A_293 = tpu.memref_slice %arg9[%sub3A_234, %dma_wait3A_292] : memref<160x125xi32, #tpu.memory_space<vmem>> -> memref<1x125xi32, #tpu.memory_space<vmem>>
        %dma_wait3A_294 = tpu.memref_squeeze %dma_wait3A_293 : memref<1x125xi32, #tpu.memory_space<vmem>> -> memref<125xi32, #tpu.memory_space<vmem>>
        %dma_wait3A_295 = arith.constant 0 : i32
        %dma_wait3A_296 = arith.constant 0 : i32
        %dma_wait3A_297 = tpu.memref_slice %arg11[%dma_wait3A_295, %dma_wait3A_296] : memref<10000x64xf32, #tpu.memory_space<vmem_shared>> -> memref<10000x64xf32, #tpu.memory_space<vmem_shared>>
        tpu.wait_indirect_dma semaphore(%arg18 : memref<!tpu.dma_semaphore, #tpu.memory_space<semaphore_mem>>) src(%dma_wait3A_291 : memref<125x64xf32, #tpu.memory_space<vmem>>) dst(%dma_wait3A_297 : memref<10000x64xf32, #tpu.memory_space<vmem_shared>>)
      } else {
      }
      %lt3A_242 = arith.constant 160 : i32
      %lt3A_243 = arith.cmpi slt, %add3A_236, %lt3A_242 : i32
      %convert_element_type3A_244 = arith.extui %lt3A_243 : i1 to i32
      %cond3A_245 = arith.constant 0 : i32
      %cond3A_246 = arith.cmpi ne, %convert_element_type3A_244, %cond3A_245 : i32
      scf.if %cond3A_246 {
        %dma_start3A_287 = arith.constant 1 : i32
        %dma_start3A_288 = arith.constant 0 : i32
        %dma_start3A_289 = arith.constant 0 : i32
        %dma_start3A_290 = tpu.memref_slice %arg10[%dma_start3A_287, %dma_start3A_288, %dma_start3A_289] : memref<5x125x64xf32, #tpu.memory_space<vmem>> -> memref<1x125x64xf32, #tpu.memory_space<vmem>>
        %dma_start3A_291 = tpu.memref_squeeze %dma_start3A_290 : memref<1x125x64xf32, #tpu.memory_space<vmem>> -> memref<125x64xf32, #tpu.memory_space<vmem>>
        %dma_start3A_292 = arith.constant 0 : i32
        %dma_start3A_293 = tpu.memref_slice %arg8[%add3A_236, %dma_start3A_292] : memref<160x125xi32, #tpu.memory_space<vmem>> -> memref<1x125xi32, #tpu.memory_space<vmem>>
        %dma_start3A_294 = tpu.memref_squeeze %dma_start3A_293 : memref<1x125xi32, #tpu.memory_space<vmem>> -> memref<125xi32, #tpu.memory_space<vmem>>
        %dma_start3A_295 = arith.constant 0 : i32
        %dma_start3A_296 = arith.constant 0 : i32
        %dma_start3A_297 = tpu.memref_slice %arg2[%dma_start3A_295, %dma_start3A_296] : memref<20000x64xf32, #tpu.memory_space<hbm>> -> memref<20000x64xf32, #tpu.memory_space<hbm>>
        tpu.enqueue_indirect_dma source(%dma_start3A_297 : memref<20000x64xf32, #tpu.memory_space<hbm>>) target(%dma_start3A_291 : memref<125x64xf32, #tpu.memory_space<vmem>>) offsets(%dma_start3A_294 : memref<125xi32, #tpu.memory_space<vmem>>) semaphore(%arg13 : memref<!tpu.dma_semaphore, #tpu.memory_space<semaphore_mem>>)
      } else {
      }
      %mul3A_247 = arith.constant 5 : i32
      %mul3A_248 = arith.muli %scan3A_90, %mul3A_247 : i32
      %add3A_249 = arith.constant 4 : i32
      %add3A_250 = arith.addi %mul3A_248, %add3A_249 : i32
      %dma_wait3A_251 = arith.constant 4 : i32
      %dma_wait3A_252 = arith.constant 0 : i32
      %dma_wait3A_253 = arith.constant 0 : i32
      %dma_wait3A_254 = tpu.memref_slice %arg10[%dma_wait3A_251, %dma_wait3A_252, %dma_wait3A_253] : memref<5x125x64xf32, #tpu.memory_space<vmem>> -> memref<1x125x64xf32, #tpu.memory_space<vmem>>
      %dma_wait3A_255 = tpu.memref_squeeze %dma_wait3A_254 : memref<1x125x64xf32, #tpu.memory_space<vmem>> -> memref<125x64xf32, #tpu.memory_space<vmem>>
      %dma_wait3A_256 = arith.constant 0 : i32
      %dma_wait3A_257 = tpu.memref_slice %arg8[%add3A_250, %dma_wait3A_256] : memref<160x125xi32, #tpu.memory_space<vmem>> -> memref<1x125xi32, #tpu.memory_space<vmem>>
      %dma_wait3A_258 = tpu.memref_squeeze %dma_wait3A_257 : memref<1x125xi32, #tpu.memory_space<vmem>> -> memref<125xi32, #tpu.memory_space<vmem>>
      %dma_wait3A_259 = arith.constant 0 : i32
      %dma_wait3A_260 = arith.constant 0 : i32
      %dma_wait3A_261 = tpu.memref_slice %arg2[%dma_wait3A_259, %dma_wait3A_260] : memref<20000x64xf32, #tpu.memory_space<hbm>> -> memref<20000x64xf32, #tpu.memory_space<hbm>>
      tpu.wait_indirect_dma semaphore(%arg16 : memref<!tpu.dma_semaphore, #tpu.memory_space<semaphore_mem>>) src(%dma_wait3A_261 : memref<20000x64xf32, #tpu.memory_space<hbm>>) dst(%dma_wait3A_255 : memref<125x64xf32, #tpu.memory_space<vmem>>)
      %dma_start3A_262 = arith.constant 4 : i32
      %dma_start3A_263 = arith.constant 0 : i32
      %dma_start3A_264 = arith.constant 0 : i32
      %dma_start3A_265 = tpu.memref_slice %arg10[%dma_start3A_262, %dma_start3A_263, %dma_start3A_264] : memref<5x125x64xf32, #tpu.memory_space<vmem>> -> memref<1x125x64xf32, #tpu.memory_space<vmem>>
      %dma_start3A_266 = tpu.memref_squeeze %dma_start3A_265 : memref<1x125x64xf32, #tpu.memory_space<vmem>> -> memref<125x64xf32, #tpu.memory_space<vmem>>
      %dma_start3A_267 = arith.constant 0 : i32
      %dma_start3A_268 = tpu.memref_slice %arg9[%add3A_250, %dma_start3A_267] : memref<160x125xi32, #tpu.memory_space<vmem>> -> memref<1x125xi32, #tpu.memory_space<vmem>>
      %dma_start3A_269 = tpu.memref_squeeze %dma_start3A_268 : memref<1x125xi32, #tpu.memory_space<vmem>> -> memref<125xi32, #tpu.memory_space<vmem>>
      %dma_start3A_270 = arith.constant 0 : i32
      %dma_start3A_271 = arith.constant 0 : i32
      %dma_start3A_272 = tpu.memref_slice %arg11[%dma_start3A_270, %dma_start3A_271] : memref<10000x64xf32, #tpu.memory_space<vmem_shared>> -> memref<10000x64xf32, #tpu.memory_space<vmem_shared>>
      tpu.enqueue_indirect_dma source(%dma_start3A_266 : memref<125x64xf32, #tpu.memory_space<vmem>>) target(%dma_start3A_272 : memref<10000x64xf32, #tpu.memory_space<vmem_shared>>) offsets(%dma_start3A_269 : memref<125xi32, #tpu.memory_space<vmem>>) semaphore(%arg21 : memref<!tpu.dma_semaphore, #tpu.memory_space<semaphore_mem>>) {add = true}
      %sub3A_273 = arith.constant 2 : i32
      %sub3A_274 = arith.subi %add3A_250, %sub3A_273 : i32
      %add3A_275 = arith.constant 3 : i32
      %add3A_276 = arith.addi %add3A_250, %add3A_275 : i32
      %ge3A_277 = arith.constant 0 : i32
      %ge3A_278 = arith.cmpi sge, %sub3A_274, %ge3A_277 : i32
      %convert_element_type3A_279 = arith.extui %ge3A_278 : i1 to i32
      %cond3A_280 = arith.constant 0 : i32
      %cond3A_281 = arith.cmpi ne, %convert_element_type3A_279, %cond3A_280 : i32
      scf.if %cond3A_281 {
        %dma_wait3A_287 = arith.constant 2 : i32
        %dma_wait3A_288 = arith.constant 0 : i32
        %dma_wait3A_289 = arith.constant 0 : i32
        %dma_wait3A_290 = tpu.memref_slice %arg10[%dma_wait3A_287, %dma_wait3A_288, %dma_wait3A_289] : memref<5x125x64xf32, #tpu.memory_space<vmem>> -> memref<1x125x64xf32, #tpu.memory_space<vmem>>
        %dma_wait3A_291 = tpu.memref_squeeze %dma_wait3A_290 : memref<1x125x64xf32, #tpu.memory_space<vmem>> -> memref<125x64xf32, #tpu.memory_space<vmem>>
        %dma_wait3A_292 = arith.constant 0 : i32
        %dma_wait3A_293 = tpu.memref_slice %arg9[%sub3A_274, %dma_wait3A_292] : memref<160x125xi32, #tpu.memory_space<vmem>> -> memref<1x125xi32, #tpu.memory_space<vmem>>
        %dma_wait3A_294 = tpu.memref_squeeze %dma_wait3A_293 : memref<1x125xi32, #tpu.memory_space<vmem>> -> memref<125xi32, #tpu.memory_space<vmem>>
        %dma_wait3A_295 = arith.constant 0 : i32
        %dma_wait3A_296 = arith.constant 0 : i32
        %dma_wait3A_297 = tpu.memref_slice %arg11[%dma_wait3A_295, %dma_wait3A_296] : memref<10000x64xf32, #tpu.memory_space<vmem_shared>> -> memref<10000x64xf32, #tpu.memory_space<vmem_shared>>
        tpu.wait_indirect_dma semaphore(%arg19 : memref<!tpu.dma_semaphore, #tpu.memory_space<semaphore_mem>>) src(%dma_wait3A_291 : memref<125x64xf32, #tpu.memory_space<vmem>>) dst(%dma_wait3A_297 : memref<10000x64xf32, #tpu.memory_space<vmem_shared>>)
      } else {
      }
      %lt3A_282 = arith.constant 160 : i32
      %lt3A_283 = arith.cmpi slt, %add3A_276, %lt3A_282 : i32
      %convert_element_type3A_284 = arith.extui %lt3A_283 : i1 to i32
      %cond3A_285 = arith.constant 0 : i32
      %cond3A_286 = arith.cmpi ne, %convert_element_type3A_284, %cond3A_285 : i32
      scf.if %cond3A_286 {
        %dma_start3A_287 = arith.constant 2 : i32
        %dma_start3A_288 = arith.constant 0 : i32
        %dma_start3A_289 = arith.constant 0 : i32
        %dma_start3A_290 = tpu.memref_slice %arg10[%dma_start3A_287, %dma_start3A_288, %dma_start3A_289] : memref<5x125x64xf32, #tpu.memory_space<vmem>> -> memref<1x125x64xf32, #tpu.memory_space<vmem>>
        %dma_start3A_291 = tpu.memref_squeeze %dma_start3A_290 : memref<1x125x64xf32, #tpu.memory_space<vmem>> -> memref<125x64xf32, #tpu.memory_space<vmem>>
        %dma_start3A_292 = arith.constant 0 : i32
        %dma_start3A_293 = tpu.memref_slice %arg8[%add3A_276, %dma_start3A_292] : memref<160x125xi32, #tpu.memory_space<vmem>> -> memref<1x125xi32, #tpu.memory_space<vmem>>
        %dma_start3A_294 = tpu.memref_squeeze %dma_start3A_293 : memref<1x125xi32, #tpu.memory_space<vmem>> -> memref<125xi32, #tpu.memory_space<vmem>>
        %dma_start3A_295 = arith.constant 0 : i32
        %dma_start3A_296 = arith.constant 0 : i32
        %dma_start3A_297 = tpu.memref_slice %arg2[%dma_start3A_295, %dma_start3A_296] : memref<20000x64xf32, #tpu.memory_space<hbm>> -> memref<20000x64xf32, #tpu.memory_space<hbm>>
        tpu.enqueue_indirect_dma source(%dma_start3A_297 : memref<20000x64xf32, #tpu.memory_space<hbm>>) target(%dma_start3A_291 : memref<125x64xf32, #tpu.memory_space<vmem>>) offsets(%dma_start3A_294 : memref<125xi32, #tpu.memory_space<vmem>>) semaphore(%arg14 : memref<!tpu.dma_semaphore, #tpu.memory_space<semaphore_mem>>)
      } else {
      }
    }
    %scan3A_56 = arith.constant 32 : i32
    %dma_wait3A = arith.constant 3 : i32
    %dma_wait3A_57 = arith.constant 158 : i32
    %dma_wait3A_58 = arith.constant 0 : i32
    %dma_wait3A_59 = arith.constant 0 : i32
    %dma_wait3A_60 = tpu.memref_slice %arg10[%dma_wait3A, %dma_wait3A_58, %dma_wait3A_59] : memref<5x125x64xf32, #tpu.memory_space<vmem>> -> memref<1x125x64xf32, #tpu.memory_space<vmem>>
    %dma_wait3A_61 = tpu.memref_squeeze %dma_wait3A_60 : memref<1x125x64xf32, #tpu.memory_space<vmem>> -> memref<125x64xf32, #tpu.memory_space<vmem>>
    %dma_wait3A_62 = arith.constant 0 : i32
    %dma_wait3A_63 = tpu.memref_slice %arg9[%dma_wait3A_57, %dma_wait3A_62] : memref<160x125xi32, #tpu.memory_space<vmem>> -> memref<1x125xi32, #tpu.memory_space<vmem>>
    %dma_wait3A_64 = tpu.memref_squeeze %dma_wait3A_63 : memref<1x125xi32, #tpu.memory_space<vmem>> -> memref<125xi32, #tpu.memory_space<vmem>>
    %dma_wait3A_65 = arith.constant 0 : i32
    %dma_wait3A_66 = arith.constant 0 : i32
    %dma_wait3A_67 = tpu.memref_slice %arg11[%dma_wait3A_65, %dma_wait3A_66] : memref<10000x64xf32, #tpu.memory_space<vmem_shared>> -> memref<10000x64xf32, #tpu.memory_space<vmem_shared>>
    tpu.wait_indirect_dma semaphore(%arg20 : memref<!tpu.dma_semaphore, #tpu.memory_space<semaphore_mem>>) src(%dma_wait3A_61 : memref<125x64xf32, #tpu.memory_space<vmem>>) dst(%dma_wait3A_67 : memref<10000x64xf32, #tpu.memory_space<vmem_shared>>)
    %dma_wait3A_68 = arith.constant 4 : i32
    %dma_wait3A_69 = arith.constant 159 : i32
    %dma_wait3A_70 = arith.constant 0 : i32
    %dma_wait3A_71 = arith.constant 0 : i32
    %dma_wait3A_72 = tpu.memref_slice %arg10[%dma_wait3A_68, %dma_wait3A_70, %dma_wait3A_71] : memref<5x125x64xf32, #tpu.memory_space<vmem>> -> memref<1x125x64xf32, #tpu.memory_space<vmem>>
    %dma_wait3A_73 = tpu.memref_squeeze %dma_wait3A_72 : memref<1x125x64xf32, #tpu.memory_space<vmem>> -> memref<125x64xf32, #tpu.memory_space<vmem>>
    %dma_wait3A_74 = arith.constant 0 : i32
    %dma_wait3A_75 = tpu.memref_slice %arg9[%dma_wait3A_69, %dma_wait3A_74] : memref<160x125xi32, #tpu.memory_space<vmem>> -> memref<1x125xi32, #tpu.memory_space<vmem>>
    %dma_wait3A_76 = tpu.memref_squeeze %dma_wait3A_75 : memref<1x125xi32, #tpu.memory_space<vmem>> -> memref<125xi32, #tpu.memory_space<vmem>>
    %dma_wait3A_77 = arith.constant 0 : i32
    %dma_wait3A_78 = arith.constant 0 : i32
    %dma_wait3A_79 = tpu.memref_slice %arg11[%dma_wait3A_77, %dma_wait3A_78] : memref<10000x64xf32, #tpu.memory_space<vmem_shared>> -> memref<10000x64xf32, #tpu.memory_space<vmem_shared>>
    tpu.wait_indirect_dma semaphore(%arg21 : memref<!tpu.dma_semaphore, #tpu.memory_space<semaphore_mem>>) src(%dma_wait3A_73 : memref<125x64xf32, #tpu.memory_space<vmem>>) dst(%dma_wait3A_79 : memref<10000x64xf32, #tpu.memory_space<vmem_shared>>)
    %barrier3A_80 = arith.constant 0 : index
    tpu.barrier barrier_id(%barrier3A_80)
    %mul3A_81 = arith.constant 624 : i32
    %mul3A_82 = arith.muli %arg1, %mul3A_81 : i32
    %mul3A_83 = arith.constant 624 : i32
    %mul3A_84 = arith.muli %arg1, %mul3A_83 : i32
    "tpu.region"() ({
      %run_scoped3A = tpu.sem_alloc : memref<!tpu.dma_semaphore, #tpu.memory_space<semaphore_mem>>
      %dma_start3A_90 = arith.constant 0 : i32
      %dma_start3A_91 = tpu.memref_slice %arg7[%arg0, %mul3A_84, %dma_start3A_90] : memref<2x10000x64xf32, #tpu.memory_space<hbm>> -> memref<1x624x64xf32, #tpu.memory_space<hbm>>
      %dma_start3A_92 = tpu.memref_squeeze %dma_start3A_91 : memref<1x624x64xf32, #tpu.memory_space<hbm>> -> memref<624x64xf32, #tpu.memory_space<hbm>>
      %dma_start3A_93 = arith.constant 0 : i32
      %dma_start3A_94 = tpu.memref_slice %arg11[%mul3A_82, %dma_start3A_93] : memref<10000x64xf32, #tpu.memory_space<vmem_shared>> -> memref<624x64xf32, #tpu.memory_space<vmem_shared>>
      tpu.enqueue_dma source(%dma_start3A_94 : memref<624x64xf32, #tpu.memory_space<vmem_shared>>) target(%dma_start3A_92 : memref<624x64xf32, #tpu.memory_space<hbm>>) target_semaphore(%run_scoped3A : memref<!tpu.dma_semaphore, #tpu.memory_space<semaphore_mem>>)
      %dma_wait3A_95 = arith.constant 0 : i32
      %dma_wait3A_96 = tpu.memref_slice %arg7[%arg0, %mul3A_84, %dma_wait3A_95] : memref<2x10000x64xf32, #tpu.memory_space<hbm>> -> memref<1x624x64xf32, #tpu.memory_space<hbm>>
      %dma_wait3A_97 = tpu.memref_squeeze %dma_wait3A_96 : memref<1x624x64xf32, #tpu.memory_space<hbm>> -> memref<624x64xf32, #tpu.memory_space<hbm>>
      %dma_wait3A_98 = arith.constant 0 : i32
      %dma_wait3A_99 = tpu.memref_slice %arg11[%mul3A_82, %dma_wait3A_98] : memref<10000x64xf32, #tpu.memory_space<vmem_shared>> -> memref<624x64xf32, #tpu.memory_space<vmem_shared>>
      tpu.wait_dma2 semaphore(%run_scoped3A : memref<!tpu.dma_semaphore, #tpu.memory_space<semaphore_mem>>) src(%dma_wait3A_99 : memref<624x64xf32, #tpu.memory_space<vmem_shared>>) dst(%dma_wait3A_97 : memref<624x64xf32, #tpu.memory_space<hbm>>)
      tpu.yield
    }) : () -> ()
    %eq3A_85 = arith.constant 15 : i32
    %eq3A_86 = arith.cmpi eq, %arg1, %eq3A_85 : i32
    %convert_element_type3A_87 = arith.extui %eq3A_86 : i1 to i32
    %cond3A_88 = arith.constant 0 : i32
    %cond3A_89 = arith.cmpi ne, %convert_element_type3A_87, %cond3A_88 : i32
    scf.if %cond3A_89 {
      "tpu.region"() ({
        %run_scoped3A = tpu.sem_alloc : memref<!tpu.dma_semaphore, #tpu.memory_space<semaphore_mem>>
        %dma_start3A_90 = arith.constant 9984 : i32
        %dma_start3A_91 = arith.constant 0 : i32
        %dma_start3A_92 = tpu.memref_slice %arg7[%arg0, %dma_start3A_90, %dma_start3A_91] : memref<2x10000x64xf32, #tpu.memory_space<hbm>> -> memref<1x16x64xf32, #tpu.memory_space<hbm>>
        %dma_start3A_93 = tpu.memref_squeeze %dma_start3A_92 : memref<1x16x64xf32, #tpu.memory_space<hbm>> -> memref<16x64xf32, #tpu.memory_space<hbm>>
        %dma_start3A_94 = arith.constant 9984 : i32
        %dma_start3A_95 = arith.constant 0 : i32
        %dma_start3A_96 = tpu.memref_slice %arg11[%dma_start3A_94, %dma_start3A_95] : memref<10000x64xf32, #tpu.memory_space<vmem_shared>> -> memref<16x64xf32, #tpu.memory_space<vmem_shared>>
        tpu.enqueue_dma source(%dma_start3A_96 : memref<16x64xf32, #tpu.memory_space<vmem_shared>>) target(%dma_start3A_93 : memref<16x64xf32, #tpu.memory_space<hbm>>) target_semaphore(%run_scoped3A : memref<!tpu.dma_semaphore, #tpu.memory_space<semaphore_mem>>)
        %dma_wait3A_97 = arith.constant 9984 : i32
        %dma_wait3A_98 = arith.constant 0 : i32
        %dma_wait3A_99 = tpu.memref_slice %arg7[%arg0, %dma_wait3A_97, %dma_wait3A_98] : memref<2x10000x64xf32, #tpu.memory_space<hbm>> -> memref<1x16x64xf32, #tpu.memory_space<hbm>>
        %dma_wait3A_100 = tpu.memref_squeeze %dma_wait3A_99 : memref<1x16x64xf32, #tpu.memory_space<hbm>> -> memref<16x64xf32, #tpu.memory_space<hbm>>
        %dma_wait3A_101 = arith.constant 9984 : i32
        %dma_wait3A_102 = arith.constant 0 : i32
        %dma_wait3A_103 = tpu.memref_slice %arg11[%dma_wait3A_101, %dma_wait3A_102] : memref<10000x64xf32, #tpu.memory_space<vmem_shared>> -> memref<16x64xf32, #tpu.memory_space<vmem_shared>>
        tpu.wait_dma2 semaphore(%run_scoped3A : memref<!tpu.dma_semaphore, #tpu.memory_space<semaphore_mem>>) src(%dma_wait3A_103 : memref<16x64xf32, #tpu.memory_space<vmem_shared>>) dst(%dma_wait3A_100 : memref<16x64xf32, #tpu.memory_space<hbm>>)
        tpu.yield
      }) : () -> ()
    } else {
    }
    return
  }
}

#map = affine_map<(d0, d1) -> (0, 0)>
#map1 = affine_map<(d0, d1) -> (0)>
#map2 = affine_map<(d0, d1) -> (0, 0, 0)>
module attributes {stable_mosaic.version = 14 : i64} {
  func.func @agg(%arg0: i32, %arg1: i32, %arg2: memref<10000x64xf32, #tpu.memory_space<hbm>>, %arg3: memref<320000xi32, #tpu.memory_space<hbm>>, %arg4: memref<320000xi32, #tpu.memory_space<hbm>>, %arg5: memref<10000x64xf32, #tpu.memory_space<hbm>>, %arg6: memref<2x10000x64xf32, #tpu.memory_space<hbm>>, %arg7: memref<10000xi32, #tpu.memory_space<vmem>>, %arg8: memref<10000xi32, #tpu.memory_space<vmem>>, %arg9: memref<5x200x64xf32, #tpu.memory_space<vmem>>, %arg10: memref<10000x64xf32, #tpu.memory_space<vmem_shared>>, %arg11: memref<!tpu.dma_semaphore, #tpu.memory_space<semaphore_mem>>, %arg12: memref<!tpu.dma_semaphore, #tpu.memory_space<semaphore_mem>>, %arg13: memref<!tpu.dma_semaphore, #tpu.memory_space<semaphore_mem>>, %arg14: memref<!tpu.dma_semaphore, #tpu.memory_space<semaphore_mem>>, %arg15: memref<!tpu.dma_semaphore, #tpu.memory_space<semaphore_mem>>, %arg16: memref<!tpu.dma_semaphore, #tpu.memory_space<semaphore_mem>>, %arg17: memref<!tpu.dma_semaphore, #tpu.memory_space<semaphore_mem>>, %arg18: memref<!tpu.dma_semaphore, #tpu.memory_space<semaphore_mem>>, %arg19: memref<!tpu.dma_semaphore, #tpu.memory_space<semaphore_mem>>, %arg20: memref<!tpu.dma_semaphore, #tpu.memory_space<semaphore_mem>>) attributes {dimension_semantics = [#tpu.dimension_semantics<core_parallel>, #tpu.dimension_semantics<subcore_parallel>], iteration_bounds = array<i64: 2, 16>, scalar_prefetch = 0 : i64, scratch_operands = 14 : i64, tpu.core_type = #tpu.core_type<sc_vector_subcore>, window_params = [{transform_indices = #map}, {transform_indices = #map1}, {transform_indices = #map1}, {transform_indices = #map}, {transform_indices = #map2}]} {
    %mul3A = arith.constant 16 : i32
    %mul3A_0 = arith.muli %arg0, %mul3A : i32
    %add3A = arith.addi %mul3A_0, %arg1 : i32
    %mul3A_1 = arith.constant 624 : i32
    %mul3A_2 = arith.muli %arg1, %mul3A_1 : i32
    %mul3A_3 = arith.constant 624 : i32
    %mul3A_4 = arith.muli %arg1, %mul3A_3 : i32
    "tpu.region"() ({
      %run_scoped3A = tpu.sem_alloc : memref<!tpu.dma_semaphore, #tpu.memory_space<semaphore_mem>>
      %dma_start3A_74 = arith.constant 0 : i32
      %dma_start3A_75 = tpu.memref_slice %arg10[%mul3A_4, %dma_start3A_74] : memref<10000x64xf32, #tpu.memory_space<vmem_shared>> -> memref<624x64xf32, #tpu.memory_space<vmem_shared>>
      %dma_start3A_76 = arith.constant 0 : i32
      %dma_start3A_77 = tpu.memref_slice %arg5[%mul3A_2, %dma_start3A_76] : memref<10000x64xf32, #tpu.memory_space<hbm>> -> memref<624x64xf32, #tpu.memory_space<hbm>>
      tpu.enqueue_dma source(%dma_start3A_77 : memref<624x64xf32, #tpu.memory_space<hbm>>) target(%dma_start3A_75 : memref<624x64xf32, #tpu.memory_space<vmem_shared>>) target_semaphore(%run_scoped3A : memref<!tpu.dma_semaphore, #tpu.memory_space<semaphore_mem>>)
      %dma_wait3A_78 = arith.constant 0 : i32
      %dma_wait3A_79 = tpu.memref_slice %arg10[%mul3A_4, %dma_wait3A_78] : memref<10000x64xf32, #tpu.memory_space<vmem_shared>> -> memref<624x64xf32, #tpu.memory_space<vmem_shared>>
      %dma_wait3A_80 = arith.constant 0 : i32
      %dma_wait3A_81 = tpu.memref_slice %arg5[%mul3A_2, %dma_wait3A_80] : memref<10000x64xf32, #tpu.memory_space<hbm>> -> memref<624x64xf32, #tpu.memory_space<hbm>>
      tpu.wait_dma2 semaphore(%run_scoped3A : memref<!tpu.dma_semaphore, #tpu.memory_space<semaphore_mem>>) src(%dma_wait3A_81 : memref<624x64xf32, #tpu.memory_space<hbm>>) dst(%dma_wait3A_79 : memref<624x64xf32, #tpu.memory_space<vmem_shared>>)
      tpu.yield
    }) : () -> ()
    %eq3A = arith.constant 15 : i32
    %eq3A_5 = arith.cmpi eq, %arg1, %eq3A : i32
    %convert_element_type3A = arith.extui %eq3A_5 : i1 to i32
    %cond3A = arith.constant 0 : i32
    %cond3A_6 = arith.cmpi ne, %convert_element_type3A, %cond3A : i32
    scf.if %cond3A_6 {
      "tpu.region"() ({
        %run_scoped3A = tpu.sem_alloc : memref<!tpu.dma_semaphore, #tpu.memory_space<semaphore_mem>>
        %dma_start3A_74 = arith.constant 9984 : i32
        %dma_start3A_75 = arith.constant 0 : i32
        %dma_start3A_76 = tpu.memref_slice %arg10[%dma_start3A_74, %dma_start3A_75] : memref<10000x64xf32, #tpu.memory_space<vmem_shared>> -> memref<16x64xf32, #tpu.memory_space<vmem_shared>>
        %dma_start3A_77 = arith.constant 9984 : i32
        %dma_start3A_78 = arith.constant 0 : i32
        %dma_start3A_79 = tpu.memref_slice %arg5[%dma_start3A_77, %dma_start3A_78] : memref<10000x64xf32, #tpu.memory_space<hbm>> -> memref<16x64xf32, #tpu.memory_space<hbm>>
        tpu.enqueue_dma source(%dma_start3A_79 : memref<16x64xf32, #tpu.memory_space<hbm>>) target(%dma_start3A_76 : memref<16x64xf32, #tpu.memory_space<vmem_shared>>) target_semaphore(%run_scoped3A : memref<!tpu.dma_semaphore, #tpu.memory_space<semaphore_mem>>)
        %dma_wait3A_80 = arith.constant 9984 : i32
        %dma_wait3A_81 = arith.constant 0 : i32
        %dma_wait3A_82 = tpu.memref_slice %arg10[%dma_wait3A_80, %dma_wait3A_81] : memref<10000x64xf32, #tpu.memory_space<vmem_shared>> -> memref<16x64xf32, #tpu.memory_space<vmem_shared>>
        %dma_wait3A_83 = arith.constant 9984 : i32
        %dma_wait3A_84 = arith.constant 0 : i32
        %dma_wait3A_85 = tpu.memref_slice %arg5[%dma_wait3A_83, %dma_wait3A_84] : memref<10000x64xf32, #tpu.memory_space<hbm>> -> memref<16x64xf32, #tpu.memory_space<hbm>>
        tpu.wait_dma2 semaphore(%run_scoped3A : memref<!tpu.dma_semaphore, #tpu.memory_space<semaphore_mem>>) src(%dma_wait3A_85 : memref<16x64xf32, #tpu.memory_space<hbm>>) dst(%dma_wait3A_82 : memref<16x64xf32, #tpu.memory_space<vmem_shared>>)
        tpu.yield
      }) : () -> ()
    } else {
    }
    %mul3A_7 = arith.constant 10000 : i32
    %mul3A_8 = arith.muli %add3A, %mul3A_7 : i32
    "tpu.region"() ({
      %run_scoped3A = tpu.sem_alloc : memref<!tpu.dma_semaphore, #tpu.memory_space<semaphore_mem>>
      %dma_start3A_74 = tpu.memref_slice %arg3[%mul3A_8] : memref<320000xi32, #tpu.memory_space<hbm>> -> memref<10000xi32, #tpu.memory_space<hbm>>
      %dma_start3A_75 = tpu.memref_slice %arg3[%mul3A_8] : memref<320000xi32, #tpu.memory_space<hbm>> -> memref<10000xi32, #tpu.memory_space<hbm>>
      tpu.enqueue_dma source(%dma_start3A_75 : memref<10000xi32, #tpu.memory_space<hbm>>) target(%arg7 : memref<10000xi32, #tpu.memory_space<vmem>>) target_semaphore(%run_scoped3A : memref<!tpu.dma_semaphore, #tpu.memory_space<semaphore_mem>>)
      %dma_wait3A_76 = tpu.memref_slice %arg3[%mul3A_8] : memref<320000xi32, #tpu.memory_space<hbm>> -> memref<10000xi32, #tpu.memory_space<hbm>>
      %dma_wait3A_77 = tpu.memref_slice %arg3[%mul3A_8] : memref<320000xi32, #tpu.memory_space<hbm>> -> memref<10000xi32, #tpu.memory_space<hbm>>
      tpu.wait_dma2 semaphore(%run_scoped3A : memref<!tpu.dma_semaphore, #tpu.memory_space<semaphore_mem>>) src(%dma_wait3A_77 : memref<10000xi32, #tpu.memory_space<hbm>>) dst(%arg7 : memref<10000xi32, #tpu.memory_space<vmem>>)
      tpu.yield
    }) : () -> ()
    %mul3A_9 = arith.constant 10000 : i32
    %mul3A_10 = arith.muli %add3A, %mul3A_9 : i32
    "tpu.region"() ({
      %run_scoped3A = tpu.sem_alloc : memref<!tpu.dma_semaphore, #tpu.memory_space<semaphore_mem>>
      %dma_start3A_74 = tpu.memref_slice %arg4[%mul3A_10] : memref<320000xi32, #tpu.memory_space<hbm>> -> memref<10000xi32, #tpu.memory_space<hbm>>
      %dma_start3A_75 = tpu.memref_slice %arg4[%mul3A_10] : memref<320000xi32, #tpu.memory_space<hbm>> -> memref<10000xi32, #tpu.memory_space<hbm>>
      tpu.enqueue_dma source(%dma_start3A_75 : memref<10000xi32, #tpu.memory_space<hbm>>) target(%arg8 : memref<10000xi32, #tpu.memory_space<vmem>>) target_semaphore(%run_scoped3A : memref<!tpu.dma_semaphore, #tpu.memory_space<semaphore_mem>>)
      %dma_wait3A_76 = tpu.memref_slice %arg4[%mul3A_10] : memref<320000xi32, #tpu.memory_space<hbm>> -> memref<10000xi32, #tpu.memory_space<hbm>>
      %dma_wait3A_77 = tpu.memref_slice %arg4[%mul3A_10] : memref<320000xi32, #tpu.memory_space<hbm>> -> memref<10000xi32, #tpu.memory_space<hbm>>
      tpu.wait_dma2 semaphore(%run_scoped3A : memref<!tpu.dma_semaphore, #tpu.memory_space<semaphore_mem>>) src(%dma_wait3A_77 : memref<10000xi32, #tpu.memory_space<hbm>>) dst(%arg8 : memref<10000xi32, #tpu.memory_space<vmem>>)
      tpu.yield
    }) : () -> ()
    %dma_start3A = arith.constant 0 : i32
    %dma_start3A_11 = arith.constant 0 : i32
    %dma_start3A_12 = arith.constant 0 : i32
    %dma_start3A_13 = tpu.memref_slice %arg9[%dma_start3A, %dma_start3A_11, %dma_start3A_12] : memref<5x200x64xf32, #tpu.memory_space<vmem>> -> memref<1x200x64xf32, #tpu.memory_space<vmem>>
    %dma_start3A_14 = tpu.memref_squeeze %dma_start3A_13 : memref<1x200x64xf32, #tpu.memory_space<vmem>> -> memref<200x64xf32, #tpu.memory_space<vmem>>
    %dma_start3A_15 = arith.constant 0 : i32
    %dma_start3A_16 = tpu.memref_slice %arg7[%dma_start3A_15] : memref<10000xi32, #tpu.memory_space<vmem>> -> memref<200xi32, #tpu.memory_space<vmem>>
    %dma_start3A_17 = arith.constant 0 : i32
    %dma_start3A_18 = arith.constant 0 : i32
    %dma_start3A_19 = tpu.memref_slice %arg2[%dma_start3A_17, %dma_start3A_18] : memref<10000x64xf32, #tpu.memory_space<hbm>> -> memref<10000x64xf32, #tpu.memory_space<hbm>>
    tpu.enqueue_indirect_dma source(%dma_start3A_19 : memref<10000x64xf32, #tpu.memory_space<hbm>>) target(%dma_start3A_14 : memref<200x64xf32, #tpu.memory_space<vmem>>) offsets(%dma_start3A_16 : memref<200xi32, #tpu.memory_space<vmem>>) semaphore(%arg11 : memref<!tpu.dma_semaphore, #tpu.memory_space<semaphore_mem>>)
    %dma_start3A_20 = arith.constant 1 : i32
    %dma_start3A_21 = arith.constant 0 : i32
    %dma_start3A_22 = arith.constant 0 : i32
    %dma_start3A_23 = tpu.memref_slice %arg9[%dma_start3A_20, %dma_start3A_21, %dma_start3A_22] : memref<5x200x64xf32, #tpu.memory_space<vmem>> -> memref<1x200x64xf32, #tpu.memory_space<vmem>>
    %dma_start3A_24 = tpu.memref_squeeze %dma_start3A_23 : memref<1x200x64xf32, #tpu.memory_space<vmem>> -> memref<200x64xf32, #tpu.memory_space<vmem>>
    %dma_start3A_25 = arith.constant 200 : i32
    %dma_start3A_26 = tpu.memref_slice %arg7[%dma_start3A_25] : memref<10000xi32, #tpu.memory_space<vmem>> -> memref<200xi32, #tpu.memory_space<vmem>>
    %dma_start3A_27 = arith.constant 0 : i32
    %dma_start3A_28 = arith.constant 0 : i32
    %dma_start3A_29 = tpu.memref_slice %arg2[%dma_start3A_27, %dma_start3A_28] : memref<10000x64xf32, #tpu.memory_space<hbm>> -> memref<10000x64xf32, #tpu.memory_space<hbm>>
    tpu.enqueue_indirect_dma source(%dma_start3A_29 : memref<10000x64xf32, #tpu.memory_space<hbm>>) target(%dma_start3A_24 : memref<200x64xf32, #tpu.memory_space<vmem>>) offsets(%dma_start3A_26 : memref<200xi32, #tpu.memory_space<vmem>>) semaphore(%arg12 : memref<!tpu.dma_semaphore, #tpu.memory_space<semaphore_mem>>)
    %dma_start3A_30 = arith.constant 2 : i32
    %dma_start3A_31 = arith.constant 0 : i32
    %dma_start3A_32 = arith.constant 0 : i32
    %dma_start3A_33 = tpu.memref_slice %arg9[%dma_start3A_30, %dma_start3A_31, %dma_start3A_32] : memref<5x200x64xf32, #tpu.memory_space<vmem>> -> memref<1x200x64xf32, #tpu.memory_space<vmem>>
    %dma_start3A_34 = tpu.memref_squeeze %dma_start3A_33 : memref<1x200x64xf32, #tpu.memory_space<vmem>> -> memref<200x64xf32, #tpu.memory_space<vmem>>
    %dma_start3A_35 = arith.constant 400 : i32
    %dma_start3A_36 = tpu.memref_slice %arg7[%dma_start3A_35] : memref<10000xi32, #tpu.memory_space<vmem>> -> memref<200xi32, #tpu.memory_space<vmem>>
    %dma_start3A_37 = arith.constant 0 : i32
    %dma_start3A_38 = arith.constant 0 : i32
    %dma_start3A_39 = tpu.memref_slice %arg2[%dma_start3A_37, %dma_start3A_38] : memref<10000x64xf32, #tpu.memory_space<hbm>> -> memref<10000x64xf32, #tpu.memory_space<hbm>>
    tpu.enqueue_indirect_dma source(%dma_start3A_39 : memref<10000x64xf32, #tpu.memory_space<hbm>>) target(%dma_start3A_34 : memref<200x64xf32, #tpu.memory_space<vmem>>) offsets(%dma_start3A_36 : memref<200xi32, #tpu.memory_space<vmem>>) semaphore(%arg13 : memref<!tpu.dma_semaphore, #tpu.memory_space<semaphore_mem>>)
    %barrier3A = arith.constant 0 : index
    tpu.barrier barrier_id(%barrier3A)
    %scan3A = arith.constant 0 : i32
    %scan3A_40 = arith.constant 0 : i32
    %scan3A_41 = arith.constant 10 : i32
    %scan3A_42 = arith.addi %scan3A_40, %scan3A_41 : i32
    %scan3A_43 = arith.constant 1 : i32
    scf.for %scan3A_74 = %scan3A_40 to %scan3A_42 step %scan3A_43  : i32 {
      %mul3A_75 = arith.constant 5 : i32
      %mul3A_76 = arith.muli %scan3A_74, %mul3A_75 : i32
      %add3A_77 = arith.constant 0 : i32
      %add3A_78 = arith.addi %mul3A_76, %add3A_77 : i32
      %mul3A_79 = arith.constant 200 : i32
      %mul3A_80 = arith.muli %add3A_78, %mul3A_79 : i32
      %dma_wait3A_81 = arith.constant 0 : i32
      %dma_wait3A_82 = arith.constant 0 : i32
      %dma_wait3A_83 = arith.constant 0 : i32
      %dma_wait3A_84 = tpu.memref_slice %arg9[%dma_wait3A_81, %dma_wait3A_82, %dma_wait3A_83] : memref<5x200x64xf32, #tpu.memory_space<vmem>> -> memref<1x200x64xf32, #tpu.memory_space<vmem>>
      %dma_wait3A_85 = tpu.memref_squeeze %dma_wait3A_84 : memref<1x200x64xf32, #tpu.memory_space<vmem>> -> memref<200x64xf32, #tpu.memory_space<vmem>>
      %dma_wait3A_86 = tpu.memref_slice %arg7[%mul3A_80] : memref<10000xi32, #tpu.memory_space<vmem>> -> memref<200xi32, #tpu.memory_space<vmem>>
      %dma_wait3A_87 = arith.constant 0 : i32
      %dma_wait3A_88 = arith.constant 0 : i32
      %dma_wait3A_89 = tpu.memref_slice %arg2[%dma_wait3A_87, %dma_wait3A_88] : memref<10000x64xf32, #tpu.memory_space<hbm>> -> memref<10000x64xf32, #tpu.memory_space<hbm>>
      tpu.wait_indirect_dma semaphore(%arg11 : memref<!tpu.dma_semaphore, #tpu.memory_space<semaphore_mem>>) src(%dma_wait3A_89 : memref<10000x64xf32, #tpu.memory_space<hbm>>) dst(%dma_wait3A_85 : memref<200x64xf32, #tpu.memory_space<vmem>>)
      %mul3A_90 = arith.constant 200 : i32
      %mul3A_91 = arith.muli %add3A_78, %mul3A_90 : i32
      %dma_start3A_92 = arith.constant 0 : i32
      %dma_start3A_93 = arith.constant 0 : i32
      %dma_start3A_94 = arith.constant 0 : i32
      %dma_start3A_95 = tpu.memref_slice %arg9[%dma_start3A_92, %dma_start3A_93, %dma_start3A_94] : memref<5x200x64xf32, #tpu.memory_space<vmem>> -> memref<1x200x64xf32, #tpu.memory_space<vmem>>
      %dma_start3A_96 = tpu.memref_squeeze %dma_start3A_95 : memref<1x200x64xf32, #tpu.memory_space<vmem>> -> memref<200x64xf32, #tpu.memory_space<vmem>>
      %dma_start3A_97 = tpu.memref_slice %arg8[%mul3A_91] : memref<10000xi32, #tpu.memory_space<vmem>> -> memref<200xi32, #tpu.memory_space<vmem>>
      %dma_start3A_98 = arith.constant 0 : i32
      %dma_start3A_99 = arith.constant 0 : i32
      %dma_start3A_100 = tpu.memref_slice %arg10[%dma_start3A_98, %dma_start3A_99] : memref<10000x64xf32, #tpu.memory_space<vmem_shared>> -> memref<10000x64xf32, #tpu.memory_space<vmem_shared>>
      tpu.enqueue_indirect_dma source(%dma_start3A_96 : memref<200x64xf32, #tpu.memory_space<vmem>>) target(%dma_start3A_100 : memref<10000x64xf32, #tpu.memory_space<vmem_shared>>) offsets(%dma_start3A_97 : memref<200xi32, #tpu.memory_space<vmem>>) semaphore(%arg16 : memref<!tpu.dma_semaphore, #tpu.memory_space<semaphore_mem>>) {add = true}
      %sub3A = arith.constant 2 : i32
      %sub3A_101 = arith.subi %add3A_78, %sub3A : i32
      %add3A_102 = arith.constant 3 : i32
      %add3A_103 = arith.addi %add3A_78, %add3A_102 : i32
      %ge3A = arith.constant 0 : i32
      %ge3A_104 = arith.cmpi sge, %sub3A_101, %ge3A : i32
      %convert_element_type3A_105 = arith.extui %ge3A_104 : i1 to i32
      %cond3A_106 = arith.constant 0 : i32
      %cond3A_107 = arith.cmpi ne, %convert_element_type3A_105, %cond3A_106 : i32
      scf.if %cond3A_107 {
        %mul3A_272 = arith.constant 200 : i32
        %mul3A_273 = arith.muli %sub3A_101, %mul3A_272 : i32
        %dma_wait3A_274 = arith.constant 3 : i32
        %dma_wait3A_275 = arith.constant 0 : i32
        %dma_wait3A_276 = arith.constant 0 : i32
        %dma_wait3A_277 = tpu.memref_slice %arg9[%dma_wait3A_274, %dma_wait3A_275, %dma_wait3A_276] : memref<5x200x64xf32, #tpu.memory_space<vmem>> -> memref<1x200x64xf32, #tpu.memory_space<vmem>>
        %dma_wait3A_278 = tpu.memref_squeeze %dma_wait3A_277 : memref<1x200x64xf32, #tpu.memory_space<vmem>> -> memref<200x64xf32, #tpu.memory_space<vmem>>
        %dma_wait3A_279 = tpu.memref_slice %arg8[%mul3A_273] : memref<10000xi32, #tpu.memory_space<vmem>> -> memref<200xi32, #tpu.memory_space<vmem>>
        %dma_wait3A_280 = arith.constant 0 : i32
        %dma_wait3A_281 = arith.constant 0 : i32
        %dma_wait3A_282 = tpu.memref_slice %arg10[%dma_wait3A_280, %dma_wait3A_281] : memref<10000x64xf32, #tpu.memory_space<vmem_shared>> -> memref<10000x64xf32, #tpu.memory_space<vmem_shared>>
        tpu.wait_indirect_dma semaphore(%arg19 : memref<!tpu.dma_semaphore, #tpu.memory_space<semaphore_mem>>) src(%dma_wait3A_278 : memref<200x64xf32, #tpu.memory_space<vmem>>) dst(%dma_wait3A_282 : memref<10000x64xf32, #tpu.memory_space<vmem_shared>>)
      } else {
      }
      %lt3A = arith.constant 50 : i32
      %lt3A_108 = arith.cmpi slt, %add3A_103, %lt3A : i32
      %convert_element_type3A_109 = arith.extui %lt3A_108 : i1 to i32
      %cond3A_110 = arith.constant 0 : i32
      %cond3A_111 = arith.cmpi ne, %convert_element_type3A_109, %cond3A_110 : i32
      scf.if %cond3A_111 {
        %mul3A_272 = arith.constant 200 : i32
        %mul3A_273 = arith.muli %add3A_103, %mul3A_272 : i32
        %dma_start3A_274 = arith.constant 3 : i32
        %dma_start3A_275 = arith.constant 0 : i32
        %dma_start3A_276 = arith.constant 0 : i32
        %dma_start3A_277 = tpu.memref_slice %arg9[%dma_start3A_274, %dma_start3A_275, %dma_start3A_276] : memref<5x200x64xf32, #tpu.memory_space<vmem>> -> memref<1x200x64xf32, #tpu.memory_space<vmem>>
        %dma_start3A_278 = tpu.memref_squeeze %dma_start3A_277 : memref<1x200x64xf32, #tpu.memory_space<vmem>> -> memref<200x64xf32, #tpu.memory_space<vmem>>
        %dma_start3A_279 = tpu.memref_slice %arg7[%mul3A_273] : memref<10000xi32, #tpu.memory_space<vmem>> -> memref<200xi32, #tpu.memory_space<vmem>>
        %dma_start3A_280 = arith.constant 0 : i32
        %dma_start3A_281 = arith.constant 0 : i32
        %dma_start3A_282 = tpu.memref_slice %arg2[%dma_start3A_280, %dma_start3A_281] : memref<10000x64xf32, #tpu.memory_space<hbm>> -> memref<10000x64xf32, #tpu.memory_space<hbm>>
        tpu.enqueue_indirect_dma source(%dma_start3A_282 : memref<10000x64xf32, #tpu.memory_space<hbm>>) target(%dma_start3A_278 : memref<200x64xf32, #tpu.memory_space<vmem>>) offsets(%dma_start3A_279 : memref<200xi32, #tpu.memory_space<vmem>>) semaphore(%arg14 : memref<!tpu.dma_semaphore, #tpu.memory_space<semaphore_mem>>)
      } else {
      }
      %mul3A_112 = arith.constant 5 : i32
      %mul3A_113 = arith.muli %scan3A_74, %mul3A_112 : i32
      %add3A_114 = arith.constant 1 : i32
      %add3A_115 = arith.addi %mul3A_113, %add3A_114 : i32
      %mul3A_116 = arith.constant 200 : i32
      %mul3A_117 = arith.muli %add3A_115, %mul3A_116 : i32
      %dma_wait3A_118 = arith.constant 1 : i32
      %dma_wait3A_119 = arith.constant 0 : i32
      %dma_wait3A_120 = arith.constant 0 : i32
      %dma_wait3A_121 = tpu.memref_slice %arg9[%dma_wait3A_118, %dma_wait3A_119, %dma_wait3A_120] : memref<5x200x64xf32, #tpu.memory_space<vmem>> -> memref<1x200x64xf32, #tpu.memory_space<vmem>>
      %dma_wait3A_122 = tpu.memref_squeeze %dma_wait3A_121 : memref<1x200x64xf32, #tpu.memory_space<vmem>> -> memref<200x64xf32, #tpu.memory_space<vmem>>
      %dma_wait3A_123 = tpu.memref_slice %arg7[%mul3A_117] : memref<10000xi32, #tpu.memory_space<vmem>> -> memref<200xi32, #tpu.memory_space<vmem>>
      %dma_wait3A_124 = arith.constant 0 : i32
      %dma_wait3A_125 = arith.constant 0 : i32
      %dma_wait3A_126 = tpu.memref_slice %arg2[%dma_wait3A_124, %dma_wait3A_125] : memref<10000x64xf32, #tpu.memory_space<hbm>> -> memref<10000x64xf32, #tpu.memory_space<hbm>>
      tpu.wait_indirect_dma semaphore(%arg12 : memref<!tpu.dma_semaphore, #tpu.memory_space<semaphore_mem>>) src(%dma_wait3A_126 : memref<10000x64xf32, #tpu.memory_space<hbm>>) dst(%dma_wait3A_122 : memref<200x64xf32, #tpu.memory_space<vmem>>)
      %mul3A_127 = arith.constant 200 : i32
      %mul3A_128 = arith.muli %add3A_115, %mul3A_127 : i32
      %dma_start3A_129 = arith.constant 1 : i32
      %dma_start3A_130 = arith.constant 0 : i32
      %dma_start3A_131 = arith.constant 0 : i32
      %dma_start3A_132 = tpu.memref_slice %arg9[%dma_start3A_129, %dma_start3A_130, %dma_start3A_131] : memref<5x200x64xf32, #tpu.memory_space<vmem>> -> memref<1x200x64xf32, #tpu.memory_space<vmem>>
      %dma_start3A_133 = tpu.memref_squeeze %dma_start3A_132 : memref<1x200x64xf32, #tpu.memory_space<vmem>> -> memref<200x64xf32, #tpu.memory_space<vmem>>
      %dma_start3A_134 = tpu.memref_slice %arg8[%mul3A_128] : memref<10000xi32, #tpu.memory_space<vmem>> -> memref<200xi32, #tpu.memory_space<vmem>>
      %dma_start3A_135 = arith.constant 0 : i32
      %dma_start3A_136 = arith.constant 0 : i32
      %dma_start3A_137 = tpu.memref_slice %arg10[%dma_start3A_135, %dma_start3A_136] : memref<10000x64xf32, #tpu.memory_space<vmem_shared>> -> memref<10000x64xf32, #tpu.memory_space<vmem_shared>>
      tpu.enqueue_indirect_dma source(%dma_start3A_133 : memref<200x64xf32, #tpu.memory_space<vmem>>) target(%dma_start3A_137 : memref<10000x64xf32, #tpu.memory_space<vmem_shared>>) offsets(%dma_start3A_134 : memref<200xi32, #tpu.memory_space<vmem>>) semaphore(%arg17 : memref<!tpu.dma_semaphore, #tpu.memory_space<semaphore_mem>>) {add = true}
      %sub3A_138 = arith.constant 2 : i32
      %sub3A_139 = arith.subi %add3A_115, %sub3A_138 : i32
      %add3A_140 = arith.constant 3 : i32
      %add3A_141 = arith.addi %add3A_115, %add3A_140 : i32
      %ge3A_142 = arith.constant 0 : i32
      %ge3A_143 = arith.cmpi sge, %sub3A_139, %ge3A_142 : i32
      %convert_element_type3A_144 = arith.extui %ge3A_143 : i1 to i32
      %cond3A_145 = arith.constant 0 : i32
      %cond3A_146 = arith.cmpi ne, %convert_element_type3A_144, %cond3A_145 : i32
      scf.if %cond3A_146 {
        %mul3A_272 = arith.constant 200 : i32
        %mul3A_273 = arith.muli %sub3A_139, %mul3A_272 : i32
        %dma_wait3A_274 = arith.constant 4 : i32
        %dma_wait3A_275 = arith.constant 0 : i32
        %dma_wait3A_276 = arith.constant 0 : i32
        %dma_wait3A_277 = tpu.memref_slice %arg9[%dma_wait3A_274, %dma_wait3A_275, %dma_wait3A_276] : memref<5x200x64xf32, #tpu.memory_space<vmem>> -> memref<1x200x64xf32, #tpu.memory_space<vmem>>
        %dma_wait3A_278 = tpu.memref_squeeze %dma_wait3A_277 : memref<1x200x64xf32, #tpu.memory_space<vmem>> -> memref<200x64xf32, #tpu.memory_space<vmem>>
        %dma_wait3A_279 = tpu.memref_slice %arg8[%mul3A_273] : memref<10000xi32, #tpu.memory_space<vmem>> -> memref<200xi32, #tpu.memory_space<vmem>>
        %dma_wait3A_280 = arith.constant 0 : i32
        %dma_wait3A_281 = arith.constant 0 : i32
        %dma_wait3A_282 = tpu.memref_slice %arg10[%dma_wait3A_280, %dma_wait3A_281] : memref<10000x64xf32, #tpu.memory_space<vmem_shared>> -> memref<10000x64xf32, #tpu.memory_space<vmem_shared>>
        tpu.wait_indirect_dma semaphore(%arg20 : memref<!tpu.dma_semaphore, #tpu.memory_space<semaphore_mem>>) src(%dma_wait3A_278 : memref<200x64xf32, #tpu.memory_space<vmem>>) dst(%dma_wait3A_282 : memref<10000x64xf32, #tpu.memory_space<vmem_shared>>)
      } else {
      }
      %lt3A_147 = arith.constant 50 : i32
      %lt3A_148 = arith.cmpi slt, %add3A_141, %lt3A_147 : i32
      %convert_element_type3A_149 = arith.extui %lt3A_148 : i1 to i32
      %cond3A_150 = arith.constant 0 : i32
      %cond3A_151 = arith.cmpi ne, %convert_element_type3A_149, %cond3A_150 : i32
      scf.if %cond3A_151 {
        %mul3A_272 = arith.constant 200 : i32
        %mul3A_273 = arith.muli %add3A_141, %mul3A_272 : i32
        %dma_start3A_274 = arith.constant 4 : i32
        %dma_start3A_275 = arith.constant 0 : i32
        %dma_start3A_276 = arith.constant 0 : i32
        %dma_start3A_277 = tpu.memref_slice %arg9[%dma_start3A_274, %dma_start3A_275, %dma_start3A_276] : memref<5x200x64xf32, #tpu.memory_space<vmem>> -> memref<1x200x64xf32, #tpu.memory_space<vmem>>
        %dma_start3A_278 = tpu.memref_squeeze %dma_start3A_277 : memref<1x200x64xf32, #tpu.memory_space<vmem>> -> memref<200x64xf32, #tpu.memory_space<vmem>>
        %dma_start3A_279 = tpu.memref_slice %arg7[%mul3A_273] : memref<10000xi32, #tpu.memory_space<vmem>> -> memref<200xi32, #tpu.memory_space<vmem>>
        %dma_start3A_280 = arith.constant 0 : i32
        %dma_start3A_281 = arith.constant 0 : i32
        %dma_start3A_282 = tpu.memref_slice %arg2[%dma_start3A_280, %dma_start3A_281] : memref<10000x64xf32, #tpu.memory_space<hbm>> -> memref<10000x64xf32, #tpu.memory_space<hbm>>
        tpu.enqueue_indirect_dma source(%dma_start3A_282 : memref<10000x64xf32, #tpu.memory_space<hbm>>) target(%dma_start3A_278 : memref<200x64xf32, #tpu.memory_space<vmem>>) offsets(%dma_start3A_279 : memref<200xi32, #tpu.memory_space<vmem>>) semaphore(%arg15 : memref<!tpu.dma_semaphore, #tpu.memory_space<semaphore_mem>>)
      } else {
      }
      %mul3A_152 = arith.constant 5 : i32
      %mul3A_153 = arith.muli %scan3A_74, %mul3A_152 : i32
      %add3A_154 = arith.constant 2 : i32
      %add3A_155 = arith.addi %mul3A_153, %add3A_154 : i32
      %mul3A_156 = arith.constant 200 : i32
      %mul3A_157 = arith.muli %add3A_155, %mul3A_156 : i32
      %dma_wait3A_158 = arith.constant 2 : i32
      %dma_wait3A_159 = arith.constant 0 : i32
      %dma_wait3A_160 = arith.constant 0 : i32
      %dma_wait3A_161 = tpu.memref_slice %arg9[%dma_wait3A_158, %dma_wait3A_159, %dma_wait3A_160] : memref<5x200x64xf32, #tpu.memory_space<vmem>> -> memref<1x200x64xf32, #tpu.memory_space<vmem>>
      %dma_wait3A_162 = tpu.memref_squeeze %dma_wait3A_161 : memref<1x200x64xf32, #tpu.memory_space<vmem>> -> memref<200x64xf32, #tpu.memory_space<vmem>>
      %dma_wait3A_163 = tpu.memref_slice %arg7[%mul3A_157] : memref<10000xi32, #tpu.memory_space<vmem>> -> memref<200xi32, #tpu.memory_space<vmem>>
      %dma_wait3A_164 = arith.constant 0 : i32
      %dma_wait3A_165 = arith.constant 0 : i32
      %dma_wait3A_166 = tpu.memref_slice %arg2[%dma_wait3A_164, %dma_wait3A_165] : memref<10000x64xf32, #tpu.memory_space<hbm>> -> memref<10000x64xf32, #tpu.memory_space<hbm>>
      tpu.wait_indirect_dma semaphore(%arg13 : memref<!tpu.dma_semaphore, #tpu.memory_space<semaphore_mem>>) src(%dma_wait3A_166 : memref<10000x64xf32, #tpu.memory_space<hbm>>) dst(%dma_wait3A_162 : memref<200x64xf32, #tpu.memory_space<vmem>>)
      %mul3A_167 = arith.constant 200 : i32
      %mul3A_168 = arith.muli %add3A_155, %mul3A_167 : i32
      %dma_start3A_169 = arith.constant 2 : i32
      %dma_start3A_170 = arith.constant 0 : i32
      %dma_start3A_171 = arith.constant 0 : i32
      %dma_start3A_172 = tpu.memref_slice %arg9[%dma_start3A_169, %dma_start3A_170, %dma_start3A_171] : memref<5x200x64xf32, #tpu.memory_space<vmem>> -> memref<1x200x64xf32, #tpu.memory_space<vmem>>
      %dma_start3A_173 = tpu.memref_squeeze %dma_start3A_172 : memref<1x200x64xf32, #tpu.memory_space<vmem>> -> memref<200x64xf32, #tpu.memory_space<vmem>>
      %dma_start3A_174 = tpu.memref_slice %arg8[%mul3A_168] : memref<10000xi32, #tpu.memory_space<vmem>> -> memref<200xi32, #tpu.memory_space<vmem>>
      %dma_start3A_175 = arith.constant 0 : i32
      %dma_start3A_176 = arith.constant 0 : i32
      %dma_start3A_177 = tpu.memref_slice %arg10[%dma_start3A_175, %dma_start3A_176] : memref<10000x64xf32, #tpu.memory_space<vmem_shared>> -> memref<10000x64xf32, #tpu.memory_space<vmem_shared>>
      tpu.enqueue_indirect_dma source(%dma_start3A_173 : memref<200x64xf32, #tpu.memory_space<vmem>>) target(%dma_start3A_177 : memref<10000x64xf32, #tpu.memory_space<vmem_shared>>) offsets(%dma_start3A_174 : memref<200xi32, #tpu.memory_space<vmem>>) semaphore(%arg18 : memref<!tpu.dma_semaphore, #tpu.memory_space<semaphore_mem>>) {add = true}
      %sub3A_178 = arith.constant 2 : i32
      %sub3A_179 = arith.subi %add3A_155, %sub3A_178 : i32
      %add3A_180 = arith.constant 3 : i32
      %add3A_181 = arith.addi %add3A_155, %add3A_180 : i32
      %ge3A_182 = arith.constant 0 : i32
      %ge3A_183 = arith.cmpi sge, %sub3A_179, %ge3A_182 : i32
      %convert_element_type3A_184 = arith.extui %ge3A_183 : i1 to i32
      %cond3A_185 = arith.constant 0 : i32
      %cond3A_186 = arith.cmpi ne, %convert_element_type3A_184, %cond3A_185 : i32
      scf.if %cond3A_186 {
        %mul3A_272 = arith.constant 200 : i32
        %mul3A_273 = arith.muli %sub3A_179, %mul3A_272 : i32
        %dma_wait3A_274 = arith.constant 0 : i32
        %dma_wait3A_275 = arith.constant 0 : i32
        %dma_wait3A_276 = arith.constant 0 : i32
        %dma_wait3A_277 = tpu.memref_slice %arg9[%dma_wait3A_274, %dma_wait3A_275, %dma_wait3A_276] : memref<5x200x64xf32, #tpu.memory_space<vmem>> -> memref<1x200x64xf32, #tpu.memory_space<vmem>>
        %dma_wait3A_278 = tpu.memref_squeeze %dma_wait3A_277 : memref<1x200x64xf32, #tpu.memory_space<vmem>> -> memref<200x64xf32, #tpu.memory_space<vmem>>
        %dma_wait3A_279 = tpu.memref_slice %arg8[%mul3A_273] : memref<10000xi32, #tpu.memory_space<vmem>> -> memref<200xi32, #tpu.memory_space<vmem>>
        %dma_wait3A_280 = arith.constant 0 : i32
        %dma_wait3A_281 = arith.constant 0 : i32
        %dma_wait3A_282 = tpu.memref_slice %arg10[%dma_wait3A_280, %dma_wait3A_281] : memref<10000x64xf32, #tpu.memory_space<vmem_shared>> -> memref<10000x64xf32, #tpu.memory_space<vmem_shared>>
        tpu.wait_indirect_dma semaphore(%arg16 : memref<!tpu.dma_semaphore, #tpu.memory_space<semaphore_mem>>) src(%dma_wait3A_278 : memref<200x64xf32, #tpu.memory_space<vmem>>) dst(%dma_wait3A_282 : memref<10000x64xf32, #tpu.memory_space<vmem_shared>>)
      } else {
      }
      %lt3A_187 = arith.constant 50 : i32
      %lt3A_188 = arith.cmpi slt, %add3A_181, %lt3A_187 : i32
      %convert_element_type3A_189 = arith.extui %lt3A_188 : i1 to i32
      %cond3A_190 = arith.constant 0 : i32
      %cond3A_191 = arith.cmpi ne, %convert_element_type3A_189, %cond3A_190 : i32
      scf.if %cond3A_191 {
        %mul3A_272 = arith.constant 200 : i32
        %mul3A_273 = arith.muli %add3A_181, %mul3A_272 : i32
        %dma_start3A_274 = arith.constant 0 : i32
        %dma_start3A_275 = arith.constant 0 : i32
        %dma_start3A_276 = arith.constant 0 : i32
        %dma_start3A_277 = tpu.memref_slice %arg9[%dma_start3A_274, %dma_start3A_275, %dma_start3A_276] : memref<5x200x64xf32, #tpu.memory_space<vmem>> -> memref<1x200x64xf32, #tpu.memory_space<vmem>>
        %dma_start3A_278 = tpu.memref_squeeze %dma_start3A_277 : memref<1x200x64xf32, #tpu.memory_space<vmem>> -> memref<200x64xf32, #tpu.memory_space<vmem>>
        %dma_start3A_279 = tpu.memref_slice %arg7[%mul3A_273] : memref<10000xi32, #tpu.memory_space<vmem>> -> memref<200xi32, #tpu.memory_space<vmem>>
        %dma_start3A_280 = arith.constant 0 : i32
        %dma_start3A_281 = arith.constant 0 : i32
        %dma_start3A_282 = tpu.memref_slice %arg2[%dma_start3A_280, %dma_start3A_281] : memref<10000x64xf32, #tpu.memory_space<hbm>> -> memref<10000x64xf32, #tpu.memory_space<hbm>>
        tpu.enqueue_indirect_dma source(%dma_start3A_282 : memref<10000x64xf32, #tpu.memory_space<hbm>>) target(%dma_start3A_278 : memref<200x64xf32, #tpu.memory_space<vmem>>) offsets(%dma_start3A_279 : memref<200xi32, #tpu.memory_space<vmem>>) semaphore(%arg11 : memref<!tpu.dma_semaphore, #tpu.memory_space<semaphore_mem>>)
      } else {
      }
      %mul3A_192 = arith.constant 5 : i32
      %mul3A_193 = arith.muli %scan3A_74, %mul3A_192 : i32
      %add3A_194 = arith.constant 3 : i32
      %add3A_195 = arith.addi %mul3A_193, %add3A_194 : i32
      %mul3A_196 = arith.constant 200 : i32
      %mul3A_197 = arith.muli %add3A_195, %mul3A_196 : i32
      %dma_wait3A_198 = arith.constant 3 : i32
      %dma_wait3A_199 = arith.constant 0 : i32
      %dma_wait3A_200 = arith.constant 0 : i32
      %dma_wait3A_201 = tpu.memref_slice %arg9[%dma_wait3A_198, %dma_wait3A_199, %dma_wait3A_200] : memref<5x200x64xf32, #tpu.memory_space<vmem>> -> memref<1x200x64xf32, #tpu.memory_space<vmem>>
      %dma_wait3A_202 = tpu.memref_squeeze %dma_wait3A_201 : memref<1x200x64xf32, #tpu.memory_space<vmem>> -> memref<200x64xf32, #tpu.memory_space<vmem>>
      %dma_wait3A_203 = tpu.memref_slice %arg7[%mul3A_197] : memref<10000xi32, #tpu.memory_space<vmem>> -> memref<200xi32, #tpu.memory_space<vmem>>
      %dma_wait3A_204 = arith.constant 0 : i32
      %dma_wait3A_205 = arith.constant 0 : i32
      %dma_wait3A_206 = tpu.memref_slice %arg2[%dma_wait3A_204, %dma_wait3A_205] : memref<10000x64xf32, #tpu.memory_space<hbm>> -> memref<10000x64xf32, #tpu.memory_space<hbm>>
      tpu.wait_indirect_dma semaphore(%arg14 : memref<!tpu.dma_semaphore, #tpu.memory_space<semaphore_mem>>) src(%dma_wait3A_206 : memref<10000x64xf32, #tpu.memory_space<hbm>>) dst(%dma_wait3A_202 : memref<200x64xf32, #tpu.memory_space<vmem>>)
      %mul3A_207 = arith.constant 200 : i32
      %mul3A_208 = arith.muli %add3A_195, %mul3A_207 : i32
      %dma_start3A_209 = arith.constant 3 : i32
      %dma_start3A_210 = arith.constant 0 : i32
      %dma_start3A_211 = arith.constant 0 : i32
      %dma_start3A_212 = tpu.memref_slice %arg9[%dma_start3A_209, %dma_start3A_210, %dma_start3A_211] : memref<5x200x64xf32, #tpu.memory_space<vmem>> -> memref<1x200x64xf32, #tpu.memory_space<vmem>>
      %dma_start3A_213 = tpu.memref_squeeze %dma_start3A_212 : memref<1x200x64xf32, #tpu.memory_space<vmem>> -> memref<200x64xf32, #tpu.memory_space<vmem>>
      %dma_start3A_214 = tpu.memref_slice %arg8[%mul3A_208] : memref<10000xi32, #tpu.memory_space<vmem>> -> memref<200xi32, #tpu.memory_space<vmem>>
      %dma_start3A_215 = arith.constant 0 : i32
      %dma_start3A_216 = arith.constant 0 : i32
      %dma_start3A_217 = tpu.memref_slice %arg10[%dma_start3A_215, %dma_start3A_216] : memref<10000x64xf32, #tpu.memory_space<vmem_shared>> -> memref<10000x64xf32, #tpu.memory_space<vmem_shared>>
      tpu.enqueue_indirect_dma source(%dma_start3A_213 : memref<200x64xf32, #tpu.memory_space<vmem>>) target(%dma_start3A_217 : memref<10000x64xf32, #tpu.memory_space<vmem_shared>>) offsets(%dma_start3A_214 : memref<200xi32, #tpu.memory_space<vmem>>) semaphore(%arg19 : memref<!tpu.dma_semaphore, #tpu.memory_space<semaphore_mem>>) {add = true}
      %sub3A_218 = arith.constant 2 : i32
      %sub3A_219 = arith.subi %add3A_195, %sub3A_218 : i32
      %add3A_220 = arith.constant 3 : i32
      %add3A_221 = arith.addi %add3A_195, %add3A_220 : i32
      %ge3A_222 = arith.constant 0 : i32
      %ge3A_223 = arith.cmpi sge, %sub3A_219, %ge3A_222 : i32
      %convert_element_type3A_224 = arith.extui %ge3A_223 : i1 to i32
      %cond3A_225 = arith.constant 0 : i32
      %cond3A_226 = arith.cmpi ne, %convert_element_type3A_224, %cond3A_225 : i32
      scf.if %cond3A_226 {
        %mul3A_272 = arith.constant 200 : i32
        %mul3A_273 = arith.muli %sub3A_219, %mul3A_272 : i32
        %dma_wait3A_274 = arith.constant 1 : i32
        %dma_wait3A_275 = arith.constant 0 : i32
        %dma_wait3A_276 = arith.constant 0 : i32
        %dma_wait3A_277 = tpu.memref_slice %arg9[%dma_wait3A_274, %dma_wait3A_275, %dma_wait3A_276] : memref<5x200x64xf32, #tpu.memory_space<vmem>> -> memref<1x200x64xf32, #tpu.memory_space<vmem>>
        %dma_wait3A_278 = tpu.memref_squeeze %dma_wait3A_277 : memref<1x200x64xf32, #tpu.memory_space<vmem>> -> memref<200x64xf32, #tpu.memory_space<vmem>>
        %dma_wait3A_279 = tpu.memref_slice %arg8[%mul3A_273] : memref<10000xi32, #tpu.memory_space<vmem>> -> memref<200xi32, #tpu.memory_space<vmem>>
        %dma_wait3A_280 = arith.constant 0 : i32
        %dma_wait3A_281 = arith.constant 0 : i32
        %dma_wait3A_282 = tpu.memref_slice %arg10[%dma_wait3A_280, %dma_wait3A_281] : memref<10000x64xf32, #tpu.memory_space<vmem_shared>> -> memref<10000x64xf32, #tpu.memory_space<vmem_shared>>
        tpu.wait_indirect_dma semaphore(%arg17 : memref<!tpu.dma_semaphore, #tpu.memory_space<semaphore_mem>>) src(%dma_wait3A_278 : memref<200x64xf32, #tpu.memory_space<vmem>>) dst(%dma_wait3A_282 : memref<10000x64xf32, #tpu.memory_space<vmem_shared>>)
      } else {
      }
      %lt3A_227 = arith.constant 50 : i32
      %lt3A_228 = arith.cmpi slt, %add3A_221, %lt3A_227 : i32
      %convert_element_type3A_229 = arith.extui %lt3A_228 : i1 to i32
      %cond3A_230 = arith.constant 0 : i32
      %cond3A_231 = arith.cmpi ne, %convert_element_type3A_229, %cond3A_230 : i32
      scf.if %cond3A_231 {
        %mul3A_272 = arith.constant 200 : i32
        %mul3A_273 = arith.muli %add3A_221, %mul3A_272 : i32
        %dma_start3A_274 = arith.constant 1 : i32
        %dma_start3A_275 = arith.constant 0 : i32
        %dma_start3A_276 = arith.constant 0 : i32
        %dma_start3A_277 = tpu.memref_slice %arg9[%dma_start3A_274, %dma_start3A_275, %dma_start3A_276] : memref<5x200x64xf32, #tpu.memory_space<vmem>> -> memref<1x200x64xf32, #tpu.memory_space<vmem>>
        %dma_start3A_278 = tpu.memref_squeeze %dma_start3A_277 : memref<1x200x64xf32, #tpu.memory_space<vmem>> -> memref<200x64xf32, #tpu.memory_space<vmem>>
        %dma_start3A_279 = tpu.memref_slice %arg7[%mul3A_273] : memref<10000xi32, #tpu.memory_space<vmem>> -> memref<200xi32, #tpu.memory_space<vmem>>
        %dma_start3A_280 = arith.constant 0 : i32
        %dma_start3A_281 = arith.constant 0 : i32
        %dma_start3A_282 = tpu.memref_slice %arg2[%dma_start3A_280, %dma_start3A_281] : memref<10000x64xf32, #tpu.memory_space<hbm>> -> memref<10000x64xf32, #tpu.memory_space<hbm>>
        tpu.enqueue_indirect_dma source(%dma_start3A_282 : memref<10000x64xf32, #tpu.memory_space<hbm>>) target(%dma_start3A_278 : memref<200x64xf32, #tpu.memory_space<vmem>>) offsets(%dma_start3A_279 : memref<200xi32, #tpu.memory_space<vmem>>) semaphore(%arg12 : memref<!tpu.dma_semaphore, #tpu.memory_space<semaphore_mem>>)
      } else {
      }
      %mul3A_232 = arith.constant 5 : i32
      %mul3A_233 = arith.muli %scan3A_74, %mul3A_232 : i32
      %add3A_234 = arith.constant 4 : i32
      %add3A_235 = arith.addi %mul3A_233, %add3A_234 : i32
      %mul3A_236 = arith.constant 200 : i32
      %mul3A_237 = arith.muli %add3A_235, %mul3A_236 : i32
      %dma_wait3A_238 = arith.constant 4 : i32
      %dma_wait3A_239 = arith.constant 0 : i32
      %dma_wait3A_240 = arith.constant 0 : i32
      %dma_wait3A_241 = tpu.memref_slice %arg9[%dma_wait3A_238, %dma_wait3A_239, %dma_wait3A_240] : memref<5x200x64xf32, #tpu.memory_space<vmem>> -> memref<1x200x64xf32, #tpu.memory_space<vmem>>
      %dma_wait3A_242 = tpu.memref_squeeze %dma_wait3A_241 : memref<1x200x64xf32, #tpu.memory_space<vmem>> -> memref<200x64xf32, #tpu.memory_space<vmem>>
      %dma_wait3A_243 = tpu.memref_slice %arg7[%mul3A_237] : memref<10000xi32, #tpu.memory_space<vmem>> -> memref<200xi32, #tpu.memory_space<vmem>>
      %dma_wait3A_244 = arith.constant 0 : i32
      %dma_wait3A_245 = arith.constant 0 : i32
      %dma_wait3A_246 = tpu.memref_slice %arg2[%dma_wait3A_244, %dma_wait3A_245] : memref<10000x64xf32, #tpu.memory_space<hbm>> -> memref<10000x64xf32, #tpu.memory_space<hbm>>
      tpu.wait_indirect_dma semaphore(%arg15 : memref<!tpu.dma_semaphore, #tpu.memory_space<semaphore_mem>>) src(%dma_wait3A_246 : memref<10000x64xf32, #tpu.memory_space<hbm>>) dst(%dma_wait3A_242 : memref<200x64xf32, #tpu.memory_space<vmem>>)
      %mul3A_247 = arith.constant 200 : i32
      %mul3A_248 = arith.muli %add3A_235, %mul3A_247 : i32
      %dma_start3A_249 = arith.constant 4 : i32
      %dma_start3A_250 = arith.constant 0 : i32
      %dma_start3A_251 = arith.constant 0 : i32
      %dma_start3A_252 = tpu.memref_slice %arg9[%dma_start3A_249, %dma_start3A_250, %dma_start3A_251] : memref<5x200x64xf32, #tpu.memory_space<vmem>> -> memref<1x200x64xf32, #tpu.memory_space<vmem>>
      %dma_start3A_253 = tpu.memref_squeeze %dma_start3A_252 : memref<1x200x64xf32, #tpu.memory_space<vmem>> -> memref<200x64xf32, #tpu.memory_space<vmem>>
      %dma_start3A_254 = tpu.memref_slice %arg8[%mul3A_248] : memref<10000xi32, #tpu.memory_space<vmem>> -> memref<200xi32, #tpu.memory_space<vmem>>
      %dma_start3A_255 = arith.constant 0 : i32
      %dma_start3A_256 = arith.constant 0 : i32
      %dma_start3A_257 = tpu.memref_slice %arg10[%dma_start3A_255, %dma_start3A_256] : memref<10000x64xf32, #tpu.memory_space<vmem_shared>> -> memref<10000x64xf32, #tpu.memory_space<vmem_shared>>
      tpu.enqueue_indirect_dma source(%dma_start3A_253 : memref<200x64xf32, #tpu.memory_space<vmem>>) target(%dma_start3A_257 : memref<10000x64xf32, #tpu.memory_space<vmem_shared>>) offsets(%dma_start3A_254 : memref<200xi32, #tpu.memory_space<vmem>>) semaphore(%arg20 : memref<!tpu.dma_semaphore, #tpu.memory_space<semaphore_mem>>) {add = true}
      %sub3A_258 = arith.constant 2 : i32
      %sub3A_259 = arith.subi %add3A_235, %sub3A_258 : i32
      %add3A_260 = arith.constant 3 : i32
      %add3A_261 = arith.addi %add3A_235, %add3A_260 : i32
      %ge3A_262 = arith.constant 0 : i32
      %ge3A_263 = arith.cmpi sge, %sub3A_259, %ge3A_262 : i32
      %convert_element_type3A_264 = arith.extui %ge3A_263 : i1 to i32
      %cond3A_265 = arith.constant 0 : i32
      %cond3A_266 = arith.cmpi ne, %convert_element_type3A_264, %cond3A_265 : i32
      scf.if %cond3A_266 {
        %mul3A_272 = arith.constant 200 : i32
        %mul3A_273 = arith.muli %sub3A_259, %mul3A_272 : i32
        %dma_wait3A_274 = arith.constant 2 : i32
        %dma_wait3A_275 = arith.constant 0 : i32
        %dma_wait3A_276 = arith.constant 0 : i32
        %dma_wait3A_277 = tpu.memref_slice %arg9[%dma_wait3A_274, %dma_wait3A_275, %dma_wait3A_276] : memref<5x200x64xf32, #tpu.memory_space<vmem>> -> memref<1x200x64xf32, #tpu.memory_space<vmem>>
        %dma_wait3A_278 = tpu.memref_squeeze %dma_wait3A_277 : memref<1x200x64xf32, #tpu.memory_space<vmem>> -> memref<200x64xf32, #tpu.memory_space<vmem>>
        %dma_wait3A_279 = tpu.memref_slice %arg8[%mul3A_273] : memref<10000xi32, #tpu.memory_space<vmem>> -> memref<200xi32, #tpu.memory_space<vmem>>
        %dma_wait3A_280 = arith.constant 0 : i32
        %dma_wait3A_281 = arith.constant 0 : i32
        %dma_wait3A_282 = tpu.memref_slice %arg10[%dma_wait3A_280, %dma_wait3A_281] : memref<10000x64xf32, #tpu.memory_space<vmem_shared>> -> memref<10000x64xf32, #tpu.memory_space<vmem_shared>>
        tpu.wait_indirect_dma semaphore(%arg18 : memref<!tpu.dma_semaphore, #tpu.memory_space<semaphore_mem>>) src(%dma_wait3A_278 : memref<200x64xf32, #tpu.memory_space<vmem>>) dst(%dma_wait3A_282 : memref<10000x64xf32, #tpu.memory_space<vmem_shared>>)
      } else {
      }
      %lt3A_267 = arith.constant 50 : i32
      %lt3A_268 = arith.cmpi slt, %add3A_261, %lt3A_267 : i32
      %convert_element_type3A_269 = arith.extui %lt3A_268 : i1 to i32
      %cond3A_270 = arith.constant 0 : i32
      %cond3A_271 = arith.cmpi ne, %convert_element_type3A_269, %cond3A_270 : i32
      scf.if %cond3A_271 {
        %mul3A_272 = arith.constant 200 : i32
        %mul3A_273 = arith.muli %add3A_261, %mul3A_272 : i32
        %dma_start3A_274 = arith.constant 2 : i32
        %dma_start3A_275 = arith.constant 0 : i32
        %dma_start3A_276 = arith.constant 0 : i32
        %dma_start3A_277 = tpu.memref_slice %arg9[%dma_start3A_274, %dma_start3A_275, %dma_start3A_276] : memref<5x200x64xf32, #tpu.memory_space<vmem>> -> memref<1x200x64xf32, #tpu.memory_space<vmem>>
        %dma_start3A_278 = tpu.memref_squeeze %dma_start3A_277 : memref<1x200x64xf32, #tpu.memory_space<vmem>> -> memref<200x64xf32, #tpu.memory_space<vmem>>
        %dma_start3A_279 = tpu.memref_slice %arg7[%mul3A_273] : memref<10000xi32, #tpu.memory_space<vmem>> -> memref<200xi32, #tpu.memory_space<vmem>>
        %dma_start3A_280 = arith.constant 0 : i32
        %dma_start3A_281 = arith.constant 0 : i32
        %dma_start3A_282 = tpu.memref_slice %arg2[%dma_start3A_280, %dma_start3A_281] : memref<10000x64xf32, #tpu.memory_space<hbm>> -> memref<10000x64xf32, #tpu.memory_space<hbm>>
        tpu.enqueue_indirect_dma source(%dma_start3A_282 : memref<10000x64xf32, #tpu.memory_space<hbm>>) target(%dma_start3A_278 : memref<200x64xf32, #tpu.memory_space<vmem>>) offsets(%dma_start3A_279 : memref<200xi32, #tpu.memory_space<vmem>>) semaphore(%arg13 : memref<!tpu.dma_semaphore, #tpu.memory_space<semaphore_mem>>)
      } else {
      }
    }
    %scan3A_44 = arith.constant 10 : i32
    %dma_wait3A = arith.constant 3 : i32
    %dma_wait3A_45 = arith.constant 0 : i32
    %dma_wait3A_46 = arith.constant 0 : i32
    %dma_wait3A_47 = tpu.memref_slice %arg9[%dma_wait3A, %dma_wait3A_45, %dma_wait3A_46] : memref<5x200x64xf32, #tpu.memory_space<vmem>> -> memref<1x200x64xf32, #tpu.memory_space<vmem>>
    %dma_wait3A_48 = tpu.memref_squeeze %dma_wait3A_47 : memref<1x200x64xf32, #tpu.memory_space<vmem>> -> memref<200x64xf32, #tpu.memory_space<vmem>>
    %dma_wait3A_49 = arith.constant 9600 : i32
    %dma_wait3A_50 = tpu.memref_slice %arg8[%dma_wait3A_49] : memref<10000xi32, #tpu.memory_space<vmem>> -> memref<200xi32, #tpu.memory_space<vmem>>
    %dma_wait3A_51 = arith.constant 0 : i32
    %dma_wait3A_52 = arith.constant 0 : i32
    %dma_wait3A_53 = tpu.memref_slice %arg10[%dma_wait3A_51, %dma_wait3A_52] : memref<10000x64xf32, #tpu.memory_space<vmem_shared>> -> memref<10000x64xf32, #tpu.memory_space<vmem_shared>>
    tpu.wait_indirect_dma semaphore(%arg19 : memref<!tpu.dma_semaphore, #tpu.memory_space<semaphore_mem>>) src(%dma_wait3A_48 : memref<200x64xf32, #tpu.memory_space<vmem>>) dst(%dma_wait3A_53 : memref<10000x64xf32, #tpu.memory_space<vmem_shared>>)
    %dma_wait3A_54 = arith.constant 4 : i32
    %dma_wait3A_55 = arith.constant 0 : i32
    %dma_wait3A_56 = arith.constant 0 : i32
    %dma_wait3A_57 = tpu.memref_slice %arg9[%dma_wait3A_54, %dma_wait3A_55, %dma_wait3A_56] : memref<5x200x64xf32, #tpu.memory_space<vmem>> -> memref<1x200x64xf32, #tpu.memory_space<vmem>>
    %dma_wait3A_58 = tpu.memref_squeeze %dma_wait3A_57 : memref<1x200x64xf32, #tpu.memory_space<vmem>> -> memref<200x64xf32, #tpu.memory_space<vmem>>
    %dma_wait3A_59 = arith.constant 9800 : i32
    %dma_wait3A_60 = tpu.memref_slice %arg8[%dma_wait3A_59] : memref<10000xi32, #tpu.memory_space<vmem>> -> memref<200xi32, #tpu.memory_space<vmem>>
    %dma_wait3A_61 = arith.constant 0 : i32
    %dma_wait3A_62 = arith.constant 0 : i32
    %dma_wait3A_63 = tpu.memref_slice %arg10[%dma_wait3A_61, %dma_wait3A_62] : memref<10000x64xf32, #tpu.memory_space<vmem_shared>> -> memref<10000x64xf32, #tpu.memory_space<vmem_shared>>
    tpu.wait_indirect_dma semaphore(%arg20 : memref<!tpu.dma_semaphore, #tpu.memory_space<semaphore_mem>>) src(%dma_wait3A_58 : memref<200x64xf32, #tpu.memory_space<vmem>>) dst(%dma_wait3A_63 : memref<10000x64xf32, #tpu.memory_space<vmem_shared>>)
    %barrier3A_64 = arith.constant 0 : index
    tpu.barrier barrier_id(%barrier3A_64)
    %mul3A_65 = arith.constant 624 : i32
    %mul3A_66 = arith.muli %arg1, %mul3A_65 : i32
    %mul3A_67 = arith.constant 624 : i32
    %mul3A_68 = arith.muli %arg1, %mul3A_67 : i32
    "tpu.region"() ({
      %run_scoped3A = tpu.sem_alloc : memref<!tpu.dma_semaphore, #tpu.memory_space<semaphore_mem>>
      %dma_start3A_74 = arith.constant 0 : i32
      %dma_start3A_75 = tpu.memref_slice %arg6[%arg0, %mul3A_68, %dma_start3A_74] : memref<2x10000x64xf32, #tpu.memory_space<hbm>> -> memref<1x624x64xf32, #tpu.memory_space<hbm>>
      %dma_start3A_76 = tpu.memref_squeeze %dma_start3A_75 : memref<1x624x64xf32, #tpu.memory_space<hbm>> -> memref<624x64xf32, #tpu.memory_space<hbm>>
      %dma_start3A_77 = arith.constant 0 : i32
      %dma_start3A_78 = tpu.memref_slice %arg10[%mul3A_66, %dma_start3A_77] : memref<10000x64xf32, #tpu.memory_space<vmem_shared>> -> memref<624x64xf32, #tpu.memory_space<vmem_shared>>
      tpu.enqueue_dma source(%dma_start3A_78 : memref<624x64xf32, #tpu.memory_space<vmem_shared>>) target(%dma_start3A_76 : memref<624x64xf32, #tpu.memory_space<hbm>>) target_semaphore(%run_scoped3A : memref<!tpu.dma_semaphore, #tpu.memory_space<semaphore_mem>>)
      %dma_wait3A_79 = arith.constant 0 : i32
      %dma_wait3A_80 = tpu.memref_slice %arg6[%arg0, %mul3A_68, %dma_wait3A_79] : memref<2x10000x64xf32, #tpu.memory_space<hbm>> -> memref<1x624x64xf32, #tpu.memory_space<hbm>>
      %dma_wait3A_81 = tpu.memref_squeeze %dma_wait3A_80 : memref<1x624x64xf32, #tpu.memory_space<hbm>> -> memref<624x64xf32, #tpu.memory_space<hbm>>
      %dma_wait3A_82 = arith.constant 0 : i32
      %dma_wait3A_83 = tpu.memref_slice %arg10[%mul3A_66, %dma_wait3A_82] : memref<10000x64xf32, #tpu.memory_space<vmem_shared>> -> memref<624x64xf32, #tpu.memory_space<vmem_shared>>
      tpu.wait_dma2 semaphore(%run_scoped3A : memref<!tpu.dma_semaphore, #tpu.memory_space<semaphore_mem>>) src(%dma_wait3A_83 : memref<624x64xf32, #tpu.memory_space<vmem_shared>>) dst(%dma_wait3A_81 : memref<624x64xf32, #tpu.memory_space<hbm>>)
      tpu.yield
    }) : () -> ()
    %eq3A_69 = arith.constant 15 : i32
    %eq3A_70 = arith.cmpi eq, %arg1, %eq3A_69 : i32
    %convert_element_type3A_71 = arith.extui %eq3A_70 : i1 to i32
    %cond3A_72 = arith.constant 0 : i32
    %cond3A_73 = arith.cmpi ne, %convert_element_type3A_71, %cond3A_72 : i32
    scf.if %cond3A_73 {
      "tpu.region"() ({
        %run_scoped3A = tpu.sem_alloc : memref<!tpu.dma_semaphore, #tpu.memory_space<semaphore_mem>>
        %dma_start3A_74 = arith.constant 9984 : i32
        %dma_start3A_75 = arith.constant 0 : i32
        %dma_start3A_76 = tpu.memref_slice %arg6[%arg0, %dma_start3A_74, %dma_start3A_75] : memref<2x10000x64xf32, #tpu.memory_space<hbm>> -> memref<1x16x64xf32, #tpu.memory_space<hbm>>
        %dma_start3A_77 = tpu.memref_squeeze %dma_start3A_76 : memref<1x16x64xf32, #tpu.memory_space<hbm>> -> memref<16x64xf32, #tpu.memory_space<hbm>>
        %dma_start3A_78 = arith.constant 9984 : i32
        %dma_start3A_79 = arith.constant 0 : i32
        %dma_start3A_80 = tpu.memref_slice %arg10[%dma_start3A_78, %dma_start3A_79] : memref<10000x64xf32, #tpu.memory_space<vmem_shared>> -> memref<16x64xf32, #tpu.memory_space<vmem_shared>>
        tpu.enqueue_dma source(%dma_start3A_80 : memref<16x64xf32, #tpu.memory_space<vmem_shared>>) target(%dma_start3A_77 : memref<16x64xf32, #tpu.memory_space<hbm>>) target_semaphore(%run_scoped3A : memref<!tpu.dma_semaphore, #tpu.memory_space<semaphore_mem>>)
        %dma_wait3A_81 = arith.constant 9984 : i32
        %dma_wait3A_82 = arith.constant 0 : i32
        %dma_wait3A_83 = tpu.memref_slice %arg6[%arg0, %dma_wait3A_81, %dma_wait3A_82] : memref<2x10000x64xf32, #tpu.memory_space<hbm>> -> memref<1x16x64xf32, #tpu.memory_space<hbm>>
        %dma_wait3A_84 = tpu.memref_squeeze %dma_wait3A_83 : memref<1x16x64xf32, #tpu.memory_space<hbm>> -> memref<16x64xf32, #tpu.memory_space<hbm>>
        %dma_wait3A_85 = arith.constant 9984 : i32
        %dma_wait3A_86 = arith.constant 0 : i32
        %dma_wait3A_87 = tpu.memref_slice %arg10[%dma_wait3A_85, %dma_wait3A_86] : memref<10000x64xf32, #tpu.memory_space<vmem_shared>> -> memref<16x64xf32, #tpu.memory_space<vmem_shared>>
        tpu.wait_dma2 semaphore(%run_scoped3A : memref<!tpu.dma_semaphore, #tpu.memory_space<semaphore_mem>>) src(%dma_wait3A_87 : memref<16x64xf32, #tpu.memory_space<vmem_shared>>) dst(%dma_wait3A_84 : memref<16x64xf32, #tpu.memory_space<hbm>>)
        tpu.yield
      }) : () -> ()
    } else {
    }
    return
  }
}

module attributes {stable_mosaic.version = 14 : i64} {
  func.func @_layer0_body(%arg0: memref<10000x128xf32, #tpu.memory_space<vmem>>, %arg1: memref<2x10000x64xf32, #tpu.memory_space<vmem>>, %arg2: memref<1x1xf32, #tpu.memory_space<vmem>>, %arg3: memref<128x64xf32, #tpu.memory_space<vmem>>, %arg4: memref<1x64xf32, #tpu.memory_space<vmem>>, %arg5: memref<64x64xf32, #tpu.memory_space<vmem>>, %arg6: memref<1x64xf32, #tpu.memory_space<vmem>>, %arg7: memref<10000x64xf32, #tpu.memory_space<vmem>>) attributes {dimension_semantics = [], scalar_prefetch = 0 : i64, scratch_operands = 0 : i64, tpu.core_type = #tpu.core_type<tc>} {
    %get3A = arith.constant 0 : index
    %get3A_0 = arith.constant 0 : index
    %get3A_1 = arith.constant 0 : index
    %get3A_2 = vector.load %arg1[%get3A, %get3A_0, %get3A_1] : memref<2x10000x64xf32, #tpu.memory_space<vmem>>, vector<1x10000x64xf32>
    %get3A_3 = vector.shape_cast %get3A_2 : vector<1x10000x64xf32> to vector<10000x64xf32>
    %get3A_4 = arith.constant 1 : index
    %get3A_5 = arith.constant 0 : index
    %get3A_6 = arith.constant 0 : index
    %get3A_7 = vector.load %arg1[%get3A_4, %get3A_5, %get3A_6] : memref<2x10000x64xf32, #tpu.memory_space<vmem>>, vector<1x10000x64xf32>
    %get3A_8 = vector.shape_cast %get3A_7 : vector<1x10000x64xf32> to vector<10000x64xf32>
    %concatenate3A = tpu.concatenate %get3A_3, %get3A_8 in 1 : vector<10000x64xf32>, vector<10000x64xf32> -> vector<10000x128xf32>
    %get3A_9 = arith.constant 0 : index
    %get3A_10 = arith.constant 0 : index
    %get3A_11 = vector.load %arg2[%get3A_9, %get3A_10] : memref<1x1xf32, #tpu.memory_space<vmem>>, vector<1x1xf32>
    %get3A_12 = vector.extract %get3A_11[0, 0] : f32 from vector<1x1xf32>
    %get3A_13 = arith.constant 0 : index
    %get3A_14 = arith.constant 0 : index
    %get3A_15 = vector.load %arg0[%get3A_13, %get3A_14] : memref<10000x128xf32, #tpu.memory_space<vmem>>, vector<10000x128xf32>
    %mul3A = vector.broadcast %get3A_12 : f32 to vector<10000x128xf32>
    %mul3A_16 = arith.mulf %mul3A, %get3A_15 : vector<10000x128xf32>
    %add3A = arith.addf %mul3A_16, %concatenate3A : vector<10000x128xf32>
    %get3A_17 = arith.constant 0 : index
    %get3A_18 = arith.constant 0 : index
    %get3A_19 = vector.load %arg3[%get3A_17, %get3A_18] : memref<128x64xf32, #tpu.memory_space<vmem>>, vector<128x64xf32>
    %dot_general3A = arith.constant dense<0.000000e+00> : vector<10000x64xf32>
    %dot_general3A_20 = tpu.matmul %add3A, %get3A_19, %dot_general3A {dimension_numbers = #tpu.dot_dimension_numbers<[1], [0], [0], [1], [0, 0, 1, 1], [], []>, transpose_lhs_hint = false} : vector<10000x128xf32>, vector<128x64xf32>, vector<10000x64xf32> -> vector<10000x64xf32>
    %get3A_21 = arith.constant 0 : index
    %get3A_22 = arith.constant 0 : index
    %get3A_23 = vector.load %arg4[%get3A_21, %get3A_22] : memref<1x64xf32, #tpu.memory_space<vmem>>, vector<1x64xf32>
    %add3A_24 = vector.broadcast %get3A_23 : vector<1x64xf32> to vector<10000x64xf32>
    %add3A_25 = arith.addf %dot_general3A_20, %add3A_24 : vector<10000x64xf32>
    %max3A = arith.constant 0.000000e+00 : f32
    %max3A_26 = vector.broadcast %max3A : f32 to vector<10000x64xf32>
    %max3A_27 = arith.maximumf %add3A_25, %max3A_26 : vector<10000x64xf32>
    %get3A_28 = arith.constant 0 : index
    %get3A_29 = arith.constant 0 : index
    %get3A_30 = vector.load %arg5[%get3A_28, %get3A_29] : memref<64x64xf32, #tpu.memory_space<vmem>>, vector<64x64xf32>
    %dot_general3A_31 = arith.constant dense<0.000000e+00> : vector<10000x64xf32>
    %dot_general3A_32 = tpu.matmul %max3A_27, %get3A_30, %dot_general3A_31 {dimension_numbers = #tpu.dot_dimension_numbers<[1], [0], [0], [1], [0, 0, 1, 1], [], []>, transpose_lhs_hint = false} : vector<10000x64xf32>, vector<64x64xf32>, vector<10000x64xf32> -> vector<10000x64xf32>
    %get3A_33 = arith.constant 0 : index
    %get3A_34 = arith.constant 0 : index
    %get3A_35 = vector.load %arg6[%get3A_33, %get3A_34] : memref<1x64xf32, #tpu.memory_space<vmem>>, vector<1x64xf32>
    %add3A_36 = vector.broadcast %get3A_35 : vector<1x64xf32> to vector<10000x64xf32>
    %add3A_37 = arith.addf %dot_general3A_32, %add3A_36 : vector<10000x64xf32>
    %max3A_38 = arith.constant 0.000000e+00 : f32
    %max3A_39 = vector.broadcast %max3A_38 : f32 to vector<10000x64xf32>
    %max3A_40 = arith.maximumf %add3A_37, %max3A_39 : vector<10000x64xf32>
    %swap3A = arith.constant 0 : index
    %swap3A_41 = arith.constant 0 : index
    %swap3A_42 = vector.load %arg7[%swap3A, %swap3A_41] : memref<10000x64xf32, #tpu.memory_space<vmem>>, vector<10000x64xf32>
    tpu.vector_store %arg7[%swap3A, %swap3A_41], %max3A_40 {strides = array<i32>} : memref<10000x64xf32, #tpu.memory_space<vmem>>, vector<10000x64xf32>,
    return
  }
}

module attributes {stable_mosaic.version = 14 : i64} {
  func.func @_layer_body(%arg0: memref<10000x64xf32, #tpu.memory_space<vmem>>, %arg1: memref<10000x64xf32, #tpu.memory_space<vmem>>, %arg2: memref<10000x64xf32, #tpu.memory_space<vmem>>, %arg3: memref<1x1xf32, #tpu.memory_space<vmem>>, %arg4: memref<64x64xf32, #tpu.memory_space<vmem>>, %arg5: memref<1x64xf32, #tpu.memory_space<vmem>>, %arg6: memref<64x64xf32, #tpu.memory_space<vmem>>, %arg7: memref<1x64xf32, #tpu.memory_space<vmem>>, %arg8: memref<10000x64xf32, #tpu.memory_space<vmem>>) attributes {dimension_semantics = [], scalar_prefetch = 0 : i64, scratch_operands = 0 : i64, tpu.core_type = #tpu.core_type<tc>} {
    %get3A = arith.constant 0 : index
    %get3A_0 = arith.constant 0 : index
    %get3A_1 = vector.load %arg3[%get3A, %get3A_0] : memref<1x1xf32, #tpu.memory_space<vmem>>, vector<1x1xf32>
    %get3A_2 = vector.extract %get3A_1[0, 0] : f32 from vector<1x1xf32>
    %get3A_3 = arith.constant 0 : index
    %get3A_4 = arith.constant 0 : index
    %get3A_5 = vector.load %arg0[%get3A_3, %get3A_4] : memref<10000x64xf32, #tpu.memory_space<vmem>>, vector<10000x64xf32>
    %mul3A = vector.broadcast %get3A_2 : f32 to vector<10000x64xf32>
    %mul3A_6 = arith.mulf %mul3A, %get3A_5 : vector<10000x64xf32>
    %get3A_7 = arith.constant 0 : index
    %get3A_8 = arith.constant 0 : index
    %get3A_9 = vector.load %arg1[%get3A_7, %get3A_8] : memref<10000x64xf32, #tpu.memory_space<vmem>>, vector<10000x64xf32>
    %get3A_10 = arith.constant 0 : index
    %get3A_11 = arith.constant 0 : index
    %get3A_12 = vector.load %arg2[%get3A_10, %get3A_11] : memref<10000x64xf32, #tpu.memory_space<vmem>>, vector<10000x64xf32>
    %add3A = arith.addf %get3A_9, %get3A_12 : vector<10000x64xf32>
    %add3A_13 = arith.addf %mul3A_6, %add3A : vector<10000x64xf32>
    %get3A_14 = arith.constant 0 : index
    %get3A_15 = arith.constant 0 : index
    %get3A_16 = vector.load %arg4[%get3A_14, %get3A_15] : memref<64x64xf32, #tpu.memory_space<vmem>>, vector<64x64xf32>
    %dot_general3A = arith.constant dense<0.000000e+00> : vector<10000x64xf32>
    %dot_general3A_17 = tpu.matmul %add3A_13, %get3A_16, %dot_general3A {dimension_numbers = #tpu.dot_dimension_numbers<[1], [0], [0], [1], [0, 0, 1, 1], [], []>, transpose_lhs_hint = false} : vector<10000x64xf32>, vector<64x64xf32>, vector<10000x64xf32> -> vector<10000x64xf32>
    %get3A_18 = arith.constant 0 : index
    %get3A_19 = arith.constant 0 : index
    %get3A_20 = vector.load %arg5[%get3A_18, %get3A_19] : memref<1x64xf32, #tpu.memory_space<vmem>>, vector<1x64xf32>
    %add3A_21 = vector.broadcast %get3A_20 : vector<1x64xf32> to vector<10000x64xf32>
    %add3A_22 = arith.addf %dot_general3A_17, %add3A_21 : vector<10000x64xf32>
    %max3A = arith.constant 0.000000e+00 : f32
    %max3A_23 = vector.broadcast %max3A : f32 to vector<10000x64xf32>
    %max3A_24 = arith.maximumf %add3A_22, %max3A_23 : vector<10000x64xf32>
    %get3A_25 = arith.constant 0 : index
    %get3A_26 = arith.constant 0 : index
    %get3A_27 = vector.load %arg6[%get3A_25, %get3A_26] : memref<64x64xf32, #tpu.memory_space<vmem>>, vector<64x64xf32>
    %dot_general3A_28 = arith.constant dense<0.000000e+00> : vector<10000x64xf32>
    %dot_general3A_29 = tpu.matmul %max3A_24, %get3A_27, %dot_general3A_28 {dimension_numbers = #tpu.dot_dimension_numbers<[1], [0], [0], [1], [0, 0, 1, 1], [], []>, transpose_lhs_hint = false} : vector<10000x64xf32>, vector<64x64xf32>, vector<10000x64xf32> -> vector<10000x64xf32>
    %get3A_30 = arith.constant 0 : index
    %get3A_31 = arith.constant 0 : index
    %get3A_32 = vector.load %arg7[%get3A_30, %get3A_31] : memref<1x64xf32, #tpu.memory_space<vmem>>, vector<1x64xf32>
    %add3A_33 = vector.broadcast %get3A_32 : vector<1x64xf32> to vector<10000x64xf32>
    %add3A_34 = arith.addf %dot_general3A_29, %add3A_33 : vector<10000x64xf32>
    %max3A_35 = arith.constant 0.000000e+00 : f32
    %max3A_36 = vector.broadcast %max3A_35 : f32 to vector<10000x64xf32>
    %max3A_37 = arith.maximumf %add3A_34, %max3A_36 : vector<10000x64xf32>
    %swap3A = arith.constant 0 : index
    %swap3A_38 = arith.constant 0 : index
    %swap3A_39 = vector.load %arg8[%swap3A, %swap3A_38] : memref<10000x64xf32, #tpu.memory_space<vmem>>, vector<10000x64xf32>
    tpu.vector_store %arg8[%swap3A, %swap3A_38], %max3A_37 {strides = array<i32>} : memref<10000x64xf32, #tpu.memory_space<vmem>>, vector<10000x64xf32>,
    return
  }
}

module attributes {stable_mosaic.version = 14 : i64} {
  func.func @_tail_body(%arg0: memref<10000x64xf32, #tpu.memory_space<vmem>>, %arg1: memref<10000x64xf32, #tpu.memory_space<vmem>>, %arg2: memref<10000x64xf32, #tpu.memory_space<vmem>>, %arg3: memref<1x1xf32, #tpu.memory_space<vmem>>, %arg4: memref<64x64xf32, #tpu.memory_space<vmem>>, %arg5: memref<1x64xf32, #tpu.memory_space<vmem>>, %arg6: memref<64x64xf32, #tpu.memory_space<vmem>>, %arg7: memref<1x64xf32, #tpu.memory_space<vmem>>, %arg8: memref<64x32xf32, #tpu.memory_space<vmem>>, %arg9: memref<1x32xf32, #tpu.memory_space<vmem>>, %arg10: memref<32x128xf32, #tpu.memory_space<vmem>>, %arg11: memref<1x128xf32, #tpu.memory_space<vmem>>, %arg12: memref<10000x128xf32, #tpu.memory_space<vmem>>) attributes {dimension_semantics = [], scalar_prefetch = 0 : i64, scratch_operands = 0 : i64, tpu.core_type = #tpu.core_type<tc>} {
    %get3A = arith.constant 0 : index
    %get3A_0 = arith.constant 0 : index
    %get3A_1 = vector.load %arg3[%get3A, %get3A_0] : memref<1x1xf32, #tpu.memory_space<vmem>>, vector<1x1xf32>
    %get3A_2 = vector.extract %get3A_1[0, 0] : f32 from vector<1x1xf32>
    %get3A_3 = arith.constant 0 : index
    %get3A_4 = arith.constant 0 : index
    %get3A_5 = vector.load %arg0[%get3A_3, %get3A_4] : memref<10000x64xf32, #tpu.memory_space<vmem>>, vector<10000x64xf32>
    %mul3A = vector.broadcast %get3A_2 : f32 to vector<10000x64xf32>
    %mul3A_6 = arith.mulf %mul3A, %get3A_5 : vector<10000x64xf32>
    %get3A_7 = arith.constant 0 : index
    %get3A_8 = arith.constant 0 : index
    %get3A_9 = vector.load %arg1[%get3A_7, %get3A_8] : memref<10000x64xf32, #tpu.memory_space<vmem>>, vector<10000x64xf32>
    %get3A_10 = arith.constant 0 : index
    %get3A_11 = arith.constant 0 : index
    %get3A_12 = vector.load %arg2[%get3A_10, %get3A_11] : memref<10000x64xf32, #tpu.memory_space<vmem>>, vector<10000x64xf32>
    %add3A = arith.addf %get3A_9, %get3A_12 : vector<10000x64xf32>
    %add3A_13 = arith.addf %mul3A_6, %add3A : vector<10000x64xf32>
    %get3A_14 = arith.constant 0 : index
    %get3A_15 = arith.constant 0 : index
    %get3A_16 = vector.load %arg4[%get3A_14, %get3A_15] : memref<64x64xf32, #tpu.memory_space<vmem>>, vector<64x64xf32>
    %dot_general3A = arith.constant dense<0.000000e+00> : vector<10000x64xf32>
    %dot_general3A_17 = tpu.matmul %add3A_13, %get3A_16, %dot_general3A {dimension_numbers = #tpu.dot_dimension_numbers<[1], [0], [0], [1], [0, 0, 1, 1], [], []>, transpose_lhs_hint = false} : vector<10000x64xf32>, vector<64x64xf32>, vector<10000x64xf32> -> vector<10000x64xf32>
    %get3A_18 = arith.constant 0 : index
    %get3A_19 = arith.constant 0 : index
    %get3A_20 = vector.load %arg5[%get3A_18, %get3A_19] : memref<1x64xf32, #tpu.memory_space<vmem>>, vector<1x64xf32>
    %add3A_21 = vector.broadcast %get3A_20 : vector<1x64xf32> to vector<10000x64xf32>
    %add3A_22 = arith.addf %dot_general3A_17, %add3A_21 : vector<10000x64xf32>
    %max3A = arith.constant 0.000000e+00 : f32
    %max3A_23 = vector.broadcast %max3A : f32 to vector<10000x64xf32>
    %max3A_24 = arith.maximumf %add3A_22, %max3A_23 : vector<10000x64xf32>
    %get3A_25 = arith.constant 0 : index
    %get3A_26 = arith.constant 0 : index
    %get3A_27 = vector.load %arg6[%get3A_25, %get3A_26] : memref<64x64xf32, #tpu.memory_space<vmem>>, vector<64x64xf32>
    %dot_general3A_28 = arith.constant dense<0.000000e+00> : vector<10000x64xf32>
    %dot_general3A_29 = tpu.matmul %max3A_24, %get3A_27, %dot_general3A_28 {dimension_numbers = #tpu.dot_dimension_numbers<[1], [0], [0], [1], [0, 0, 1, 1], [], []>, transpose_lhs_hint = false} : vector<10000x64xf32>, vector<64x64xf32>, vector<10000x64xf32> -> vector<10000x64xf32>
    %get3A_30 = arith.constant 0 : index
    %get3A_31 = arith.constant 0 : index
    %get3A_32 = vector.load %arg7[%get3A_30, %get3A_31] : memref<1x64xf32, #tpu.memory_space<vmem>>, vector<1x64xf32>
    %add3A_33 = vector.broadcast %get3A_32 : vector<1x64xf32> to vector<10000x64xf32>
    %add3A_34 = arith.addf %dot_general3A_29, %add3A_33 : vector<10000x64xf32>
    %max3A_35 = arith.constant 0.000000e+00 : f32
    %max3A_36 = vector.broadcast %max3A_35 : f32 to vector<10000x64xf32>
    %max3A_37 = arith.maximumf %add3A_34, %max3A_36 : vector<10000x64xf32>
    %get3A_38 = arith.constant 0 : index
    %get3A_39 = arith.constant 0 : index
    %get3A_40 = vector.load %arg8[%get3A_38, %get3A_39] : memref<64x32xf32, #tpu.memory_space<vmem>>, vector<64x32xf32>
    %dot_general3A_41 = arith.constant dense<0.000000e+00> : vector<10000x32xf32>
    %dot_general3A_42 = tpu.matmul %max3A_37, %get3A_40, %dot_general3A_41 {dimension_numbers = #tpu.dot_dimension_numbers<[1], [0], [0], [1], [0, 0, 1, 1], [], []>, transpose_lhs_hint = false} : vector<10000x64xf32>, vector<64x32xf32>, vector<10000x32xf32> -> vector<10000x32xf32>
    %get3A_43 = arith.constant 0 : index
    %get3A_44 = arith.constant 0 : index
    %get3A_45 = vector.load %arg9[%get3A_43, %get3A_44] : memref<1x32xf32, #tpu.memory_space<vmem>>, vector<1x32xf32>
    %add3A_46 = vector.broadcast %get3A_45 : vector<1x32xf32> to vector<10000x32xf32>
    %add3A_47 = arith.addf %dot_general3A_42, %add3A_46 : vector<10000x32xf32>
    %max3A_48 = arith.constant 0.000000e+00 : f32
    %max3A_49 = vector.broadcast %max3A_48 : f32 to vector<10000x32xf32>
    %max3A_50 = arith.maximumf %add3A_47, %max3A_49 : vector<10000x32xf32>
    %get3A_51 = arith.constant 0 : index
    %get3A_52 = arith.constant 0 : index
    %get3A_53 = vector.load %arg10[%get3A_51, %get3A_52] : memref<32x128xf32, #tpu.memory_space<vmem>>, vector<32x128xf32>
    %dot_general3A_54 = arith.constant dense<0.000000e+00> : vector<10000x128xf32>
    %dot_general3A_55 = tpu.matmul %max3A_50, %get3A_53, %dot_general3A_54 {dimension_numbers = #tpu.dot_dimension_numbers<[1], [0], [0], [1], [0, 0, 1, 1], [], []>, transpose_lhs_hint = false} : vector<10000x32xf32>, vector<32x128xf32>, vector<10000x128xf32> -> vector<10000x128xf32>
    %get3A_56 = arith.constant 0 : index
    %get3A_57 = arith.constant 0 : index
    %get3A_58 = vector.load %arg11[%get3A_56, %get3A_57] : memref<1x128xf32, #tpu.memory_space<vmem>>, vector<1x128xf32>
    %add3A_59 = vector.broadcast %get3A_58 : vector<1x128xf32> to vector<10000x128xf32>
    %add3A_60 = arith.addf %dot_general3A_55, %add3A_59 : vector<10000x128xf32>
    %swap3A = arith.constant 0 : index
    %swap3A_61 = arith.constant 0 : index
    %swap3A_62 = vector.load %arg12[%swap3A, %swap3A_61] : memref<10000x128xf32, #tpu.memory_space<vmem>>, vector<10000x128xf32>
    tpu.vector_store %arg12[%swap3A, %swap3A_61], %add3A_60 {strides = array<i32>} : memref<10000x128xf32, #tpu.memory_space<vmem>>, vector<10000x128xf32>,
    return
  }
}

</mosaic_0001>

<sc_bundles>
// kernel: kernel.11.cloned.1.call-start
scs
__scs_entry_jumppad:
0x0: {  	(pc) =	sbr.rel $0x88, $3  }
0x1: {  	(tag) =	ssettag $0x0;
	lr =	simm.s32 $0x1  }
0x2: {  	[smem:$0x3F8E] =	sst lr;
	_ =	strace $0xD0000000  }
0x3: {  	_ = 	snop  }
0x4: {  	_ = 	snop  }
0x5: {  	_ = 	snop  }
0x6: {  	_ = 	snop  }
0x7: {  	_ = 	snop  }
__scs_overlays_trampoline_lowered:
0x8: {  	[smem:$0x3F9D] =	sst s0  }
0x9: {  	[smem:$0x3F9E] =	sst s1  }
0xa: {  	[smem:$0x3F9F] =	sst s2  }
0xb: {  	[smem:$0x3FA0] =	sst s3  }
0xc: {  	[smem:$0x3FA1] =	sst s4  }
0xd: {  	[smem:$0x3FA2] =	sst s5  }
0xe: {  	[smem:$0x3FA3] =	sst s6  }
0xf: {  	[smem:$0x3FA4] =	sst s7  }
0x10: {  	[smem:$0x3FA5] =	sst s8  }
0x11: {  	[smem:$0x3FA6] =	sst s9;
	s0 =	simm.s32 @!p0 $0x0  }
0x12: {  	s1 =	sld [smem:$0x3F8C];
	s0 =	simm.s32 @p0 $0x1  }
0x13: {  	[smem:$0x3FA7] =	sst s0;
	s0 =	simm.s32 @!p1 $0x0  }
0x14: {  	s2 =	sld [smem:$0x3F8B];
	s0 =	simm.s32 @p1 $0x1  }
0x15: {  	[smem:$0x3FA8] =	sst s0;
	s0 =	simm.s32 @!p2 $0x0  }
0x16: {  	s3 =	sld [smem:$0x3FDB];
	s0 =	simm.s32 @p2 $0x1  }
0x17: {  	s4 =	simm.s32 $0x1BF5;
	[smem:$0x3FAA] =	sst s0  }
0x18: {  	s0 =	sld [smem:$0x3F8D];
	_ =	swait.ge [sflag:s4], $0x0  }
0x19: {  	s7 =	sld [smem:$0x3F8E]  }
0x1a: {  	s8 =	sadd.s32 $0xFFFFE003, lr  }
0x1b: {  	s9 =	sadd.s32 $0xFFFFFEF7, lr;
	s5 =	simm.s32 $0xFFFFFFFF;
	p2 =	slt.u32 s8, $0xFFFFF086  }
0x1c: {  	p1 =	slt.u32 s9, $0xF7A;
	s5 =	simm.s32 @!p2 $0x0  }
0x1d: {  	s5 =	simm.s32 @p1 $0x1;
	p0 =	seq.s32 s7, s2  }
0x1e: {  	s7 =	smul.u32 @!p0 $0xF7A, s2;
	p2 =	seq.s32 @!p0 s5, $0x0  }
0x1f: {  	s9 =	smul.u32 $0xF7A, s1;
	s8 =	simm.s32 @!p0 $0x1BF5;
	p2 =	por !p2, p0  }
0x20: {  	[sflag:s8] =	ssyncset.s32 @!p0 $0xFFFFF086;
	s6 =	sadd.s32 @!p0 s3, s7;
	s7 =	simm.s32 @!p0 $0x108  }
0x21: {  	s3 =	sadd.s32 s3, s9;
	s6 =	sadd.s32 @!p0 $0x88, s6;
	s7 =	simm.s32 @p2 $0x1082  }
0x22: {  	[simem:s7], [sflag:s8] =	dma.local @!p0 [hbm:s6], $0xF7A  }
0x23: {  	s9 =	sor.u32 $0xD0000000, s2;
	s6 =	simm.s32 $0x108;
	_ =	swait.ge @!p0 [sflag:s8], $0x0  }
0x24: {  	s3 =	sadd.s32 $0x88, s3;
	s6 =	simm.s32 @!p1 $0x1082;
	[sflag:s4] =	ssyncset.s32 $0xFFFFF086  }
0x25: {  	[simem:s6], [sflag:s4] =	dma.local [hbm:s3], $0xF7A  }
0x26: {  	[smem:$0x3F8E] =	sst s1;
	(tag) =	ssettag s2;
	_ =	strace s9  }
0x27: {  	s1 =	sld [smem:$0x3F9E]  }
0x28: {  	s2 =	sld [smem:$0x3F9F]  }
0x29: {  	s4 =	sld [smem:$0x3FA1]  }
0x2a: {  	p0 =	seq.s32 s5, $0x0;
	s5 =	sld [smem:$0x3FA2]  }
0x2b: {  	s6 =	sld [smem:$0x3FA3]  }
0x2c: {  	s7 =	sld [smem:$0x3FA4]  }
0x2d: {  	s3 =	simm.s32 $0x108;
	s8 =	sld [smem:$0x3FA5]  }
0x2e: {  	s3 =	simm.s32 @!p0 $0x1082;
	s9 =	sld [smem:$0x3FA6]  }
0x2f: {  	lr =	sadd.s32 s0, s3;
	s0 =	sld [smem:$0x3F9D]  }
0x30: {  	s3 =	sld [smem:$0x3FA0]  }
0x31: {  	[smem:$0x3FA9] =	sst s10  }
0x32: {  	s10 =	sld [smem:$0x3FA7];
	_ =	sdelay $0x3  }
0x33: {  	p0 =	seq.s32 s10, $0x1;
	s10 =	sld [smem:$0x3FA9];
	_ =	sdelay $0x3  }
0x34: {  	[smem:$0x3FA9] =	sst s10  }
0x35: {  	s10 =	sld [smem:$0x3FA8];
	_ =	sdelay $0x3  }
0x36: {  	p1 =	seq.s32 s10, $0x1;
	s10 =	sld [smem:$0x3FA9];
	_ =	sdelay $0x3  }
0x37: {  	[smem:$0x3FA9] =	sst s10  }
0x38: {  	s10 =	sld [smem:$0x3FAA]  }
0x39: {  	_ = 	snop;
	(pc) =	sbr.ind lr, $3  }
0x3a: {  	_ = 	snop  }
0x3b: {  	_ = 	snop  }
0x3c: {  	p2 =	seq.s32 s10, $0x1;
	s10 =	sld [smem:$0x3FA9]  }
0x3d: {  	_ =	shalt  }
0x3e: {  	_ =	shalt  }
0x3f: {  	_ =	shalt  }
0x40: {  	_ =	shalt  }
0x41: {  	_ =	shalt  }
0x42: {  	_ =	shalt  }
0x43: {  	_ =	shalt  }
0x44: {  	_ =	shalt  }
0x45: {  	_ =	shalt  }
0x46: {  	_ =	shalt  }
0x47: {  	_ =	shalt  }
0x48: {  	_ =	shalt  }
0x49: {  	_ =	shalt  }
0x4a: {  	_ =	shalt  }
0x4b: {  	_ =	shalt  }
0x4c: {  	_ =	shalt  }
0x4d: {  	_ =	shalt  }
0x4e: {  	_ =	shalt  }
0x4f: {  	_ =	shalt  }
0x50: {  	_ =	shalt  }
0x51: {  	_ =	shalt  }
0x52: {  	_ =	shalt  }
0x53: {  	_ =	shalt  }
0x54: {  	_ =	shalt  }
0x55: {  	_ =	shalt  }
0x56: {  	_ =	shalt  }
0x57: {  	_ =	shalt  }
0x58: {  	_ =	shalt  }
0x59: {  	_ =	shalt  }
0x5a: {  	_ =	shalt  }
0x5b: {  	_ =	shalt  }
0x5c: {  	_ =	shalt  }
0x5d: {  	_ =	shalt  }
0x5e: {  	_ =	shalt  }
0x5f: {  	_ =	shalt  }
0x60: {  	_ =	shalt  }
0x61: {  	_ =	shalt  }
0x62: {  	_ =	shalt  }
0x63: {  	_ =	shalt  }
0x64: {  	_ =	shalt  }
0x65: {  	_ =	shalt  }
0x66: {  	_ =	shalt  }
0x67: {  	_ =	shalt  }
0x68: {  	_ =	shalt  }
0x69: {  	_ =	shalt  }
0x6a: {  	_ =	shalt  }
0x6b: {  	_ =	shalt  }
0x6c: {  	_ =	shalt  }
0x6d: {  	_ =	shalt  }
0x6e: {  	_ =	shalt  }
0x6f: {  	_ =	shalt  }
0x70: {  	_ =	shalt  }
0x71: {  	_ =	shalt  }
0x72: {  	_ =	shalt  }
0x73: {  	_ =	shalt  }
0x74: {  	_ =	shalt  }
0x75: {  	_ =	shalt  }
0x76: {  	_ =	shalt  }
0x77: {  	_ =	shalt  }
0x78: {  	_ =	shalt  }
0x79: {  	_ =	shalt  }
0x7a: {  	_ =	shalt  }
0x7b: {  	_ =	shalt  }
0x7c: {  	_ =	shalt  }
0x7d: {  	_ =	shalt  }
0x7e: {  	_ =	shalt  }
0x7f: {  	_ =	shalt  }
0x80: {  	_ =	shalt  }
0x81: {  	_ =	shalt  }
0x82: {  	_ =	shalt  }
0x83: {  	_ =	shalt  }
0x84: {  	_ =	shalt  }
0x85: {  	_ =	shalt  }
0x86: {  	_ =	shalt  }
0x87: {  	_ =	shalt  }
.Lfunc_end0:
.L_simem_size_0:
called_computation.1_lowered:
.L_overlay_start_0:
0x88: {  	s2 =	sld [smem:$0x3FD9]  }
0x89: {  	s3 =	sld [smem:$0x3FFE];
	_ =	sdelay $0x1  }
0x8a: {  	s1 =	srdreg.scid  }
0x8b: {  	s0 =	sand.u32 $0x1, s1  }
0x8c: {  	s16 =	sshll.u32 s0, $0xA;
	s2 =	sadd.s32 s3, s2  }
0x8d: {  	s2 =	sadd.s32 s2, s16  }
0x8e: {  	[smem:$0x3FB5] =	sst s2  }
0x8f: {  	_ = 	snop  }
0x90: {  	(tm) =	ssettm $0x1  }
0x91: {  	s17 =	sld [smem:$0x3FFB];
	_ =	sdelay $0x3  }
0x92: {  	_ =	strace s17  }
0x93: {  	s2 =	sld [smem:$0x3FFC];
	_ =	sdelay $0x3  }
0x94: {  	_ =	strace s2  }
0x95: {  	s2 =	sld [smem:$0x3FFD];
	_ =	sdelay $0x3  }
0x96: {  	_ =	strace s2  }
0x97: {  	_ =	strace $0x8FFFFFFF  }
0x98: {  	s18 =	sld [smem:$0x3FDB];
	_ =	sdelay $0x1  }
0x99: {  	s19 =	simm.s32 $_scs_section_size  }
0x9a: {  	s4 =	simm.s32 $_size__tile_overlayer_lowered;
	s5 =	simm.s32 $_tile_overlayer_lowered  }
0x9b: {  	s22 =	simm.s32 $0x1BFF;
	s21 =	sshll.u32 s5, $0x1;
	s2 =	sadd.s32 s19, s18  }
0x9c: {  	s6 =	simm.s32 $0x0;
	s20 =	sshll.u32 s4, $0x1;
	s4 =	sadd.s32 s21, s2  }
0x9d: {  	[timem:s6], [sflag:s22] =	dma.local [hbm:s4], s20  }
0x9e: {  	_ =	swait.ge [sflag:s22], s20  }
0x9f: {  	s3 =	ssub.s32 $0x0, s20;
	[sflag:s22] =	ssyncset.done $0x0  }
0xa0: {  	[sflag:s22] =	ssyncadd.s32 s3;
	_ =	sdelay $0x1  }
0xa1: {  	s23 =	simm.s32 $0x1B8B  }
0xa2: {  	_ =	swait.ge [sflag:s23], $0x1  }
0xa3: {  	[sflag:s23] =	ssyncset.done $0x0  }
0xa4: {  	s25 =	simm.s32 $0x1B8E;
	s24 =	sld [smem:$0x3FFE];
	[sflag:s23] =	ssyncadd.s32 $0xFFFFFFFF  }
0xa5: {  	s26 =	simm.s32 $execute0_lowered;
	[smem:$0x3FD2] =	sst s25  }
0xa6: {  	s4 =	sshll.u32 s26, $0x1;
	_ =	strace $0x80000049;
	[dreg:$0x1] =	wrdreg $0xFFFFFFFF  }
0xa7: {  	s28 =	simm.s32 $_size_execute0_lowered;
	s2 =	sadd.s32 s2, s4;
	[dreg:$0x0] =	wrdreg $0x0  }
0xa8: {  	s4 =	sshll.u32 s28, $0x1;
	[dreg:$0x2] =	wrdreg s2  }
0xa9: {  	[dreg:$0x3] =	wrdreg s4  }
0xaa: {  	[dreg:$0x4] =	wrdreg $0xC0  }
0xab: {  	_ =	task [dreg:s6], $0x5FFFF  }
0xac: {  	[dreg:$0x1] =	wrdreg $0xFFFFFFFF  }
0xad: {  	[dreg:$0x0] =	wrdreg $0x60  }
0xae: {  	[dreg:$0x2] =	wrdreg s24  }
0xaf: {  	[dreg:$0x3] =	wrdreg $0x148200  }
0xb0: {  	[dreg:$0x4] =	wrdreg $0x9  }
0xb1: {  	_ =	task.clear_ibuf [dreg:s6], $0x5FFFF;
	_ =	strace $0x90000049  }
0xb2: {  	s29 =	simm.s32 $0x9;
	_ =	strace $0x8000004B  }
0xb3: {  	_ =	swait.ge [sflag:s29], $0x1  }
0xb4: {  	[sflag:s29] =	ssyncadd.s32 $0xFFFFFFFF  }
0xb5: {  	_ =	strace $0x9000004B  }
0xb6: {  	_ =	sfence  }
0xb7: {  	s30 =	sld [smem:$0x0];
	_ =	sdelay $0x2  }
0xb8: {  	s31 =	sshll.u32 s1, $0xD;
	s1 =	sshrl.u32 s1, $0x2  }
0xb9: {  	s3 =	sand.u32 $0x4000, s31;
	s1 =	sadd.s32 s1, s30  }
0xba: {  	s0 =	sor.u32 s3, s0;
	s1 =	sshll.u32 s1, $0x11  }
0xbb: {  	s0 =	sor.u32 s1, s0  }
0xbc: {  	s0 =	sadd.s32 $0x8F2B, s0  }
0xbd: {  	[sflag:s0] =	ssyncadd.remote.s32 $0x1  }
0xbe: {  	_ =	sfence.sel $0xFFFF  }
0xbf: {  	[dreg:$0x0] =	wrdreg $0xFFFFFFFF;
	(pc) =	sbr.abs _section_cstart, $3  }
0xc0: {  	[dreg:$0x1] =	wrdreg $0xFFFFFFFF  }
0xc1: {  	_ =	task.clear_ibuf [dreg:s6], $0x2FFFF;
	_ =	strace $0x9FFFFFFF  }
0xc2: {  	(tm) =	ssettm $0x7FFFFFFF  }
0xc3: {  	_ =	shalt  }
tec
execute0_lowered:
.L_overlay_start_1:
0x0: {  	(tag) =	ssettag $0x1  }
0x1: {  	s0 =	srdreg.scid  }
0x2: {  	s1 =	rddreg [dreg:$0x0];
	s11 =	stileid.u32  }
0x3: {  	s2 =	rddreg [dreg:$0x1];
	s14 =	simm.s32 $0xB;
	s16 =	simm.s32 $0x2710  }
0x4: {  	s17 =	simm.s32 $0xC8;
	s18 =	simm.s32 $0x4E20;
	s19 =	simm.s32 $0x8020  }
0x5: {  	s21 =	simm.s32 $0xB220;
	s22 =	simm.s32 $0x1;
	s29 =	simm.s32 $0x11620  }
0x6: {  	s30 =	simm.s32 $0x3;
	s20 =	simm.s32 $0x4;
	s31 =	simm.s32 $0x5  }
0x7: {  	s28 =	simm.s32 $0xA;
	s0 =	sand.u32 $0x1, s0;
	s7 =	smul.u32 $0x9C00, s11  }
0x8: {  	s10 =	sadd.s32 $0x17000, s1;
	s23 =	sshll.u32 s11, $0x6;
	p0 =	sne.s32 s11, $0xF  }
0x9: {  	s3 =	sshll.u32 s0, $0x4;
	s6 =	ssub.s32 $0x2, s0;
	s0 =	smul.u32 $0x9C400, s0  }
0xa: {  	s4 =	sor.u32 s11, s3;
	s3 =	simm.s32 $0x0;
	s8 =	sshrl.u32 s7, $0x3  }
0xb: {  	s9 =	sshrl.u32 s6, $0x1;
	s13 =	sadd.s32 s7, s2;
	s5 =	smul.u32 $0x4E2, s4  }
0xc: {  	[smem:$0x7FF] =	sst s3;
	s4 =	sadd.s32 $0x6FC00, s1;
	s8 =	sadd.s32 s8, s1  }
0xd: {  	s12 =	ssub.s32 s6, s9;
	s6 =	sor.u32 $0x1C0B, s23;
	s24 =	sadd.s32 s7, s0  }
0xe: {  	s0 =	sshrl.u32 s0, $0x3;
	s13 =	sshrl.u32 s13, $0x3;
	s23 =	simm.s32 $0x8  }
0xf: {  	_ =	strace $0x8000004A;
	s8 =	sadd.s32 $0x5C200, s8;
	s0 =	sadd.s32 s10, s0  }
0x10: {  	s26 =	smax.u32 s12, $0x1;
	s5 =	sadd.s32 s5, s1;
	[dreg:$0x3] =	wrdreg s8  }
0x11: {  	s8 =	sadd.s32 $0x9C000, s2;
	s1 =	sadd.s32 $0x6FA00, s1;
	[dreg:$0x9] =	wrdreg s26  }
0x12: {  	s0 =	sadd.s32 $0x13800, s0;
	s26 =	simm.s32 $0x7;
	[dreg:$0x4] =	wrdreg s1  }
.Ltmp0:
0x13: {  	s25 =	sadd.s32 $0x3400, s5;
	s1 =	sshrl.u32 s24, $0x3;
	(pc) =	sbr.rel .LBB2_1-.Ltmp0, $4  }
0x14: {  	s5 =	sadd.s32 $0xD200, s5;
	[dreg:$0x8] =	wrdreg s0;
	s15 =	sshrl.u32 @!p0 s8, $0x3  }
0x15: {  	s24 =	simm.s32 $0xE420;
	s0 =	simm.s32 $0x9;
	[dreg:$0x5] =	wrdreg s25  }
0x16: {  	[dreg:$0x6] =	wrdreg s5;
	s1 =	sadd.s32 s10, s1;
	s25 =	simm.s32 $0x2  }
0x17: {  	s5 =	simm.s32 $0x0;
	[dreg:$0x7] =	wrdreg s1;
	s1 =	simm.s32 $0x6  }
.LBB2_4:
0x18: {  	_ =	swait.ge [sflag:s0], $0x3200  }
0x19: {  	[sflag:s0] =	ssyncset.done $0x0  }
0x1a: {  	[sflag:s0] =	ssyncadd.s32 $0xFFFFCE00  }
0x1b: {  	_ =	swait.ge [sflag:s28], $0x3200  }
0x1c: {  	[sflag:s28] =	ssyncset.done $0x0  }
0x1d: {  	[sflag:s28] =	ssyncadd.s32 $0xFFFFCE00  }
0x1e: {  	[bflag:$0x0] =	sbarrier.arrive $0xFFFF  }
0x1f: {  	s7 =	rddreg [dreg:$0x7]  }
0x20: {  	[hbm:s7], [sflag:s6] =	dma.local [spmem:s13], $0x1380  }
0x21: {  	_ =	swait.ge [sflag:s14], $0x1380  }
0x22: {  	[sflag:s14] =	ssyncset.done $0x0  }
0x23: {  	s7 =	rddreg [dreg:$0x8];
	[sflag:s14] =	ssyncadd.s32 $0xFFFFEC80  }
0x24: {  	[hbm:s7], [sflag:s6] =	dma.local @!p0 [spmem:s15], $0x80  }
0x25: {  	s7 =	simm.s32 @!p0 $0xB  }
0x26: {  	_ =	swait.ge @!p0 [sflag:s7], $0x80  }
0x27: {  	s5 =	sadd.s32 $0x1, s5;
	s8 =	rddreg [dreg:$0x9]  }
0x28: {  	p1 =	sne.s32 s5, s8  }
.Ltmp1:
0x29: {  	_ = 	snop;
	(pc) =	sbr.rel @!p1 .LBB2_5-.Ltmp1, $3  }
0x2a: {  	_ =	sdelay $0x1  }
0x2b: {  	[sflag:s7] =	ssyncset.done @!p0 $0x0  }
0x2c: {  	[sflag:s7] =	ssyncadd.s32 @!p0 $0xFFFFFF80  }
.LBB2_1:
0x2d: {  	s7 =	rddreg [dreg:$0x3]  }
0x2e: {  	[spmem:s13], [sflag:s6] =	dma.local [hbm:s7], $0x1380  }
0x2f: {  	_ =	swait.ge [sflag:s14], $0x1380  }
0x30: {  	[sflag:s14] =	ssyncset.done $0x0  }
0x31: {  	s7 =	rddreg [dreg:$0x4];
	[sflag:s14] =	ssyncadd.s32 $0xFFFFEC80  }
0x32: {  	[spmem:s15], [sflag:s6] =	dma.local @!p0 [hbm:s7], $0x80  }
0x33: {  	s7 =	simm.s32 @!p0 $0xB  }
0x34: {  	_ =	swait.ge @!p0 [sflag:s7], $0x80  }
0x35: {  	[sflag:s7] =	ssyncset.done @!p0 $0x0  }
0x36: {  	s11 =	rddreg [dreg:$0x5];
	[sflag:s7] =	ssyncadd.s32 @!p0 $0xFFFFFF80  }
0x37: {  	[tilespmem:s3], [sflag:$0xB] =	stream.linear.gather [hbm4b:s11+s3], $0x2710, $0x38;
	[tilespmem:$0x1E460] =	vst v63  }
0x38: {  	_ =	swait.ge [sflag:s14], $0x2710  }
0x39: {  	[sflag:s14] =	ssyncset.done $0x0  }
0x3a: {  	s12 =	rddreg [dreg:$0x6];
	[sflag:s14] =	ssyncadd.s32 $0xFFFFD8F0  }
0x3b: {  	[tilespmem:s16], [sflag:$0xB] =	stream.linear.gather [hbm4b:s12+s3], $0x2710, $0x38;
	[tilespmem:$0x1E460] =	vst v63  }
0x3c: {  	_ =	swait.ge [sflag:s14], $0x2710  }
0x3d: {  	[sflag:s14] =	ssyncset.done $0x0  }
0x3e: {  	[sflag:s14] =	ssyncadd.s32 $0xFFFFD8F0  }
0x3f: {  	[tilespmem:s18], [sflag:$0x1] =	stream.indirect.gather [hbm4b:s4+s17], $0x40, s3, s17, $0xb8;
	[tilespmem:$0x1E460] =	vst v63  }
0x40: {  	_ = 	snop  }
0x41: {  	[tilespmem:s19], [sflag:$0x2] =	stream.indirect.gather [hbm4b:s4+s17], $0x40, s17, s17, $0xb8;
	[tilespmem:$0x1E460] =	vst v63  }
0x42: {  	s8 =	simm.s32 $0x190  }
0x43: {  	[tilespmem:s21], [sflag:$0x3] =	stream.indirect.gather [hbm4b:s4+s17], $0x40, s8, s17, $0xb8;
	[tilespmem:$0x1E460] =	vst v63  }
0x44: {  	[bflag:$0x0] =	sbarrier.arrive $0xFFFF  }
0x45: {  	_ =	swait.ge [sflag:s22], $0x3200  }
0x46: {  	[sflag:s22] =	ssyncset.done $0x0  }
0x47: {  	[sflag:s22] =	ssyncadd.s32 $0xFFFFCE00  }
0x48: {  	[spmem:s2] =	stream.indirect.scatter.add.f32 [tilespmem:s18], [sflag:$0x6], $0x40, s16, s17, $0xb8;
	[tilespmem:$0x1E460] =	vst v63  }
0x49: {  	s9 =	simm.s32 $0x258  }
0x4a: {  	[tilespmem:s24], [sflag:$0x4] =	stream.indirect.gather [hbm4b:s4+s17], $0x40, s9, s17, $0xb8;
	[tilespmem:$0x1E460] =	vst v63  }
0x4b: {  	_ =	swait.ge [sflag:s25], $0x3200  }
0x4c: {  	[sflag:s25] =	ssyncset.done $0x0  }
0x4d: {  	s10 =	simm.s32 $0x27D8;
	[sflag:s25] =	ssyncadd.s32 $0xFFFFCE00  }
0x4e: {  	[spmem:s2] =	stream.indirect.scatter.add.f32 [tilespmem:s19], [sflag:$0x7], $0x40, s10, s17, $0xb8;
	[tilespmem:$0x1E460] =	vst v63  }
0x4f: {  	s11 =	simm.s32 $0x320  }
0x50: {  	[tilespmem:s29], [sflag:$0x5] =	stream.indirect.gather [hbm4b:s4+s17], $0x40, s11, s17, $0xb8;
	[tilespmem:$0x1E460] =	vst v63  }
0x51: {  	_ =	swait.ge [sflag:s30], $0x3200  }
0x52: {  	[sflag:s30] =	ssyncset.done $0x0  }
0x53: {  	s12 =	simm.s32 $0x28A0;
	[sflag:s30] =	ssyncadd.s32 $0xFFFFCE00  }
0x54: {  	[spmem:s2] =	stream.indirect.scatter.add.f32 [tilespmem:s21], [sflag:$0x8], $0x40, s12, s17, $0xb8;
	[tilespmem:$0x1E460] =	vst v63  }
0x55: {  	_ =	swait.ge [sflag:s1], $0x3200  }
0x56: {  	[sflag:s1] =	ssyncset.done $0x0  }
0x57: {  	s8 =	simm.s32 $0x3E8;
	[sflag:s1] =	ssyncadd.s32 $0xFFFFCE00  }
0x58: {  	[tilespmem:s18], [sflag:$0x1] =	stream.indirect.gather [hbm4b:s4+s17], $0x40, s8, s17, $0xb8;
	[tilespmem:$0x1E460] =	vst v63  }
0x59: {  	_ =	swait.ge [sflag:s20], $0x3200  }
0x5a: {  	[sflag:s20] =	ssyncset.done $0x0  }
0x5b: {  	s9 =	simm.s32 $0x2968;
	[sflag:s20] =	ssyncadd.s32 $0xFFFFCE00  }
0x5c: {  	[spmem:s2] =	stream.indirect.scatter.add.f32 [tilespmem:s24], [sflag:$0x9], $0x40, s9, s17, $0xb8;
	[tilespmem:$0x1E460] =	vst v63  }
0x5d: {  	_ =	swait.ge [sflag:s26], $0x3200  }
0x5e: {  	[sflag:s26] =	ssyncset.done $0x0  }
0x5f: {  	s10 =	simm.s32 $0x4B0;
	[sflag:s26] =	ssyncadd.s32 $0xFFFFCE00  }
0x60: {  	[tilespmem:s19], [sflag:$0x2] =	stream.indirect.gather [hbm4b:s4+s17], $0x40, s10, s17, $0xb8;
	[tilespmem:$0x1E460] =	vst v63  }
0x61: {  	_ =	swait.ge [sflag:s31], $0x3200  }
0x62: {  	[sflag:s31] =	ssyncset.done $0x0  }
0x63: {  	s11 =	simm.s32 $0x2A30;
	[sflag:s31] =	ssyncadd.s32 $0xFFFFCE00  }
0x64: {  	[spmem:s2] =	stream.indirect.scatter.add.f32 [tilespmem:s29], [sflag:$0xA], $0x40, s11, s17, $0xb8;
	[tilespmem:$0x1E460] =	vst v63  }
0x65: {  	_ =	swait.ge [sflag:s23], $0x3200  }
0x66: {  	[sflag:s23] =	ssyncset.done $0x0  }
0x67: {  	s7 =	simm.s32 $0x0;
	s12 =	simm.s32 $0x578;
	[sflag:s23] =	ssyncadd.s32 $0xFFFFCE00  }
0x68: {  	[tilespmem:s21], [sflag:$0x3] =	stream.indirect.gather [hbm4b:s4+s17], $0x40, s12, s17, $0xb8;
	[tilespmem:$0x1E460] =	vst v63  }
.LBB2_2:
0x69: {  	_ =	swait.ge [sflag:s22], $0x3200  }
0x6a: {  	s8 =	sshra.s32 s7, $0x2;
	[sflag:s22] =	ssyncset.done $0x0  }
0x6b: {  	s9 =	sadd.s32 $0x2AF8, s8;
	[sflag:s22] =	ssyncadd.s32 $0xFFFFCE00  }
0x6c: {  	[spmem:s2] =	stream.indirect.scatter.add.f32 [tilespmem:s18], [sflag:$0x6], $0x40, s9, s17, $0xb8;
	[tilespmem:$0x1E460] =	vst v63  }
0x6d: {  	_ =	swait.ge [sflag:s0], $0x3200  }
0x6e: {  	[sflag:s0] =	ssyncset.done $0x0  }
0x6f: {  	s11 =	sadd.s32 $0x640, s8;
	[sflag:s0] =	ssyncadd.s32 $0xFFFFCE00  }
0x70: {  	[tilespmem:s24], [sflag:$0x4] =	stream.indirect.gather [hbm4b:s4+s17], $0x40, s11, s17, $0xb8;
	[tilespmem:$0x1E460] =	vst v63  }
0x71: {  	_ =	swait.ge [sflag:s25], $0x3200  }
0x72: {  	[sflag:s25] =	ssyncset.done $0x0  }
0x73: {  	s12 =	sadd.s32 $0x2BC0, s8;
	[sflag:s25] =	ssyncadd.s32 $0xFFFFCE00  }
0x74: {  	[spmem:s2] =	stream.indirect.scatter.add.f32 [tilespmem:s19], [sflag:$0x7], $0x40, s12, s17, $0xb8;
	[tilespmem:$0x1E460] =	vst v63  }
0x75: {  	_ =	swait.ge [sflag:s28], $0x3200  }
0x76: {  	[sflag:s28] =	ssyncset.done $0x0  }
0x77: {  	s10 =	sadd.s32 $0x708, s8;
	[sflag:s28] =	ssyncadd.s32 $0xFFFFCE00  }
0x78: {  	[tilespmem:s29], [sflag:$0x5] =	stream.indirect.gather [hbm4b:s4+s17], $0x40, s10, s17, $0xb8;
	[tilespmem:$0x1E460] =	vst v63  }
0x79: {  	_ =	swait.ge [sflag:s30], $0x3200  }
0x7a: {  	[sflag:s30] =	ssyncset.done $0x0  }
0x7b: {  	s11 =	sadd.s32 $0x2C88, s8;
	[sflag:s30] =	ssyncadd.s32 $0xFFFFCE00  }
0x7c: {  	[spmem:s2] =	stream.indirect.scatter.add.f32 [tilespmem:s21], [sflag:$0x8], $0x40, s11, s17, $0xb8;
	[tilespmem:$0x1E460] =	vst v63  }
0x7d: {  	_ =	swait.ge [sflag:s1], $0x3200  }
0x7e: {  	p1 =	seq.s32 s7, $0x7D00;
	[sflag:s1] =	ssyncset.done $0x0  }
0x7f: {  	s9 =	simm.s32 @p1 $0x4;
	[sflag:s1] =	ssyncadd.s32 $0xFFFFCE00  }
0x80: {  	_ =	swait.ge @p1 [sflag:s9], $0x3200  }
0x81: {  	[sflag:s9] =	ssyncset.done @p1 $0x0  }
0x82: {  	[sflag:s9] =	ssyncadd.s32 @p1 $0xFFFFCE00;
	s9 =	sshra.s32 @p1 s7, $0x2  }
0x83: {  	s10 =	simm.s32 @p1 $0xC8;
	s11 =	simm.s32 @p1 $0xE420;
	s9 =	sadd.s32 @p1 $0x2D50, s9  }
0x84: {  	[spmem:s2] =	stream.indirect.scatter.add.f32 @p1 [tilespmem:s11], [sflag:$0x9], $0x40, s9, s10, $0xb8;
	[tilespmem:$0x1E460] =	vst v63  }
0x85: {  	s9 =	simm.s32 @p1 $0x7  }
0x86: {  	_ =	swait.ge @p1 [sflag:s9], $0x3200  }
0x87: {  	[sflag:s9] =	ssyncset.done @p1 $0x0  }
0x88: {  	[sflag:s9] =	ssyncadd.s32 @p1 $0xFFFFCE00;
	s9 =	sshra.s32 @!p1 s7, $0x2  }
0x89: {  	s12 =	simm.s32 @!p1 $0x4E20;
	s11 =	simm.s32 @!p1 $0xC8;
	s10 =	sadd.s32 @!p1 $0x7D0, s9  }
0x8a: {  	[tilespmem:s12], [sflag:$0x1] =	stream.indirect.gather @!p1 [hbm4b:s4+s11], $0x40, s10, s11, $0xb8;
	[tilespmem:$0x1E460] =	vst v63  }
0x8b: {  	s10 =	simm.s32 @!p1 $0x4  }
0x8c: {  	_ =	swait.ge @!p1 [sflag:s10], $0x3200  }
0x8d: {  	[sflag:s10] =	ssyncset.done @!p1 $0x0  }
0x8e: {  	s12 =	simm.s32 @!p1 $0xE420;
	[sflag:s10] =	ssyncadd.s32 @!p1 $0xFFFFCE00;
	s10 =	sadd.s32 @!p1 $0x2D50, s9  }
0x8f: {  	[spmem:s2] =	stream.indirect.scatter.add.f32 @!p1 [tilespmem:s12], [sflag:$0x9], $0x40, s10, s11, $0xb8;
	[tilespmem:$0x1E460] =	vst v63  }
0x90: {  	s10 =	simm.s32 @!p1 $0x7  }
0x91: {  	_ =	swait.ge @!p1 [sflag:s10], $0x3200  }
0x92: {  	[sflag:s10] =	ssyncset.done @!p1 $0x0  }
0x93: {  	s9 =	sadd.s32 @!p1 $0x898, s9;
	[sflag:s10] =	ssyncadd.s32 @!p1 $0xFFFFCE00;
	s10 =	simm.s32 @!p1 $0x8020  }
0x94: {  	[tilespmem:s10], [sflag:$0x2] =	stream.indirect.gather @!p1 [hbm4b:s4+s11], $0x40, s9, s11, $0xb8;
	[tilespmem:$0x1E460] =	vst v63  }
0x95: {  	_ =	swait.ge [sflag:s31], $0x3200  }
0x96: {  	[sflag:s31] =	ssyncset.done $0x0  }
.Ltmp2:
0x97: {  	s12 =	sadd.s32 $0x2E18, s8;
	[sflag:s31] =	ssyncadd.s32 $0xFFFFCE00;
	(pc) =	sbr.rel @p1 .LBB2_4-.Ltmp2, $4  }
0x98: {  	[spmem:s2] =	stream.indirect.scatter.add.f32 [tilespmem:s29], [sflag:$0xA], $0x40, s12, s17, $0xb8;
	[tilespmem:$0x1E460] =	vst v63  }
0x99: {  	_ =	swait.ge [sflag:s23], $0x3200  }
0x9a: {  	[sflag:s23] =	ssyncset.done $0x0  }
0x9b: {  	[sflag:s23] =	ssyncadd.s32 $0xFFFFCE00  }
.Ltmp3:
0x9c: {  	(pc) =	sbr.rel .LBB2_2-.Ltmp3, $3  }
0x9d: {  	_ =	sdelay $0x1  }
0x9e: {  	s8 =	sadd.s32 $0x960, s8;
	s7 =	sadd.s32 $0xFA0, s7  }
0x9f: {  	[tilespmem:s21], [sflag:$0x3] =	stream.indirect.gather [hbm4b:s4+s17], $0x40, s8, s17, $0xb8;
	[tilespmem:$0x1E460] =	vst v63  }
.LBB2_5:
0xa0: {  	_ =	sfence.sel $0x180000  }
0xa1: {  	[bflag:$0x0] =	sbarrier.arrive $0xFFFF  }
0xa2: {  	_ =	strace $0x9000004A  }
0xa3: {  	s0 =	stileid.u32;
	[bflag:$0x2] =	sbarrier.arrive $0xFFFF  }
0xa4: {  	p0 =	sne.s32 s0, $0x0;
	s0 =	rddreg [dreg:$0x2]  }
0xa5: {  	s0 =	sadd.s32 @!p0 $0x100000, s0  }
0xa6: {  	[sflag:s0] =	ssyncadd.tile.s32 @!p0 $0x1;
	_ =	shalt  }
.Lfunc_end2:
_tile_overlayer_lowered:
.L_overlay_start_2:
0xa7: {  	(tag) =	ssettag $0x2  }
0xa8: {  	s0 =	rddreg [dreg:$0x0];
	s2 =	stileid.u32  }
0xa9: {  	s1 =	rddreg [dreg:$0x1];
	p0 =	sne.s32 s2, $0x0  }
0xaa: {  	s3 =	rddreg [dreg:$0x2];
	[bflag:$0x3] =	sbarrier.arrive $0xFFFF;
	s2 =	simm.s32 @!p0 $0x1C0B  }
0xab: {  	[timem:s3], [sflag:s2] =	dma.local @!p0 [hbm:s0], s1  }
0xac: {  	s0 =	simm.s32 @!p0 $0xB  }
0xad: {  	_ =	swait.ge @!p0 [sflag:s0], s1  }
0xae: {  	s1 =	ssub.s32 @!p0 $0x0, s1;
	[sflag:s0] =	ssyncset.done @!p0 $0x0  }
0xaf: {  	[sflag:s0] =	ssyncadd.s32 @!p0 s1  }
0xb0: {  	[bflag:$0x3] =	sbarrier.arrive $0xFFFF  }
0xb1: {  	_ =	shalt  }

// kernel: kernel.14.cloned.1.call-start
scs
__scs_entry_jumppad:
0x0: {  	(pc) =	sbr.rel $0x88, $3  }
0x1: {  	(tag) =	ssettag $0x0;
	lr =	simm.s32 $0x1  }
0x2: {  	[smem:$0x3F8E] =	sst lr;
	_ =	strace $0xD0000000  }
0x3: {  	_ = 	snop  }
0x4: {  	_ = 	snop  }
0x5: {  	_ = 	snop  }
0x6: {  	_ = 	snop  }
0x7: {  	_ = 	snop  }
__scs_overlays_trampoline_lowered:
0x8: {  	[smem:$0x3F9D] =	sst s0  }
0x9: {  	[smem:$0x3F9E] =	sst s1  }
0xa: {  	[smem:$0x3F9F] =	sst s2  }
0xb: {  	[smem:$0x3FA0] =	sst s3  }
0xc: {  	[smem:$0x3FA1] =	sst s4  }
0xd: {  	[smem:$0x3FA2] =	sst s5  }
0xe: {  	[smem:$0x3FA3] =	sst s6  }
0xf: {  	[smem:$0x3FA4] =	sst s7  }
0x10: {  	[smem:$0x3FA5] =	sst s8  }
0x11: {  	[smem:$0x3FA6] =	sst s9;
	s0 =	simm.s32 @!p0 $0x0  }
0x12: {  	s1 =	sld [smem:$0x3F8C];
	s0 =	simm.s32 @p0 $0x1  }
0x13: {  	[smem:$0x3FA7] =	sst s0;
	s0 =	simm.s32 @!p1 $0x0  }
0x14: {  	s2 =	sld [smem:$0x3F8B];
	s0 =	simm.s32 @p1 $0x1  }
0x15: {  	[smem:$0x3FA8] =	sst s0;
	s0 =	simm.s32 @!p2 $0x0  }
0x16: {  	s3 =	sld [smem:$0x3FDB];
	s0 =	simm.s32 @p2 $0x1  }
0x17: {  	s4 =	simm.s32 $0x1BF5;
	[smem:$0x3FAA] =	sst s0  }
0x18: {  	s0 =	sld [smem:$0x3F8D];
	_ =	swait.ge [sflag:s4], $0x0  }
0x19: {  	s7 =	sld [smem:$0x3F8E]  }
0x1a: {  	s8 =	sadd.s32 $0xFFFFE003, lr  }
0x1b: {  	s9 =	sadd.s32 $0xFFFFFEF7, lr;
	s5 =	simm.s32 $0xFFFFFFFF;
	p2 =	slt.u32 s8, $0xFFFFF086  }
0x1c: {  	p1 =	slt.u32 s9, $0xF7A;
	s5 =	simm.s32 @!p2 $0x0  }
0x1d: {  	s5 =	simm.s32 @p1 $0x1;
	p0 =	seq.s32 s7, s2  }
0x1e: {  	s7 =	smul.u32 @!p0 $0xF7A, s2;
	p2 =	seq.s32 @!p0 s5, $0x0  }
0x1f: {  	s9 =	smul.u32 $0xF7A, s1;
	s8 =	simm.s32 @!p0 $0x1BF5;
	p2 =	por !p2, p0  }
0x20: {  	[sflag:s8] =	ssyncset.s32 @!p0 $0xFFFFF086;
	s6 =	sadd.s32 @!p0 s3, s7;
	s7 =	simm.s32 @!p0 $0x108  }
0x21: {  	s3 =	sadd.s32 s3, s9;
	s6 =	sadd.s32 @!p0 $0x88, s6;
	s7 =	simm.s32 @p2 $0x1082  }
0x22: {  	[simem:s7], [sflag:s8] =	dma.local @!p0 [hbm:s6], $0xF7A  }
0x23: {  	s9 =	sor.u32 $0xD0000000, s2;
	s6 =	simm.s32 $0x108;
	_ =	swait.ge @!p0 [sflag:s8], $0x0  }
0x24: {  	s3 =	sadd.s32 $0x88, s3;
	s6 =	simm.s32 @!p1 $0x1082;
	[sflag:s4] =	ssyncset.s32 $0xFFFFF086  }
0x25: {  	[simem:s6], [sflag:s4] =	dma.local [hbm:s3], $0xF7A  }
0x26: {  	[smem:$0x3F8E] =	sst s1;
	(tag) =	ssettag s2;
	_ =	strace s9  }
0x27: {  	s1 =	sld [smem:$0x3F9E]  }
0x28: {  	s2 =	sld [smem:$0x3F9F]  }
0x29: {  	s4 =	sld [smem:$0x3FA1]  }
0x2a: {  	p0 =	seq.s32 s5, $0x0;
	s5 =	sld [smem:$0x3FA2]  }
0x2b: {  	s6 =	sld [smem:$0x3FA3]  }
0x2c: {  	s7 =	sld [smem:$0x3FA4]  }
0x2d: {  	s3 =	simm.s32 $0x108;
	s8 =	sld [smem:$0x3FA5]  }
0x2e: {  	s3 =	simm.s32 @!p0 $0x1082;
	s9 =	sld [smem:$0x3FA6]  }
0x2f: {  	lr =	sadd.s32 s0, s3;
	s0 =	sld [smem:$0x3F9D]  }
0x30: {  	s3 =	sld [smem:$0x3FA0]  }
0x31: {  	[smem:$0x3FA9] =	sst s10  }
0x32: {  	s10 =	sld [smem:$0x3FA7];
	_ =	sdelay $0x3  }
0x33: {  	p0 =	seq.s32 s10, $0x1;
	s10 =	sld [smem:$0x3FA9];
	_ =	sdelay $0x3  }
0x34: {  	[smem:$0x3FA9] =	sst s10  }
0x35: {  	s10 =	sld [smem:$0x3FA8];
	_ =	sdelay $0x3  }
0x36: {  	p1 =	seq.s32 s10, $0x1;
	s10 =	sld [smem:$0x3FA9];
	_ =	sdelay $0x3  }
0x37: {  	[smem:$0x3FA9] =	sst s10  }
0x38: {  	s10 =	sld [smem:$0x3FAA]  }
0x39: {  	_ = 	snop;
	(pc) =	sbr.ind lr, $3  }
0x3a: {  	_ = 	snop  }
0x3b: {  	_ = 	snop  }
0x3c: {  	p2 =	seq.s32 s10, $0x1;
	s10 =	sld [smem:$0x3FA9]  }
0x3d: {  	_ =	shalt  }
0x3e: {  	_ =	shalt  }
0x3f: {  	_ =	shalt  }
0x40: {  	_ =	shalt  }
0x41: {  	_ =	shalt  }
0x42: {  	_ =	shalt  }
0x43: {  	_ =	shalt  }
0x44: {  	_ =	shalt  }
0x45: {  	_ =	shalt  }
0x46: {  	_ =	shalt  }
0x47: {  	_ =	shalt  }
0x48: {  	_ =	shalt  }
0x49: {  	_ =	shalt  }
0x4a: {  	_ =	shalt  }
0x4b: {  	_ =	shalt  }
0x4c: {  	_ =	shalt  }
0x4d: {  	_ =	shalt  }
0x4e: {  	_ =	shalt  }
0x4f: {  	_ =	shalt  }
0x50: {  	_ =	shalt  }
0x51: {  	_ =	shalt  }
0x52: {  	_ =	shalt  }
0x53: {  	_ =	shalt  }
0x54: {  	_ =	shalt  }
0x55: {  	_ =	shalt  }
0x56: {  	_ =	shalt  }
0x57: {  	_ =	shalt  }
0x58: {  	_ =	shalt  }
0x59: {  	_ =	shalt  }
0x5a: {  	_ =	shalt  }
0x5b: {  	_ =	shalt  }
0x5c: {  	_ =	shalt  }
0x5d: {  	_ =	shalt  }
0x5e: {  	_ =	shalt  }
0x5f: {  	_ =	shalt  }
0x60: {  	_ =	shalt  }
0x61: {  	_ =	shalt  }
0x62: {  	_ =	shalt  }
0x63: {  	_ =	shalt  }
0x64: {  	_ =	shalt  }
0x65: {  	_ =	shalt  }
0x66: {  	_ =	shalt  }
0x67: {  	_ =	shalt  }
0x68: {  	_ =	shalt  }
0x69: {  	_ =	shalt  }
0x6a: {  	_ =	shalt  }
0x6b: {  	_ =	shalt  }
0x6c: {  	_ =	shalt  }
0x6d: {  	_ =	shalt  }
0x6e: {  	_ =	shalt  }
0x6f: {  	_ =	shalt  }
0x70: {  	_ =	shalt  }
0x71: {  	_ =	shalt  }
0x72: {  	_ =	shalt  }
0x73: {  	_ =	shalt  }
0x74: {  	_ =	shalt  }
0x75: {  	_ =	shalt  }
0x76: {  	_ =	shalt  }
0x77: {  	_ =	shalt  }
0x78: {  	_ =	shalt  }
0x79: {  	_ =	shalt  }
0x7a: {  	_ =	shalt  }
0x7b: {  	_ =	shalt  }
0x7c: {  	_ =	shalt  }
0x7d: {  	_ =	shalt  }
0x7e: {  	_ =	shalt  }
0x7f: {  	_ =	shalt  }
0x80: {  	_ =	shalt  }
0x81: {  	_ =	shalt  }
0x82: {  	_ =	shalt  }
0x83: {  	_ =	shalt  }
0x84: {  	_ =	shalt  }
0x85: {  	_ =	shalt  }
0x86: {  	_ =	shalt  }
0x87: {  	_ =	shalt  }
.Lfunc_end0:
.L_simem_size_0:
called_computation.2_lowered:
.L_overlay_start_0:
0x88: {  	s2 =	sld [smem:$0x3FD9]  }
0x89: {  	s3 =	sld [smem:$0x3FFE];
	_ =	sdelay $0x1  }
0x8a: {  	s1 =	srdreg.scid  }
0x8b: {  	s0 =	sand.u32 $0x1, s1  }
0x8c: {  	s16 =	sshll.u32 s0, $0xA;
	s2 =	sadd.s32 s3, s2  }
0x8d: {  	s2 =	sadd.s32 s2, s16  }
0x8e: {  	[smem:$0x3FB5] =	sst s2  }
0x8f: {  	_ = 	snop  }
0x90: {  	(tm) =	ssettm $0x1  }
0x91: {  	s17 =	sld [smem:$0x3FFB];
	_ =	sdelay $0x3  }
0x92: {  	_ =	strace s17  }
0x93: {  	s2 =	sld [smem:$0x3FFC];
	_ =	sdelay $0x3  }
0x94: {  	_ =	strace s2  }
0x95: {  	s2 =	sld [smem:$0x3FFD];
	_ =	sdelay $0x3  }
0x96: {  	_ =	strace s2  }
0x97: {  	_ =	strace $0x8FFFFFFF  }
0x98: {  	s18 =	sld [smem:$0x3FDB];
	_ =	sdelay $0x1  }
0x99: {  	s19 =	simm.s32 $_scs_section_size  }
0x9a: {  	s4 =	simm.s32 $_size__tile_overlayer_lowered;
	s5 =	simm.s32 $_tile_overlayer_lowered  }
0x9b: {  	s22 =	simm.s32 $0x1BFF;
	s21 =	sshll.u32 s5, $0x1;
	s2 =	sadd.s32 s19, s18  }
0x9c: {  	s6 =	simm.s32 $0x0;
	s20 =	sshll.u32 s4, $0x1;
	s4 =	sadd.s32 s21, s2  }
0x9d: {  	[timem:s6], [sflag:s22] =	dma.local [hbm:s4], s20  }
0x9e: {  	_ =	swait.ge [sflag:s22], s20  }
0x9f: {  	s3 =	ssub.s32 $0x0, s20;
	[sflag:s22] =	ssyncset.done $0x0  }
0xa0: {  	[sflag:s22] =	ssyncadd.s32 s3;
	_ =	sdelay $0x1  }
0xa1: {  	s23 =	simm.s32 $0x1B8B  }
0xa2: {  	_ =	swait.ge [sflag:s23], $0x1  }
0xa3: {  	[sflag:s23] =	ssyncset.done $0x0  }
0xa4: {  	s25 =	simm.s32 $0x1B8E;
	s24 =	sld [smem:$0x3FFE];
	[sflag:s23] =	ssyncadd.s32 $0xFFFFFFFF  }
0xa5: {  	s26 =	simm.s32 $execute0_lowered;
	[smem:$0x3FD2] =	sst s25  }
0xa6: {  	s4 =	sshll.u32 s26, $0x1;
	_ =	strace $0x8000004C;
	[dreg:$0x1] =	wrdreg $0xFFFFFFFF  }
0xa7: {  	s28 =	simm.s32 $_size_execute0_lowered;
	s2 =	sadd.s32 s2, s4;
	[dreg:$0x0] =	wrdreg $0x0  }
0xa8: {  	s4 =	sshll.u32 s28, $0x1;
	[dreg:$0x2] =	wrdreg s2  }
0xa9: {  	[dreg:$0x3] =	wrdreg s4  }
0xaa: {  	[dreg:$0x4] =	wrdreg $0xC0  }
0xab: {  	_ =	task [dreg:s6], $0x5FFFF  }
0xac: {  	[dreg:$0x1] =	wrdreg $0xFFFFFFFF  }
0xad: {  	[dreg:$0x0] =	wrdreg $0x60  }
0xae: {  	[dreg:$0x2] =	wrdreg s24  }
0xaf: {  	[dreg:$0x3] =	wrdreg $0x148200  }
0xb0: {  	[dreg:$0x4] =	wrdreg $0x9  }
0xb1: {  	_ =	task.clear_ibuf [dreg:s6], $0x5FFFF;
	_ =	strace $0x9000004C  }
0xb2: {  	s29 =	simm.s32 $0x9;
	_ =	strace $0x8000004E  }
0xb3: {  	_ =	swait.ge [sflag:s29], $0x1  }
0xb4: {  	[sflag:s29] =	ssyncadd.s32 $0xFFFFFFFF  }
0xb5: {  	_ =	strace $0x9000004E  }
0xb6: {  	_ =	sfence  }
0xb7: {  	s30 =	sld [smem:$0x0];
	_ =	sdelay $0x2  }
0xb8: {  	s31 =	sshll.u32 s1, $0xD;
	s1 =	sshrl.u32 s1, $0x2  }
0xb9: {  	s3 =	sand.u32 $0x4000, s31;
	s1 =	sadd.s32 s1, s30  }
0xba: {  	s0 =	sor.u32 s3, s0;
	s1 =	sshll.u32 s1, $0x11  }
0xbb: {  	s0 =	sor.u32 s1, s0  }
0xbc: {  	s0 =	sadd.s32 $0x8F2B, s0  }
0xbd: {  	[sflag:s0] =	ssyncadd.remote.s32 $0x1  }
0xbe: {  	_ =	sfence.sel $0xFFFF  }
0xbf: {  	[dreg:$0x0] =	wrdreg $0xFFFFFFFF;
	(pc) =	sbr.abs _section_cstart, $3  }
0xc0: {  	[dreg:$0x1] =	wrdreg $0xFFFFFFFF  }
0xc1: {  	_ =	task.clear_ibuf [dreg:s6], $0x2FFFF;
	_ =	strace $0x9FFFFFFF  }
0xc2: {  	(tm) =	ssettm $0x7FFFFFFF  }
0xc3: {  	_ =	shalt  }
tec
execute0_lowered:
.L_overlay_start_1:
0x0: {  	(tag) =	ssettag $0x1  }
0x1: {  	s0 =	srdreg.scid  }
0x2: {  	s1 =	rddreg [dreg:$0x0];
	s11 =	stileid.u32  }
0x3: {  	s2 =	rddreg [dreg:$0x1];
	s14 =	simm.s32 $0xB;
	s16 =	simm.s32 $0x2710  }
0x4: {  	s17 =	simm.s32 $0xC8;
	s18 =	simm.s32 $0x4E20;
	s19 =	simm.s32 $0x8020  }
0x5: {  	s21 =	simm.s32 $0xB220;
	s22 =	simm.s32 $0x1;
	s29 =	simm.s32 $0x11620  }
0x6: {  	s30 =	simm.s32 $0x3;
	s20 =	simm.s32 $0x4;
	s31 =	simm.s32 $0x5  }
0x7: {  	s28 =	simm.s32 $0xA;
	s0 =	sand.u32 $0x1, s0;
	s7 =	smul.u32 $0x9C00, s11  }
0x8: {  	s10 =	sadd.s32 $0x2AA00, s1;
	s23 =	sshll.u32 s11, $0x6;
	p0 =	sne.s32 s11, $0xF  }
0x9: {  	s3 =	sshll.u32 s0, $0x4;
	s6 =	ssub.s32 $0x2, s0;
	s0 =	smul.u32 $0x9C400, s0  }
0xa: {  	s4 =	sor.u32 s11, s3;
	s3 =	simm.s32 $0x0;
	s8 =	sshrl.u32 s7, $0x3  }
0xb: {  	s9 =	sshrl.u32 s6, $0x1;
	s13 =	sadd.s32 s7, s2;
	s5 =	smul.u32 $0x4E2, s4  }
0xc: {  	[smem:$0x7FF] =	sst s3;
	s4 =	sadd.s32 $0x17000, s1;
	s8 =	sadd.s32 s8, s1  }
0xd: {  	s12 =	ssub.s32 s6, s9;
	s6 =	sor.u32 $0x1C0B, s23;
	s24 =	sadd.s32 s7, s0  }
0xe: {  	s0 =	sshrl.u32 s0, $0x3;
	s13 =	sshrl.u32 s13, $0x3;
	s23 =	simm.s32 $0x8  }
0xf: {  	_ =	strace $0x8000004D;
	s8 =	sadd.s32 $0x5C200, s8;
	s0 =	sadd.s32 s10, s0  }
0x10: {  	s26 =	smax.u32 s12, $0x1;
	s5 =	sadd.s32 s5, s1;
	[dreg:$0x3] =	wrdreg s8  }
0x11: {  	s8 =	sadd.s32 $0x9C000, s2;
	s1 =	sadd.s32 $0x6FA00, s1;
	[dreg:$0x9] =	wrdreg s26  }
0x12: {  	s0 =	sadd.s32 $0x13800, s0;
	s26 =	simm.s32 $0x7;
	[dreg:$0x4] =	wrdreg s1  }
.Ltmp0:
0x13: {  	s25 =	sadd.s32 $0x3400, s5;
	s1 =	sshrl.u32 s24, $0x3;
	(pc) =	sbr.rel .LBB2_1-.Ltmp0, $4  }
0x14: {  	s5 =	sadd.s32 $0xD200, s5;
	[dreg:$0x8] =	wrdreg s0;
	s15 =	sshrl.u32 @!p0 s8, $0x3  }
0x15: {  	s24 =	simm.s32 $0xE420;
	s0 =	simm.s32 $0x9;
	[dreg:$0x5] =	wrdreg s25  }
0x16: {  	[dreg:$0x6] =	wrdreg s5;
	s1 =	sadd.s32 s10, s1;
	s25 =	simm.s32 $0x2  }
0x17: {  	s5 =	simm.s32 $0x0;
	[dreg:$0x7] =	wrdreg s1;
	s1 =	simm.s32 $0x6  }
.LBB2_4:
0x18: {  	_ =	swait.ge [sflag:s0], $0x3200  }
0x19: {  	[sflag:s0] =	ssyncset.done $0x0  }
0x1a: {  	[sflag:s0] =	ssyncadd.s32 $0xFFFFCE00  }
0x1b: {  	_ =	swait.ge [sflag:s28], $0x3200  }
0x1c: {  	[sflag:s28] =	ssyncset.done $0x0  }
0x1d: {  	[sflag:s28] =	ssyncadd.s32 $0xFFFFCE00  }
0x1e: {  	[bflag:$0x0] =	sbarrier.arrive $0xFFFF  }
0x1f: {  	s7 =	rddreg [dreg:$0x7]  }
0x20: {  	[hbm:s7], [sflag:s6] =	dma.local [spmem:s13], $0x1380  }
0x21: {  	_ =	swait.ge [sflag:s14], $0x1380  }
0x22: {  	[sflag:s14] =	ssyncset.done $0x0  }
0x23: {  	s7 =	rddreg [dreg:$0x8];
	[sflag:s14] =	ssyncadd.s32 $0xFFFFEC80  }
0x24: {  	[hbm:s7], [sflag:s6] =	dma.local @!p0 [spmem:s15], $0x80  }
0x25: {  	s7 =	simm.s32 @!p0 $0xB  }
0x26: {  	_ =	swait.ge @!p0 [sflag:s7], $0x80  }
0x27: {  	s5 =	sadd.s32 $0x1, s5;
	s8 =	rddreg [dreg:$0x9]  }
0x28: {  	p1 =	sne.s32 s5, s8  }
.Ltmp1:
0x29: {  	_ = 	snop;
	(pc) =	sbr.rel @!p1 .LBB2_5-.Ltmp1, $3  }
0x2a: {  	_ =	sdelay $0x1  }
0x2b: {  	[sflag:s7] =	ssyncset.done @!p0 $0x0  }
0x2c: {  	[sflag:s7] =	ssyncadd.s32 @!p0 $0xFFFFFF80  }
.LBB2_1:
0x2d: {  	s7 =	rddreg [dreg:$0x3]  }
0x2e: {  	[spmem:s13], [sflag:s6] =	dma.local [hbm:s7], $0x1380  }
0x2f: {  	_ =	swait.ge [sflag:s14], $0x1380  }
0x30: {  	[sflag:s14] =	ssyncset.done $0x0  }
0x31: {  	s7 =	rddreg [dreg:$0x4];
	[sflag:s14] =	ssyncadd.s32 $0xFFFFEC80  }
0x32: {  	[spmem:s15], [sflag:s6] =	dma.local @!p0 [hbm:s7], $0x80  }
0x33: {  	s7 =	simm.s32 @!p0 $0xB  }
0x34: {  	_ =	swait.ge @!p0 [sflag:s7], $0x80  }
0x35: {  	[sflag:s7] =	ssyncset.done @!p0 $0x0  }
0x36: {  	s11 =	rddreg [dreg:$0x5];
	[sflag:s7] =	ssyncadd.s32 @!p0 $0xFFFFFF80  }
0x37: {  	[tilespmem:s3], [sflag:$0xB] =	stream.linear.gather [hbm4b:s11+s3], $0x2710, $0x38;
	[tilespmem:$0x1E460] =	vst v63  }
0x38: {  	_ =	swait.ge [sflag:s14], $0x2710  }
0x39: {  	[sflag:s14] =	ssyncset.done $0x0  }
0x3a: {  	s12 =	rddreg [dreg:$0x6];
	[sflag:s14] =	ssyncadd.s32 $0xFFFFD8F0  }
0x3b: {  	[tilespmem:s16], [sflag:$0xB] =	stream.linear.gather [hbm4b:s12+s3], $0x2710, $0x38;
	[tilespmem:$0x1E460] =	vst v63  }
0x3c: {  	_ =	swait.ge [sflag:s14], $0x2710  }
0x3d: {  	[sflag:s14] =	ssyncset.done $0x0  }
0x3e: {  	[sflag:s14] =	ssyncadd.s32 $0xFFFFD8F0  }
0x3f: {  	[tilespmem:s18], [sflag:$0x1] =	stream.indirect.gather [hbm4b:s4+s17], $0x40, s3, s17, $0xb8;
	[tilespmem:$0x1E460] =	vst v63  }
0x40: {  	_ = 	snop  }
0x41: {  	[tilespmem:s19], [sflag:$0x2] =	stream.indirect.gather [hbm4b:s4+s17], $0x40, s17, s17, $0xb8;
	[tilespmem:$0x1E460] =	vst v63  }
0x42: {  	s8 =	simm.s32 $0x190  }
0x43: {  	[tilespmem:s21], [sflag:$0x3] =	stream.indirect.gather [hbm4b:s4+s17], $0x40, s8, s17, $0xb8;
	[tilespmem:$0x1E460] =	vst v63  }
0x44: {  	[bflag:$0x0] =	sbarrier.arrive $0xFFFF  }
0x45: {  	_ =	swait.ge [sflag:s22], $0x3200  }
0x46: {  	[sflag:s22] =	ssyncset.done $0x0  }
0x47: {  	[sflag:s22] =	ssyncadd.s32 $0xFFFFCE00  }
0x48: {  	[spmem:s2] =	stream.indirect.scatter.add.f32 [tilespmem:s18], [sflag:$0x6], $0x40, s16, s17, $0xb8;
	[tilespmem:$0x1E460] =	vst v63  }
0x49: {  	s9 =	simm.s32 $0x258  }
0x4a: {  	[tilespmem:s24], [sflag:$0x4] =	stream.indirect.gather [hbm4b:s4+s17], $0x40, s9, s17, $0xb8;
	[tilespmem:$0x1E460] =	vst v63  }
0x4b: {  	_ =	swait.ge [sflag:s25], $0x3200  }
0x4c: {  	[sflag:s25] =	ssyncset.done $0x0  }
0x4d: {  	s10 =	simm.s32 $0x27D8;
	[sflag:s25] =	ssyncadd.s32 $0xFFFFCE00  }
0x4e: {  	[spmem:s2] =	stream.indirect.scatter.add.f32 [tilespmem:s19], [sflag:$0x7], $0x40, s10, s17, $0xb8;
	[tilespmem:$0x1E460] =	vst v63  }
0x4f: {  	s11 =	simm.s32 $0x320  }
0x50: {  	[tilespmem:s29], [sflag:$0x5] =	stream.indirect.gather [hbm4b:s4+s17], $0x40, s11, s17, $0xb8;
	[tilespmem:$0x1E460] =	vst v63  }
0x51: {  	_ =	swait.ge [sflag:s30], $0x3200  }
0x52: {  	[sflag:s30] =	ssyncset.done $0x0  }
0x53: {  	s12 =	simm.s32 $0x28A0;
	[sflag:s30] =	ssyncadd.s32 $0xFFFFCE00  }
0x54: {  	[spmem:s2] =	stream.indirect.scatter.add.f32 [tilespmem:s21], [sflag:$0x8], $0x40, s12, s17, $0xb8;
	[tilespmem:$0x1E460] =	vst v63  }
0x55: {  	_ =	swait.ge [sflag:s1], $0x3200  }
0x56: {  	[sflag:s1] =	ssyncset.done $0x0  }
0x57: {  	s8 =	simm.s32 $0x3E8;
	[sflag:s1] =	ssyncadd.s32 $0xFFFFCE00  }
0x58: {  	[tilespmem:s18], [sflag:$0x1] =	stream.indirect.gather [hbm4b:s4+s17], $0x40, s8, s17, $0xb8;
	[tilespmem:$0x1E460] =	vst v63  }
0x59: {  	_ =	swait.ge [sflag:s20], $0x3200  }
0x5a: {  	[sflag:s20] =	ssyncset.done $0x0  }
0x5b: {  	s9 =	simm.s32 $0x2968;
	[sflag:s20] =	ssyncadd.s32 $0xFFFFCE00  }
0x5c: {  	[spmem:s2] =	stream.indirect.scatter.add.f32 [tilespmem:s24], [sflag:$0x9], $0x40, s9, s17, $0xb8;
	[tilespmem:$0x1E460] =	vst v63  }
0x5d: {  	_ =	swait.ge [sflag:s26], $0x3200  }
0x5e: {  	[sflag:s26] =	ssyncset.done $0x0  }
0x5f: {  	s10 =	simm.s32 $0x4B0;
	[sflag:s26] =	ssyncadd.s32 $0xFFFFCE00  }
0x60: {  	[tilespmem:s19], [sflag:$0x2] =	stream.indirect.gather [hbm4b:s4+s17], $0x40, s10, s17, $0xb8;
	[tilespmem:$0x1E460] =	vst v63  }
0x61: {  	_ =	swait.ge [sflag:s31], $0x3200  }
0x62: {  	[sflag:s31] =	ssyncset.done $0x0  }
0x63: {  	s11 =	simm.s32 $0x2A30;
	[sflag:s31] =	ssyncadd.s32 $0xFFFFCE00  }
0x64: {  	[spmem:s2] =	stream.indirect.scatter.add.f32 [tilespmem:s29], [sflag:$0xA], $0x40, s11, s17, $0xb8;
	[tilespmem:$0x1E460] =	vst v63  }
0x65: {  	_ =	swait.ge [sflag:s23], $0x3200  }
0x66: {  	[sflag:s23] =	ssyncset.done $0x0  }
0x67: {  	s7 =	simm.s32 $0x0;
	s12 =	simm.s32 $0x578;
	[sflag:s23] =	ssyncadd.s32 $0xFFFFCE00  }
0x68: {  	[tilespmem:s21], [sflag:$0x3] =	stream.indirect.gather [hbm4b:s4+s17], $0x40, s12, s17, $0xb8;
	[tilespmem:$0x1E460] =	vst v63  }
.LBB2_2:
0x69: {  	_ =	swait.ge [sflag:s22], $0x3200  }
0x6a: {  	s8 =	sshra.s32 s7, $0x2;
	[sflag:s22] =	ssyncset.done $0x0  }
0x6b: {  	s9 =	sadd.s32 $0x2AF8, s8;
	[sflag:s22] =	ssyncadd.s32 $0xFFFFCE00  }
0x6c: {  	[spmem:s2] =	stream.indirect.scatter.add.f32 [tilespmem:s18], [sflag:$0x6], $0x40, s9, s17, $0xb8;
	[tilespmem:$0x1E460] =	vst v63  }
0x6d: {  	_ =	swait.ge [sflag:s0], $0x3200  }
0x6e: {  	[sflag:s0] =	ssyncset.done $0x0  }
0x6f: {  	s11 =	sadd.s32 $0x640, s8;
	[sflag:s0] =	ssyncadd.s32 $0xFFFFCE00  }
0x70: {  	[tilespmem:s24], [sflag:$0x4] =	stream.indirect.gather [hbm4b:s4+s17], $0x40, s11, s17, $0xb8;
	[tilespmem:$0x1E460] =	vst v63  }
0x71: {  	_ =	swait.ge [sflag:s25], $0x3200  }
0x72: {  	[sflag:s25] =	ssyncset.done $0x0  }
0x73: {  	s12 =	sadd.s32 $0x2BC0, s8;
	[sflag:s25] =	ssyncadd.s32 $0xFFFFCE00  }
0x74: {  	[spmem:s2] =	stream.indirect.scatter.add.f32 [tilespmem:s19], [sflag:$0x7], $0x40, s12, s17, $0xb8;
	[tilespmem:$0x1E460] =	vst v63  }
0x75: {  	_ =	swait.ge [sflag:s28], $0x3200  }
0x76: {  	[sflag:s28] =	ssyncset.done $0x0  }
0x77: {  	s10 =	sadd.s32 $0x708, s8;
	[sflag:s28] =	ssyncadd.s32 $0xFFFFCE00  }
0x78: {  	[tilespmem:s29], [sflag:$0x5] =	stream.indirect.gather [hbm4b:s4+s17], $0x40, s10, s17, $0xb8;
	[tilespmem:$0x1E460] =	vst v63  }
0x79: {  	_ =	swait.ge [sflag:s30], $0x3200  }
0x7a: {  	[sflag:s30] =	ssyncset.done $0x0  }
0x7b: {  	s11 =	sadd.s32 $0x2C88, s8;
	[sflag:s30] =	ssyncadd.s32 $0xFFFFCE00  }
0x7c: {  	[spmem:s2] =	stream.indirect.scatter.add.f32 [tilespmem:s21], [sflag:$0x8], $0x40, s11, s17, $0xb8;
	[tilespmem:$0x1E460] =	vst v63  }
0x7d: {  	_ =	swait.ge [sflag:s1], $0x3200  }
0x7e: {  	p1 =	seq.s32 s7, $0x7D00;
	[sflag:s1] =	ssyncset.done $0x0  }
0x7f: {  	s9 =	simm.s32 @p1 $0x4;
	[sflag:s1] =	ssyncadd.s32 $0xFFFFCE00  }
0x80: {  	_ =	swait.ge @p1 [sflag:s9], $0x3200  }
0x81: {  	[sflag:s9] =	ssyncset.done @p1 $0x0  }
0x82: {  	[sflag:s9] =	ssyncadd.s32 @p1 $0xFFFFCE00;
	s9 =	sshra.s32 @p1 s7, $0x2  }
0x83: {  	s10 =	simm.s32 @p1 $0xC8;
	s11 =	simm.s32 @p1 $0xE420;
	s9 =	sadd.s32 @p1 $0x2D50, s9  }
0x84: {  	[spmem:s2] =	stream.indirect.scatter.add.f32 @p1 [tilespmem:s11], [sflag:$0x9], $0x40, s9, s10, $0xb8;
	[tilespmem:$0x1E460] =	vst v63  }
0x85: {  	s9 =	simm.s32 @p1 $0x7  }
0x86: {  	_ =	swait.ge @p1 [sflag:s9], $0x3200  }
0x87: {  	[sflag:s9] =	ssyncset.done @p1 $0x0  }
0x88: {  	[sflag:s9] =	ssyncadd.s32 @p1 $0xFFFFCE00;
	s9 =	sshra.s32 @!p1 s7, $0x2  }
0x89: {  	s12 =	simm.s32 @!p1 $0x4E20;
	s11 =	simm.s32 @!p1 $0xC8;
	s10 =	sadd.s32 @!p1 $0x7D0, s9  }
0x8a: {  	[tilespmem:s12], [sflag:$0x1] =	stream.indirect.gather @!p1 [hbm4b:s4+s11], $0x40, s10, s11, $0xb8;
	[tilespmem:$0x1E460] =	vst v63  }
0x8b: {  	s10 =	simm.s32 @!p1 $0x4  }
0x8c: {  	_ =	swait.ge @!p1 [sflag:s10], $0x3200  }
0x8d: {  	[sflag:s10] =	ssyncset.done @!p1 $0x0  }
0x8e: {  	s12 =	simm.s32 @!p1 $0xE420;
	[sflag:s10] =	ssyncadd.s32 @!p1 $0xFFFFCE00;
	s10 =	sadd.s32 @!p1 $0x2D50, s9  }
0x8f: {  	[spmem:s2] =	stream.indirect.scatter.add.f32 @!p1 [tilespmem:s12], [sflag:$0x9], $0x40, s10, s11, $0xb8;
	[tilespmem:$0x1E460] =	vst v63  }
0x90: {  	s10 =	simm.s32 @!p1 $0x7  }
0x91: {  	_ =	swait.ge @!p1 [sflag:s10], $0x3200  }
0x92: {  	[sflag:s10] =	ssyncset.done @!p1 $0x0  }
0x93: {  	s9 =	sadd.s32 @!p1 $0x898, s9;
	[sflag:s10] =	ssyncadd.s32 @!p1 $0xFFFFCE00;
	s10 =	simm.s32 @!p1 $0x8020  }
0x94: {  	[tilespmem:s10], [sflag:$0x2] =	stream.indirect.gather @!p1 [hbm4b:s4+s11], $0x40, s9, s11, $0xb8;
	[tilespmem:$0x1E460] =	vst v63  }
0x95: {  	_ =	swait.ge [sflag:s31], $0x3200  }
0x96: {  	[sflag:s31] =	ssyncset.done $0x0  }
.Ltmp2:
0x97: {  	s12 =	sadd.s32 $0x2E18, s8;
	[sflag:s31] =	ssyncadd.s32 $0xFFFFCE00;
	(pc) =	sbr.rel @p1 .LBB2_4-.Ltmp2, $4  }
0x98: {  	[spmem:s2] =	stream.indirect.scatter.add.f32 [tilespmem:s29], [sflag:$0xA], $0x40, s12, s17, $0xb8;
	[tilespmem:$0x1E460] =	vst v63  }
0x99: {  	_ =	swait.ge [sflag:s23], $0x3200  }
0x9a: {  	[sflag:s23] =	ssyncset.done $0x0  }
0x9b: {  	[sflag:s23] =	ssyncadd.s32 $0xFFFFCE00  }
.Ltmp3:
0x9c: {  	(pc) =	sbr.rel .LBB2_2-.Ltmp3, $3  }
0x9d: {  	_ =	sdelay $0x1  }
0x9e: {  	s8 =	sadd.s32 $0x960, s8;
	s7 =	sadd.s32 $0xFA0, s7  }
0x9f: {  	[tilespmem:s21], [sflag:$0x3] =	stream.indirect.gather [hbm4b:s4+s17], $0x40, s8, s17, $0xb8;
	[tilespmem:$0x1E460] =	vst v63  }
.LBB2_5:
0xa0: {  	_ =	sfence.sel $0x180000  }
0xa1: {  	[bflag:$0x0] =	sbarrier.arrive $0xFFFF  }
0xa2: {  	_ =	strace $0x9000004D  }
0xa3: {  	s0 =	stileid.u32;
	[bflag:$0x2] =	sbarrier.arrive $0xFFFF  }
0xa4: {  	p0 =	sne.s32 s0, $0x0;
	s0 =	rddreg [dreg:$0x2]  }
0xa5: {  	s0 =	sadd.s32 @!p0 $0x100000, s0  }
0xa6: {  	[sflag:s0] =	ssyncadd.tile.s32 @!p0 $0x1;
	_ =	shalt  }
.Lfunc_end2:
_tile_overlayer_lowered:
.L_overlay_start_2:
0xa7: {  	(tag) =	ssettag $0x2  }
0xa8: {  	s0 =	rddreg [dreg:$0x0];
	s2 =	stileid.u32  }
0xa9: {  	s1 =	rddreg [dreg:$0x1];
	p0 =	sne.s32 s2, $0x0  }
0xaa: {  	s3 =	rddreg [dreg:$0x2];
	[bflag:$0x3] =	sbarrier.arrive $0xFFFF;
	s2 =	simm.s32 @!p0 $0x1C0B  }
0xab: {  	[timem:s3], [sflag:s2] =	dma.local @!p0 [hbm:s0], s1  }
0xac: {  	s0 =	simm.s32 @!p0 $0xB  }
0xad: {  	_ =	swait.ge @!p0 [sflag:s0], s1  }
0xae: {  	s1 =	ssub.s32 @!p0 $0x0, s1;
	[sflag:s0] =	ssyncset.done @!p0 $0x0  }
0xaf: {  	[sflag:s0] =	ssyncadd.s32 @!p0 s1  }
0xb0: {  	[bflag:$0x3] =	sbarrier.arrive $0xFFFF  }
0xb1: {  	_ =	shalt  }

// kernel: kernel.8.cloned.1.call-start
scs
__scs_entry_jumppad:
0x0: {  	(pc) =	sbr.rel $0x88, $3  }
0x1: {  	(tag) =	ssettag $0x0;
	lr =	simm.s32 $0x1  }
0x2: {  	[smem:$0x3F8E] =	sst lr;
	_ =	strace $0xD0000000  }
0x3: {  	_ = 	snop  }
0x4: {  	_ = 	snop  }
0x5: {  	_ = 	snop  }
0x6: {  	_ = 	snop  }
0x7: {  	_ = 	snop  }
__scs_overlays_trampoline_lowered:
0x8: {  	[smem:$0x3F9D] =	sst s0  }
0x9: {  	[smem:$0x3F9E] =	sst s1  }
0xa: {  	[smem:$0x3F9F] =	sst s2  }
0xb: {  	[smem:$0x3FA0] =	sst s3  }
0xc: {  	[smem:$0x3FA1] =	sst s4  }
0xd: {  	[smem:$0x3FA2] =	sst s5  }
0xe: {  	[smem:$0x3FA3] =	sst s6  }
0xf: {  	[smem:$0x3FA4] =	sst s7  }
0x10: {  	[smem:$0x3FA5] =	sst s8  }
0x11: {  	[smem:$0x3FA6] =	sst s9;
	s0 =	simm.s32 @!p0 $0x0  }
0x12: {  	s1 =	sld [smem:$0x3F8C];
	s0 =	simm.s32 @p0 $0x1  }
0x13: {  	[smem:$0x3FA7] =	sst s0;
	s0 =	simm.s32 @!p1 $0x0  }
0x14: {  	s2 =	sld [smem:$0x3F8B];
	s0 =	simm.s32 @p1 $0x1  }
0x15: {  	[smem:$0x3FA8] =	sst s0;
	s0 =	simm.s32 @!p2 $0x0  }
0x16: {  	s3 =	sld [smem:$0x3FDB];
	s0 =	simm.s32 @p2 $0x1  }
0x17: {  	s4 =	simm.s32 $0x1BF5;
	[smem:$0x3FAA] =	sst s0  }
0x18: {  	s0 =	sld [smem:$0x3F8D];
	_ =	swait.ge [sflag:s4], $0x0  }
0x19: {  	s7 =	sld [smem:$0x3F8E]  }
0x1a: {  	s8 =	sadd.s32 $0xFFFFE003, lr  }
0x1b: {  	s9 =	sadd.s32 $0xFFFFFEF7, lr;
	s5 =	simm.s32 $0xFFFFFFFF;
	p2 =	slt.u32 s8, $0xFFFFF086  }
0x1c: {  	p1 =	slt.u32 s9, $0xF7A;
	s5 =	simm.s32 @!p2 $0x0  }
0x1d: {  	s5 =	simm.s32 @p1 $0x1;
	p0 =	seq.s32 s7, s2  }
0x1e: {  	s7 =	smul.u32 @!p0 $0xF7A, s2;
	p2 =	seq.s32 @!p0 s5, $0x0  }
0x1f: {  	s9 =	smul.u32 $0xF7A, s1;
	s8 =	simm.s32 @!p0 $0x1BF5;
	p2 =	por !p2, p0  }
0x20: {  	[sflag:s8] =	ssyncset.s32 @!p0 $0xFFFFF086;
	s6 =	sadd.s32 @!p0 s3, s7;
	s7 =	simm.s32 @!p0 $0x108  }
0x21: {  	s3 =	sadd.s32 s3, s9;
	s6 =	sadd.s32 @!p0 $0x88, s6;
	s7 =	simm.s32 @p2 $0x1082  }
0x22: {  	[simem:s7], [sflag:s8] =	dma.local @!p0 [hbm:s6], $0xF7A  }
0x23: {  	s9 =	sor.u32 $0xD0000000, s2;
	s6 =	simm.s32 $0x108;
	_ =	swait.ge @!p0 [sflag:s8], $0x0  }
0x24: {  	s3 =	sadd.s32 $0x88, s3;
	s6 =	simm.s32 @!p1 $0x1082;
	[sflag:s4] =	ssyncset.s32 $0xFFFFF086  }
0x25: {  	[simem:s6], [sflag:s4] =	dma.local [hbm:s3], $0xF7A  }
0x26: {  	[smem:$0x3F8E] =	sst s1;
	(tag) =	ssettag s2;
	_ =	strace s9  }
0x27: {  	s1 =	sld [smem:$0x3F9E]  }
0x28: {  	s2 =	sld [smem:$0x3F9F]  }
0x29: {  	s4 =	sld [smem:$0x3FA1]  }
0x2a: {  	p0 =	seq.s32 s5, $0x0;
	s5 =	sld [smem:$0x3FA2]  }
0x2b: {  	s6 =	sld [smem:$0x3FA3]  }
0x2c: {  	s7 =	sld [smem:$0x3FA4]  }
0x2d: {  	s3 =	simm.s32 $0x108;
	s8 =	sld [smem:$0x3FA5]  }
0x2e: {  	s3 =	simm.s32 @!p0 $0x1082;
	s9 =	sld [smem:$0x3FA6]  }
0x2f: {  	lr =	sadd.s32 s0, s3;
	s0 =	sld [smem:$0x3F9D]  }
0x30: {  	s3 =	sld [smem:$0x3FA0]  }
0x31: {  	[smem:$0x3FA9] =	sst s10  }
0x32: {  	s10 =	sld [smem:$0x3FA7];
	_ =	sdelay $0x3  }
0x33: {  	p0 =	seq.s32 s10, $0x1;
	s10 =	sld [smem:$0x3FA9];
	_ =	sdelay $0x3  }
0x34: {  	[smem:$0x3FA9] =	sst s10  }
0x35: {  	s10 =	sld [smem:$0x3FA8];
	_ =	sdelay $0x3  }
0x36: {  	p1 =	seq.s32 s10, $0x1;
	s10 =	sld [smem:$0x3FA9];
	_ =	sdelay $0x3  }
0x37: {  	[smem:$0x3FA9] =	sst s10  }
0x38: {  	s10 =	sld [smem:$0x3FAA]  }
0x39: {  	_ = 	snop;
	(pc) =	sbr.ind lr, $3  }
0x3a: {  	_ = 	snop  }
0x3b: {  	_ = 	snop  }
0x3c: {  	p2 =	seq.s32 s10, $0x1;
	s10 =	sld [smem:$0x3FA9]  }
0x3d: {  	_ =	shalt  }
0x3e: {  	_ =	shalt  }
0x3f: {  	_ =	shalt  }
0x40: {  	_ =	shalt  }
0x41: {  	_ =	shalt  }
0x42: {  	_ =	shalt  }
0x43: {  	_ =	shalt  }
0x44: {  	_ =	shalt  }
0x45: {  	_ =	shalt  }
0x46: {  	_ =	shalt  }
0x47: {  	_ =	shalt  }
0x48: {  	_ =	shalt  }
0x49: {  	_ =	shalt  }
0x4a: {  	_ =	shalt  }
0x4b: {  	_ =	shalt  }
0x4c: {  	_ =	shalt  }
0x4d: {  	_ =	shalt  }
0x4e: {  	_ =	shalt  }
0x4f: {  	_ =	shalt  }
0x50: {  	_ =	shalt  }
0x51: {  	_ =	shalt  }
0x52: {  	_ =	shalt  }
0x53: {  	_ =	shalt  }
0x54: {  	_ =	shalt  }
0x55: {  	_ =	shalt  }
0x56: {  	_ =	shalt  }
0x57: {  	_ =	shalt  }
0x58: {  	_ =	shalt  }
0x59: {  	_ =	shalt  }
0x5a: {  	_ =	shalt  }
0x5b: {  	_ =	shalt  }
0x5c: {  	_ =	shalt  }
0x5d: {  	_ =	shalt  }
0x5e: {  	_ =	shalt  }
0x5f: {  	_ =	shalt  }
0x60: {  	_ =	shalt  }
0x61: {  	_ =	shalt  }
0x62: {  	_ =	shalt  }
0x63: {  	_ =	shalt  }
0x64: {  	_ =	shalt  }
0x65: {  	_ =	shalt  }
0x66: {  	_ =	shalt  }
0x67: {  	_ =	shalt  }
0x68: {  	_ =	shalt  }
0x69: {  	_ =	shalt  }
0x6a: {  	_ =	shalt  }
0x6b: {  	_ =	shalt  }
0x6c: {  	_ =	shalt  }
0x6d: {  	_ =	shalt  }
0x6e: {  	_ =	shalt  }
0x6f: {  	_ =	shalt  }
0x70: {  	_ =	shalt  }
0x71: {  	_ =	shalt  }
0x72: {  	_ =	shalt  }
0x73: {  	_ =	shalt  }
0x74: {  	_ =	shalt  }
0x75: {  	_ =	shalt  }
0x76: {  	_ =	shalt  }
0x77: {  	_ =	shalt  }
0x78: {  	_ =	shalt  }
0x79: {  	_ =	shalt  }
0x7a: {  	_ =	shalt  }
0x7b: {  	_ =	shalt  }
0x7c: {  	_ =	shalt  }
0x7d: {  	_ =	shalt  }
0x7e: {  	_ =	shalt  }
0x7f: {  	_ =	shalt  }
0x80: {  	_ =	shalt  }
0x81: {  	_ =	shalt  }
0x82: {  	_ =	shalt  }
0x83: {  	_ =	shalt  }
0x84: {  	_ =	shalt  }
0x85: {  	_ =	shalt  }
0x86: {  	_ =	shalt  }
0x87: {  	_ =	shalt  }
.Lfunc_end0:
.L_simem_size_0:
called_computation_lowered:
.L_overlay_start_0:
0x88: {  	s2 =	sld [smem:$0x3FD9]  }
0x89: {  	s3 =	sld [smem:$0x3FFE];
	_ =	sdelay $0x1  }
0x8a: {  	s1 =	srdreg.scid  }
0x8b: {  	s0 =	sand.u32 $0x1, s1  }
0x8c: {  	s16 =	sshll.u32 s0, $0xA;
	s2 =	sadd.s32 s3, s2  }
0x8d: {  	s2 =	sadd.s32 s2, s16  }
0x8e: {  	[smem:$0x3FB5] =	sst s2  }
0x8f: {  	_ = 	snop  }
0x90: {  	(tm) =	ssettm $0x1  }
0x91: {  	s17 =	sld [smem:$0x3FFB];
	_ =	sdelay $0x3  }
0x92: {  	_ =	strace s17  }
0x93: {  	s2 =	sld [smem:$0x3FFC];
	_ =	sdelay $0x3  }
0x94: {  	_ =	strace s2  }
0x95: {  	s2 =	sld [smem:$0x3FFD];
	_ =	sdelay $0x3  }
0x96: {  	_ =	strace s2  }
0x97: {  	_ =	strace $0x8FFFFFFF  }
0x98: {  	s18 =	sld [smem:$0x3FDB];
	_ =	sdelay $0x1  }
0x99: {  	s19 =	simm.s32 $_scs_section_size  }
0x9a: {  	s4 =	simm.s32 $_size__tile_overlayer_lowered;
	s5 =	simm.s32 $_tile_overlayer_lowered  }
0x9b: {  	s22 =	simm.s32 $0x1BFF;
	s21 =	sshll.u32 s5, $0x1;
	s2 =	sadd.s32 s19, s18  }
0x9c: {  	s6 =	simm.s32 $0x0;
	s20 =	sshll.u32 s4, $0x1;
	s4 =	sadd.s32 s21, s2  }
0x9d: {  	[timem:s6], [sflag:s22] =	dma.local [hbm:s4], s20  }
0x9e: {  	_ =	swait.ge [sflag:s22], s20  }
0x9f: {  	s3 =	ssub.s32 $0x0, s20;
	[sflag:s22] =	ssyncset.done $0x0  }
0xa0: {  	[sflag:s22] =	ssyncadd.s32 s3;
	_ =	sdelay $0x1  }
0xa1: {  	s23 =	simm.s32 $0x1B8B  }
0xa2: {  	_ =	swait.ge [sflag:s23], $0x1  }
0xa3: {  	[sflag:s23] =	ssyncset.done $0x0  }
0xa4: {  	s25 =	simm.s32 $0x1B8E;
	s24 =	sld [smem:$0x3FFE];
	[sflag:s23] =	ssyncadd.s32 $0xFFFFFFFF  }
0xa5: {  	s26 =	simm.s32 $execute0_lowered;
	[smem:$0x3FD2] =	sst s25  }
0xa6: {  	s4 =	sshll.u32 s26, $0x1;
	_ =	strace $0x80000046;
	[dreg:$0x1] =	wrdreg $0xFFFFFFFF  }
0xa7: {  	s28 =	simm.s32 $_size_execute0_lowered;
	s2 =	sadd.s32 s2, s4;
	[dreg:$0x0] =	wrdreg $0x0  }
0xa8: {  	s4 =	sshll.u32 s28, $0x1;
	[dreg:$0x2] =	wrdreg s2  }
0xa9: {  	[dreg:$0x3] =	wrdreg s4  }
0xaa: {  	[dreg:$0x4] =	wrdreg $0xC0  }
0xab: {  	_ =	task [dreg:s6], $0x5FFFF  }
0xac: {  	[dreg:$0x1] =	wrdreg $0xFFFFFFFF  }
0xad: {  	[dreg:$0x0] =	wrdreg $0x60  }
0xae: {  	[dreg:$0x2] =	wrdreg s24  }
0xaf: {  	[dreg:$0x3] =	wrdreg $0x13C400  }
0xb0: {  	[dreg:$0x4] =	wrdreg $0x9  }
0xb1: {  	_ =	task.clear_ibuf [dreg:s6], $0x5FFFF;
	_ =	strace $0x90000046  }
0xb2: {  	s29 =	simm.s32 $0x9;
	_ =	strace $0x80000048  }
0xb3: {  	_ =	swait.ge [sflag:s29], $0x1  }
0xb4: {  	[sflag:s29] =	ssyncadd.s32 $0xFFFFFFFF  }
0xb5: {  	_ =	strace $0x90000048  }
0xb6: {  	_ =	sfence  }
0xb7: {  	s30 =	sld [smem:$0x0];
	_ =	sdelay $0x2  }
0xb8: {  	s31 =	sshll.u32 s1, $0xD;
	s1 =	sshrl.u32 s1, $0x2  }
0xb9: {  	s3 =	sand.u32 $0x4000, s31;
	s1 =	sadd.s32 s1, s30  }
0xba: {  	s0 =	sor.u32 s3, s0;
	s1 =	sshll.u32 s1, $0x11  }
0xbb: {  	s0 =	sor.u32 s1, s0  }
0xbc: {  	s0 =	sadd.s32 $0x8F2B, s0  }
0xbd: {  	[sflag:s0] =	ssyncadd.remote.s32 $0x1  }
0xbe: {  	_ =	sfence.sel $0xFFFF  }
0xbf: {  	[dreg:$0x0] =	wrdreg $0xFFFFFFFF;
	(pc) =	sbr.abs _section_cstart, $3  }
0xc0: {  	[dreg:$0x1] =	wrdreg $0xFFFFFFFF  }
0xc1: {  	_ =	task.clear_ibuf [dreg:s6], $0x2FFFF;
	_ =	strace $0x9FFFFFFF  }
0xc2: {  	(tm) =	ssettm $0x7FFFFFFF  }
0xc3: {  	_ =	shalt  }
tec
execute0_lowered:
.L_overlay_start_1:
0x0: {  	(tag) =	ssettag $0x1  }
0x1: {  	s0 =	rddreg [dreg:$0x0]  }
0x2: {  	s2 =	rddreg [dreg:$0x1];
	s3 =	simm.s32 $0x0;
	s11 =	stileid.u32  }
0x3: {  	s4 =	srdreg.scid;
	s14 =	simm.s32 $0xB;
	s16 =	simm.s32 $0x5000  }
0x4: {  	s17 =	simm.s32 $0x7D;
	s18 =	simm.s32 $0xA000;
	s30 =	simm.s32 $0x11D00  }
0x5: {  	s31 =	simm.s32 $0x3;
	s28 =	simm.s32 $0x7;
	s1 =	smul.u32 $0x9C00, s11  }
0x6: {  	s29 =	simm.s32 $0xA;
	[smem:$0x7FF] =	sst s3;
	s5 =	smul.u32 $0xA00, s11  }
0x7: {  	s7 =	sand.u32 $0x1, s4;
	s4 =	sadd.s32 $0x2B000, s0;
	s10 =	sadd.s32 $0x6FC00, s0  }
0x8: {  	s19 =	sshll.u32 s11, $0x6;
	s15 =	sadd.s32 $0x9C000, s2;
	_ =	strace $0x80000047  }
0x9: {  	s8 =	ssub.s32 $0x2, s7;
	s20 =	smul.u32 $0x9C400, s7;
	p0 =	seq.s32 s7, $0x1  }
0xa: {  	s7 =	simm.s32 $0x21000;
	s6 =	sshrl.u32 s1, $0x3;
	s5 =	sadd.s32 s5, s0  }
0xb: {  	s9 =	sshrl.u32 s8, $0x1;
	s13 =	sadd.s32 s1, s2;
	s7 =	simm.s32 @!p0 $0x17000  }
0xc: {  	p0 =	sne.s32 s11, $0xF;
	s6 =	sadd.s32 s6, s0;
	s8 =	ssub.s32 s8, s9  }
0xd: {  	s0 =	sadd.s32 $0x6FA00, s0;
	s21 =	sadd.s32 $0x52200, s5;
	s22 =	sadd.s32 s1, s20  }
0xe: {  	s23 =	sshrl.u32 s20, $0x3;
	s26 =	sadd.s32 s7, s5;
	s13 =	sshrl.u32 s13, $0x3  }
0xf: {  	s15 =	sshrl.u32 @!p0 s15, $0x3;
	s20 =	simm.s32 $0xBF40;
	s1 =	simm.s32 $0x6  }
0x10: {  	s5 =	simm.s32 $0x0;
	s6 =	sadd.s32 $0x5C200, s6;
	[dreg:$0x4] =	wrdreg s0  }
0x11: {  	[dreg:$0x5] =	wrdreg s21;
	s0 =	sshrl.u32 s22, $0x3;
	s24 =	sadd.s32 s10, s23  }
0x12: {  	s25 =	smax.u32 s8, $0x1;
	[dreg:$0x9] =	wrdreg s26;
	s22 =	simm.s32 $0xDE80  }
.Ltmp0:
0x13: {  	s23 =	simm.s32 $0x1;
	s26 =	simm.s32 $0x2;
	(pc) =	sbr.rel .LBB2_1-.Ltmp0, $4  }
0x14: {  	s21 =	simm.s32 $0x4;
	[dreg:$0x3] =	wrdreg s6;
	s6 =	sor.u32 $0x1C0B, s19  }
0x15: {  	s0 =	sadd.s32 s10, s0;
	[dreg:$0x8] =	wrdreg s25;
	s25 =	simm.s32 $0xFDC0  }
0x16: {  	s19 =	simm.s32 $0x9;
	[dreg:$0x6] =	wrdreg s0;
	s0 =	sadd.s32 $0x13800, s24  }
0x17: {  	s24 =	simm.s32 $0x8;
	[dreg:$0x7] =	wrdreg s0;
	s0 =	simm.s32 $0x5  }
.LBB2_4:
0x18: {  	_ =	swait.ge [sflag:s19], $0x1F40  }
0x19: {  	[sflag:s19] =	ssyncset.done $0x0  }
0x1a: {  	[sflag:s19] =	ssyncadd.s32 $0xFFFFE0C0  }
0x1b: {  	_ =	swait.ge [sflag:s29], $0x1F40  }
0x1c: {  	[sflag:s29] =	ssyncset.done $0x0  }
0x1d: {  	[sflag:s29] =	ssyncadd.s32 $0xFFFFE0C0  }
0x1e: {  	[bflag:$0x0] =	sbarrier.arrive $0xFFFF  }
0x1f: {  	s7 =	rddreg [dreg:$0x6]  }
0x20: {  	[hbm:s7], [sflag:s6] =	dma.local [spmem:s13], $0x1380  }
0x21: {  	_ =	swait.ge [sflag:s14], $0x1380  }
0x22: {  	[sflag:s14] =	ssyncset.done $0x0  }
0x23: {  	s7 =	rddreg [dreg:$0x7];
	[sflag:s14] =	ssyncadd.s32 $0xFFFFEC80  }
0x24: {  	[hbm:s7], [sflag:s6] =	dma.local @!p0 [spmem:s15], $0x80  }
0x25: {  	s7 =	simm.s32 @!p0 $0xB  }
0x26: {  	_ =	swait.ge @!p0 [sflag:s7], $0x80  }
0x27: {  	s5 =	sadd.s32 $0x1, s5;
	s8 =	rddreg [dreg:$0x8]  }
0x28: {  	p1 =	sne.s32 s5, s8  }
.Ltmp1:
0x29: {  	_ = 	snop;
	(pc) =	sbr.rel @!p1 .LBB2_5-.Ltmp1, $3  }
0x2a: {  	_ =	sdelay $0x1  }
0x2b: {  	[sflag:s7] =	ssyncset.done @!p0 $0x0  }
0x2c: {  	[sflag:s7] =	ssyncadd.s32 @!p0 $0xFFFFFF80  }
.LBB2_1:
0x2d: {  	s7 =	rddreg [dreg:$0x3]  }
0x2e: {  	[spmem:s13], [sflag:s6] =	dma.local [hbm:s7], $0x1380  }
0x2f: {  	_ =	swait.ge [sflag:s14], $0x1380  }
0x30: {  	[sflag:s14] =	ssyncset.done $0x0  }
0x31: {  	s7 =	rddreg [dreg:$0x4];
	[sflag:s14] =	ssyncadd.s32 $0xFFFFEC80  }
0x32: {  	[spmem:s15], [sflag:s6] =	dma.local @!p0 [hbm:s7], $0x80  }
0x33: {  	s7 =	simm.s32 @!p0 $0xB  }
0x34: {  	_ =	swait.ge @!p0 [sflag:s7], $0x80  }
0x35: {  	[sflag:s7] =	ssyncset.done @!p0 $0x0  }
0x36: {  	s10 =	rddreg [dreg:$0x9];
	[sflag:s7] =	ssyncadd.s32 @!p0 $0xFFFFFF80  }
0x37: {  	[tilespmem:s3], [sflag:$0xB] =	stream.linear.gather [hbm4b:s10+s3], $0x5000, $0x38;
	[tilespmem:$0x1D880] =	vst v63  }
0x38: {  	_ =	swait.ge [sflag:s14], $0x5000  }
0x39: {  	[sflag:s14] =	ssyncset.done $0x0  }
0x3a: {  	s11 =	rddreg [dreg:$0x5];
	[sflag:s14] =	ssyncadd.s32 $0xFFFFB000  }
0x3b: {  	[tilespmem:s16], [sflag:$0xB] =	stream.linear.gather [hbm4b:s11+s3], $0x5000, $0x38;
	[tilespmem:$0x1D880] =	vst v63  }
0x3c: {  	_ =	swait.ge [sflag:s14], $0x5000  }
0x3d: {  	[sflag:s14] =	ssyncset.done $0x0  }
0x3e: {  	[sflag:s14] =	ssyncadd.s32 $0xFFFFB000  }
0x3f: {  	[tilespmem:s18], [sflag:$0x1] =	stream.indirect.gather [hbm4b:s4+s17], $0x40, s3, s17, $0xb8;
	[tilespmem:$0x1D880] =	vst v63  }
0x40: {  	s12 =	simm.s32 $0x80  }
0x41: {  	[tilespmem:s20], [sflag:$0x2] =	stream.indirect.gather [hbm4b:s4+s17], $0x40, s12, s17, $0xb8;
	[tilespmem:$0x1D880] =	vst v63  }
0x42: {  	s8 =	simm.s32 $0x100  }
0x43: {  	[tilespmem:s22], [sflag:$0x3] =	stream.indirect.gather [hbm4b:s4+s17], $0x40, s8, s17, $0xb8;
	[tilespmem:$0x1D880] =	vst v63  }
0x44: {  	[bflag:$0x0] =	sbarrier.arrive $0xFFFF  }
0x45: {  	_ =	swait.ge [sflag:s23], $0x1F40  }
0x46: {  	[sflag:s23] =	ssyncset.done $0x0  }
0x47: {  	[sflag:s23] =	ssyncadd.s32 $0xFFFFE0C0  }
0x48: {  	[spmem:s2] =	stream.indirect.scatter.add.f32 [tilespmem:s18], [sflag:$0x6], $0x40, s16, s17, $0xb8;
	[tilespmem:$0x1D880] =	vst v63  }
0x49: {  	s9 =	simm.s32 $0x180  }
0x4a: {  	[tilespmem:s25], [sflag:$0x4] =	stream.indirect.gather [hbm4b:s4+s17], $0x40, s9, s17, $0xb8;
	[tilespmem:$0x1D880] =	vst v63  }
0x4b: {  	_ =	swait.ge [sflag:s26], $0x1F40  }
0x4c: {  	[sflag:s26] =	ssyncset.done $0x0  }
0x4d: {  	s10 =	simm.s32 $0x5080;
	[sflag:s26] =	ssyncadd.s32 $0xFFFFE0C0  }
0x4e: {  	[spmem:s2] =	stream.indirect.scatter.add.f32 [tilespmem:s20], [sflag:$0x7], $0x40, s10, s17, $0xb8;
	[tilespmem:$0x1D880] =	vst v63  }
0x4f: {  	s11 =	simm.s32 $0x200  }
0x50: {  	[tilespmem:s30], [sflag:$0x5] =	stream.indirect.gather [hbm4b:s4+s17], $0x40, s11, s17, $0xb8;
	[tilespmem:$0x1D880] =	vst v63  }
0x51: {  	_ =	swait.ge [sflag:s31], $0x1F40  }
0x52: {  	[sflag:s31] =	ssyncset.done $0x0  }
0x53: {  	s12 =	simm.s32 $0x5100;
	[sflag:s31] =	ssyncadd.s32 $0xFFFFE0C0  }
0x54: {  	[spmem:s2] =	stream.indirect.scatter.add.f32 [tilespmem:s22], [sflag:$0x8], $0x40, s12, s17, $0xb8;
	[tilespmem:$0x1D880] =	vst v63  }
0x55: {  	_ =	swait.ge [sflag:s1], $0x1F40  }
0x56: {  	[sflag:s1] =	ssyncset.done $0x0  }
0x57: {  	s8 =	simm.s32 $0x280;
	[sflag:s1] =	ssyncadd.s32 $0xFFFFE0C0  }
0x58: {  	[tilespmem:s18], [sflag:$0x1] =	stream.indirect.gather [hbm4b:s4+s17], $0x40, s8, s17, $0xb8;
	[tilespmem:$0x1D880] =	vst v63  }
0x59: {  	_ =	swait.ge [sflag:s21], $0x1F40  }
0x5a: {  	[sflag:s21] =	ssyncset.done $0x0  }
0x5b: {  	s9 =	simm.s32 $0x5180;
	[sflag:s21] =	ssyncadd.s32 $0xFFFFE0C0  }
0x5c: {  	[spmem:s2] =	stream.indirect.scatter.add.f32 [tilespmem:s25], [sflag:$0x9], $0x40, s9, s17, $0xb8;
	[tilespmem:$0x1D880] =	vst v63  }
0x5d: {  	_ =	swait.ge [sflag:s28], $0x1F40  }
0x5e: {  	[sflag:s28] =	ssyncset.done $0x0  }
0x5f: {  	s10 =	simm.s32 $0x300;
	[sflag:s28] =	ssyncadd.s32 $0xFFFFE0C0  }
0x60: {  	[tilespmem:s20], [sflag:$0x2] =	stream.indirect.gather [hbm4b:s4+s17], $0x40, s10, s17, $0xb8;
	[tilespmem:$0x1D880] =	vst v63  }
0x61: {  	_ =	swait.ge [sflag:s0], $0x1F40  }
0x62: {  	[sflag:s0] =	ssyncset.done $0x0  }
0x63: {  	s11 =	simm.s32 $0x5200;
	[sflag:s0] =	ssyncadd.s32 $0xFFFFE0C0  }
0x64: {  	[spmem:s2] =	stream.indirect.scatter.add.f32 [tilespmem:s30], [sflag:$0xA], $0x40, s11, s17, $0xb8;
	[tilespmem:$0x1D880] =	vst v63  }
0x65: {  	_ =	swait.ge [sflag:s24], $0x1F40  }
0x66: {  	[sflag:s24] =	ssyncset.done $0x0  }
0x67: {  	s7 =	simm.s32 $0x0;
	s12 =	simm.s32 $0x380;
	[sflag:s24] =	ssyncadd.s32 $0xFFFFE0C0  }
0x68: {  	[tilespmem:s22], [sflag:$0x3] =	stream.indirect.gather [hbm4b:s4+s17], $0x40, s12, s17, $0xb8;
	[tilespmem:$0x1D880] =	vst v63  }
.LBB2_2:
0x69: {  	_ =	swait.ge [sflag:s23], $0x1F40  }
0x6a: {  	s8 =	sshra.s32 s7, $0x2;
	[sflag:s23] =	ssyncset.done $0x0  }
0x6b: {  	s9 =	sadd.s32 $0x5280, s8;
	[sflag:s23] =	ssyncadd.s32 $0xFFFFE0C0  }
0x6c: {  	[spmem:s2] =	stream.indirect.scatter.add.f32 [tilespmem:s18], [sflag:$0x6], $0x40, s9, s17, $0xb8;
	[tilespmem:$0x1D880] =	vst v63  }
0x6d: {  	_ =	swait.ge [sflag:s19], $0x1F40  }
0x6e: {  	[sflag:s19] =	ssyncset.done $0x0  }
0x6f: {  	s11 =	sadd.s32 $0x400, s8;
	[sflag:s19] =	ssyncadd.s32 $0xFFFFE0C0  }
0x70: {  	[tilespmem:s25], [sflag:$0x4] =	stream.indirect.gather [hbm4b:s4+s17], $0x40, s11, s17, $0xb8;
	[tilespmem:$0x1D880] =	vst v63  }
0x71: {  	_ =	swait.ge [sflag:s26], $0x1F40  }
0x72: {  	[sflag:s26] =	ssyncset.done $0x0  }
0x73: {  	s12 =	sadd.s32 $0x5300, s8;
	[sflag:s26] =	ssyncadd.s32 $0xFFFFE0C0  }
0x74: {  	[spmem:s2] =	stream.indirect.scatter.add.f32 [tilespmem:s20], [sflag:$0x7], $0x40, s12, s17, $0xb8;
	[tilespmem:$0x1D880] =	vst v63  }
0x75: {  	_ =	swait.ge [sflag:s29], $0x1F40  }
0x76: {  	[sflag:s29] =	ssyncset.done $0x0  }
0x77: {  	s10 =	sadd.s32 $0x480, s8;
	[sflag:s29] =	ssyncadd.s32 $0xFFFFE0C0  }
0x78: {  	[tilespmem:s30], [sflag:$0x5] =	stream.indirect.gather [hbm4b:s4+s17], $0x40, s10, s17, $0xb8;
	[tilespmem:$0x1D880] =	vst v63  }
0x79: {  	_ =	swait.ge [sflag:s31], $0x1F40  }
0x7a: {  	[sflag:s31] =	ssyncset.done $0x0  }
0x7b: {  	s11 =	sadd.s32 $0x5380, s8;
	[sflag:s31] =	ssyncadd.s32 $0xFFFFE0C0  }
0x7c: {  	[spmem:s2] =	stream.indirect.scatter.add.f32 [tilespmem:s22], [sflag:$0x8], $0x40, s11, s17, $0xb8;
	[tilespmem:$0x1D880] =	vst v63  }
0x7d: {  	_ =	swait.ge [sflag:s1], $0x1F40  }
0x7e: {  	p1 =	seq.s32 s7, $0x12C00;
	[sflag:s1] =	ssyncset.done $0x0  }
0x7f: {  	s9 =	simm.s32 @p1 $0x4;
	[sflag:s1] =	ssyncadd.s32 $0xFFFFE0C0  }
0x80: {  	_ =	swait.ge @p1 [sflag:s9], $0x1F40  }
0x81: {  	[sflag:s9] =	ssyncset.done @p1 $0x0  }
0x82: {  	[sflag:s9] =	ssyncadd.s32 @p1 $0xFFFFE0C0;
	s9 =	sshra.s32 @p1 s7, $0x2  }
0x83: {  	s10 =	simm.s32 @p1 $0x7D;
	s11 =	simm.s32 @p1 $0xFDC0;
	s9 =	sadd.s32 @p1 $0x5400, s9  }
0x84: {  	[spmem:s2] =	stream.indirect.scatter.add.f32 @p1 [tilespmem:s11], [sflag:$0x9], $0x40, s9, s10, $0xb8;
	[tilespmem:$0x1D880] =	vst v63  }
0x85: {  	s9 =	simm.s32 @p1 $0x7  }
0x86: {  	_ =	swait.ge @p1 [sflag:s9], $0x1F40  }
0x87: {  	[sflag:s9] =	ssyncset.done @p1 $0x0  }
0x88: {  	[sflag:s9] =	ssyncadd.s32 @p1 $0xFFFFE0C0;
	s9 =	sshra.s32 @!p1 s7, $0x2  }
0x89: {  	s12 =	simm.s32 @!p1 $0xA000;
	s11 =	simm.s32 @!p1 $0x7D;
	s10 =	sadd.s32 @!p1 $0x500, s9  }
0x8a: {  	[tilespmem:s12], [sflag:$0x1] =	stream.indirect.gather @!p1 [hbm4b:s4+s11], $0x40, s10, s11, $0xb8;
	[tilespmem:$0x1D880] =	vst v63  }
0x8b: {  	s10 =	simm.s32 @!p1 $0x4  }
0x8c: {  	_ =	swait.ge @!p1 [sflag:s10], $0x1F40  }
0x8d: {  	[sflag:s10] =	ssyncset.done @!p1 $0x0  }
0x8e: {  	s12 =	simm.s32 @!p1 $0xFDC0;
	[sflag:s10] =	ssyncadd.s32 @!p1 $0xFFFFE0C0;
	s10 =	sadd.s32 @!p1 $0x5400, s9  }
0x8f: {  	[spmem:s2] =	stream.indirect.scatter.add.f32 @!p1 [tilespmem:s12], [sflag:$0x9], $0x40, s10, s11, $0xb8;
	[tilespmem:$0x1D880] =	vst v63  }
0x90: {  	s10 =	simm.s32 @!p1 $0x7  }
0x91: {  	_ =	swait.ge @!p1 [sflag:s10], $0x1F40  }
0x92: {  	[sflag:s10] =	ssyncset.done @!p1 $0x0  }
0x93: {  	s9 =	sadd.s32 @!p1 $0x580, s9;
	[sflag:s10] =	ssyncadd.s32 @!p1 $0xFFFFE0C0;
	s10 =	simm.s32 @!p1 $0xBF40  }
0x94: {  	[tilespmem:s10], [sflag:$0x2] =	stream.indirect.gather @!p1 [hbm4b:s4+s11], $0x40, s9, s11, $0xb8;
	[tilespmem:$0x1D880] =	vst v63  }
0x95: {  	_ =	swait.ge [sflag:s0], $0x1F40  }
0x96: {  	[sflag:s0] =	ssyncset.done $0x0  }
.Ltmp2:
0x97: {  	s12 =	sadd.s32 $0x5480, s8;
	[sflag:s0] =	ssyncadd.s32 $0xFFFFE0C0;
	(pc) =	sbr.rel @p1 .LBB2_4-.Ltmp2, $4  }
0x98: {  	[spmem:s2] =	stream.indirect.scatter.add.f32 [tilespmem:s30], [sflag:$0xA], $0x40, s12, s17, $0xb8;
	[tilespmem:$0x1D880] =	vst v63  }
0x99: {  	_ =	swait.ge [sflag:s24], $0x1F40  }
0x9a: {  	[sflag:s24] =	ssyncset.done $0x0  }
0x9b: {  	[sflag:s24] =	ssyncadd.s32 $0xFFFFE0C0  }
.Ltmp3:
0x9c: {  	(pc) =	sbr.rel .LBB2_2-.Ltmp3, $3  }
0x9d: {  	_ =	sdelay $0x1  }
0x9e: {  	s8 =	sadd.s32 $0x600, s8;
	s7 =	sadd.s32 $0xA00, s7  }
0x9f: {  	[tilespmem:s22], [sflag:$0x3] =	stream.indirect.gather [hbm4b:s4+s17], $0x40, s8, s17, $0xb8;
	[tilespmem:$0x1D880] =	vst v63  }
.LBB2_5:
0xa0: {  	_ =	sfence.sel $0x180000  }
0xa1: {  	[bflag:$0x0] =	sbarrier.arrive $0xFFFF  }
0xa2: {  	_ =	strace $0x90000047  }
0xa3: {  	s0 =	stileid.u32;
	[bflag:$0x2] =	sbarrier.arrive $0xFFFF  }
0xa4: {  	p0 =	sne.s32 s0, $0x0;
	s0 =	rddreg [dreg:$0x2]  }
0xa5: {  	s0 =	sadd.s32 @!p0 $0x100000, s0  }
0xa6: {  	[sflag:s0] =	ssyncadd.tile.s32 @!p0 $0x1;
	_ =	shalt  }
.Lfunc_end2:
_tile_overlayer_lowered:
.L_overlay_start_2:
0xa7: {  	(tag) =	ssettag $0x2  }
0xa8: {  	s0 =	rddreg [dreg:$0x0];
	s2 =	stileid.u32  }
0xa9: {  	s1 =	rddreg [dreg:$0x1];
	p0 =	sne.s32 s2, $0x0  }
0xaa: {  	s3 =	rddreg [dreg:$0x2];
	[bflag:$0x3] =	sbarrier.arrive $0xFFFF;
	s2 =	simm.s32 @!p0 $0x1C0B  }
0xab: {  	[timem:s3], [sflag:s2] =	dma.local @!p0 [hbm:s0], s1  }
0xac: {  	s0 =	simm.s32 @!p0 $0xB  }
0xad: {  	_ =	swait.ge @!p0 [sflag:s0], s1  }
0xae: {  	s1 =	ssub.s32 @!p0 $0x0, s1;
	[sflag:s0] =	ssyncset.done @!p0 $0x0  }
0xaf: {  	[sflag:s0] =	ssyncadd.s32 @!p0 s1  }
0xb0: {  	[bflag:$0x3] =	sbarrier.arrive $0xFFFF  }
0xb1: {  	_ =	shalt  }

</sc_bundles>
